<compile_context>
chip_gen: v7x
topology: tpu7x:2x2x1
jax: 0.10.2.dev20260603
libtpu: 0.0.44.dev20260713+nightly
codegen_flags: <defaults>
</compile_context>

<pallas_src>
import functools

import jax
import jax.numpy as jnp
from jax import lax
from jax.experimental import pallas as pl
from jax.experimental.pallas import tpu as pltpu
from jax.experimental.pallas import tpu_sc as plsc

NUM_CORES = 2
NUM_SUBCORES = 16
NUM_WORKERS = NUM_CORES * NUM_SUBCORES
LANES = 16
NBUF = 4
UNROLL = 2

CHUNK_OFF = (0, 96)
CHUNK_LEN = (96, 104)
MAXC = 104


def _body(B, L, D, x_hbm, tab_hbm, pos_hbm, out_hbm, idx_all, buf, pos_v,
          gsems, osems, isem, psem):
    cid = lax.axis_index("c")
    sid = lax.axis_index("s")
    wid = sid * NUM_CORES + cid
    seq_per_w = B // NUM_WORKERS
    dreg = D // LANES
    b0 = wid * seq_per_w
    n_units = 2 * seq_per_w

    pltpu.async_copy(x_hbm.at[pl.ds(b0 * L, seq_per_w * L)], idx_all, isem)
    pltpu.async_copy(pos_hbm, pos_v, psem)

    def start_gather(s, parity, slot):
        off = CHUNK_OFF[parity]
        n = CHUNK_LEN[parity]
        pltpu.async_copy(
            tab_hbm.at[idx_all.at[pl.ds(s * L + off, n)]],
            buf.at[slot, pl.ds(0, n)],
            gsems[slot],
        )

    def wait_gather(parity, slot):
        n = CHUNK_LEN[parity]
        pltpu.make_async_copy(
            tab_hbm.at[idx_all.at[pl.ds(0, n)]],
            buf.at[slot, pl.ds(0, n)],
            gsems[slot],
        ).wait()

    def wait_out(parity, slot):
        off = CHUNK_OFF[parity]
        n = CHUNK_LEN[parity]
        pltpu.make_async_copy(
            buf.at[slot, pl.ds(0, n)],
            out_hbm.at[b0, pl.ds(off, n)],
            osems[slot],
        ).wait()

    def step(s, r):
        parity = r % 2
        off = CHUNK_OFF[parity]
        n = CHUNK_LEN[parity]
        nslot = (r + 2) % NBUF

        u = 2 * s + parity

        @pl.when(u + 2 < n_units)
        def _():
            @pl.when(u >= 2)
            def _():
                wait_out(parity, nslot)

            start_gather(s + 1, parity, nslot)

        wait_gather(parity, r)

        @pl.loop(0, n, step=UNROLL)
        def _row(i):
            for q in range(UNROLL):
                for d in range(dreg):
                    sl = pl.ds(d * LANES, LANES)
                    buf[r, i + q, sl] = buf[r, i + q, sl] + pos_v[off + i + q, sl]

        pltpu.async_copy(
            buf.at[r, pl.ds(0, n)],
            out_hbm.at[b0 + s, pl.ds(off, n)],
            osems[r],
        )

    pltpu.make_async_copy(
        x_hbm.at[pl.ds(b0 * L, seq_per_w * L)], idx_all, isem
    ).wait()
    start_gather(0, 0, 0)
    start_gather(0, 1, 1)
    pltpu.make_async_copy(pos_hbm, pos_v, psem).wait()

    @pl.loop(0, seq_per_w, step=2)
    def _s(s0):
        for r in range(NBUF):
            step(s0 + r // 2, r)

    for r in range(NBUF):
        wait_out(r % 2, r)


def kernel(x, token_table, pos_table):
    B, L = x.shape
    V, D = token_table.shape
    x = x.astype(jnp.int32).reshape(B * L)
    mesh = plsc.VectorSubcoreMesh(
        core_axis_name="c", subcore_axis_name="s", num_cores=NUM_CORES,
        num_subcores=NUM_SUBCORES,
    )
    seq_per_w = B // NUM_WORKERS
    body = functools.partial(_body, B, L, D)
    f = pl.kernel(
        body,
        out_type=jax.ShapeDtypeStruct((B, L, D), jnp.float32),
        mesh=mesh,
        scratch_types=[
            pltpu.VMEM((seq_per_w * L,), jnp.int32),
            pltpu.VMEM((NBUF, MAXC, D), jnp.float32),
            pltpu.VMEM((L, D), jnp.float32),
            [pltpu.SemaphoreType.DMA] * NBUF,
            [pltpu.SemaphoreType.DMA] * NBUF,
            pltpu.SemaphoreType.DMA,
            pltpu.SemaphoreType.DMA,
        ],
    )
    return f(x, token_table, pos_table)

# --- scband reference (transcript-rebuilt; emitter-appended) ---
"""Pipeline reference for scband-token-and-position-embedding-19705309954388 (READ-ONLY COPY).

The authoritative reference and input builder live on the scoring server;
editing this copy changes nothing except your own understanding.
"""

import jax, jax.numpy as jnp
import numpy as np

VOCAB = 100000
MAX_LEN = 200
EMBED = 128
BATCH = 1024

def setup_inputs(seed: int = 0) -> dict:
    key = jax.random.key(seed)
    k1, k2, k3 = jax.random.split(key, 3)
    x = jax.random.randint(k1, (BATCH, MAX_LEN), 0, VOCAB, dtype=jnp.int64 if jax.config.jax_enable_x64 else jnp.int32)
    token_table = jax.random.normal(k2, (VOCAB, EMBED), dtype=jnp.float32) * 0.02
    pos_table = jax.random.normal(k3, (MAX_LEN, EMBED), dtype=jnp.float32) * 0.02
    return {"x": x, "token_table": token_table, "pos_table": pos_table}

def reference(x, token_table, pos_table):
    # positions = range(0, seq_len)
    seq_len = x.shape[-1]
    positions = jnp.arange(seq_len)
    pos_emb = jnp.take(pos_table, positions, axis=0)          # [L, D]
    tok_emb = jnp.take(token_table, x, axis=0)                 # [B, L, D]
    return tok_emb + pos_emb[None, :, :]

if __name__ == "__main__":
    import jax
    _d = setup_inputs()
    print(jax.jit(kernel)(*tuple(_d.values())))

</pallas_src>

<mosaic_0001>
#map = affine_map<(d0, d1) -> (0)>
#map1 = affine_map<(d0, d1) -> (0, 0)>
#map2 = affine_map<(d0, d1) -> (0, 0, 0)>
module attributes {stable_mosaic.version = 14 : i64} {
  func.func @_body(%arg0: i32, %arg1: i32, %arg2: memref<204800xi32, #tpu.memory_space<hbm>>, %arg3: memref<100000x128xf32, #tpu.memory_space<hbm>>, %arg4: memref<200x128xf32, #tpu.memory_space<hbm>>, %arg5: memref<1024x200x128xf32, #tpu.memory_space<hbm>>, %arg6: memref<6400xi32, #tpu.memory_space<vmem>>, %arg7: memref<4x104x128xf32, #tpu.memory_space<vmem>>, %arg8: memref<200x128xf32, #tpu.memory_space<vmem>>, %arg9: memref<!tpu.dma_semaphore, #tpu.memory_space<semaphore_mem>>, %arg10: memref<!tpu.dma_semaphore, #tpu.memory_space<semaphore_mem>>, %arg11: memref<!tpu.dma_semaphore, #tpu.memory_space<semaphore_mem>>, %arg12: memref<!tpu.dma_semaphore, #tpu.memory_space<semaphore_mem>>, %arg13: memref<!tpu.dma_semaphore, #tpu.memory_space<semaphore_mem>>, %arg14: memref<!tpu.dma_semaphore, #tpu.memory_space<semaphore_mem>>, %arg15: memref<!tpu.dma_semaphore, #tpu.memory_space<semaphore_mem>>, %arg16: memref<!tpu.dma_semaphore, #tpu.memory_space<semaphore_mem>>, %arg17: memref<!tpu.dma_semaphore, #tpu.memory_space<semaphore_mem>>, %arg18: memref<!tpu.dma_semaphore, #tpu.memory_space<semaphore_mem>>) attributes {dimension_semantics = [#tpu.dimension_semantics<core_parallel>, #tpu.dimension_semantics<subcore_parallel>], iteration_bounds = array<i64: 2, 16>, scalar_prefetch = 0 : i64, scratch_operands = 13 : i64, tpu.core_type = #tpu.core_type<sc_vector_subcore>, window_params = [{transform_indices = #map}, {transform_indices = #map1}, {transform_indices = #map1}, {transform_indices = #map2}]} {
    %mul3A = arith.constant 2 : i32
    %mul3A_0 = arith.muli %arg1, %mul3A : i32
    %add3A = arith.addi %mul3A_0, %arg0 : i32
    %mul3A_1 = arith.constant 32 : i32
    %mul3A_2 = arith.muli %add3A, %mul3A_1 : i32
    %mul3A_3 = arith.constant 200 : i32
    %mul3A_4 = arith.muli %mul3A_2, %mul3A_3 : i32
    %dma_start3A = tpu.memref_slice %arg2[%mul3A_4] : memref<204800xi32, #tpu.memory_space<hbm>> -> memref<6400xi32, #tpu.memory_space<hbm>>
    %dma_start3A_5 = tpu.memref_slice %arg2[%mul3A_4] : memref<204800xi32, #tpu.memory_space<hbm>> -> memref<6400xi32, #tpu.memory_space<hbm>>
    tpu.enqueue_dma source(%dma_start3A_5 : memref<6400xi32, #tpu.memory_space<hbm>>) target(%arg6 : memref<6400xi32, #tpu.memory_space<vmem>>) target_semaphore(%arg17 : memref<!tpu.dma_semaphore, #tpu.memory_space<semaphore_mem>>)
    tpu.enqueue_dma source(%arg4 : memref<200x128xf32, #tpu.memory_space<hbm>>) target(%arg8 : memref<200x128xf32, #tpu.memory_space<vmem>>) target_semaphore(%arg18 : memref<!tpu.dma_semaphore, #tpu.memory_space<semaphore_mem>>)
    %mul3A_6 = arith.constant 200 : i32
    %mul3A_7 = arith.muli %mul3A_2, %mul3A_6 : i32
    %dma_wait3A = tpu.memref_slice %arg2[%mul3A_7] : memref<204800xi32, #tpu.memory_space<hbm>> -> memref<6400xi32, #tpu.memory_space<hbm>>
    %dma_wait3A_8 = tpu.memref_slice %arg2[%mul3A_7] : memref<204800xi32, #tpu.memory_space<hbm>> -> memref<6400xi32, #tpu.memory_space<hbm>>
    tpu.wait_dma2 semaphore(%arg17 : memref<!tpu.dma_semaphore, #tpu.memory_space<semaphore_mem>>) src(%dma_wait3A_8 : memref<6400xi32, #tpu.memory_space<hbm>>) dst(%arg6 : memref<6400xi32, #tpu.memory_space<vmem>>)
    %dma_start3A_9 = arith.constant 0 : i32
    %dma_start3A_10 = arith.constant 0 : i32
    %dma_start3A_11 = arith.constant 0 : i32
    %dma_start3A_12 = tpu.memref_slice %arg7[%dma_start3A_9, %dma_start3A_10, %dma_start3A_11] : memref<4x104x128xf32, #tpu.memory_space<vmem>> -> memref<1x96x128xf32, #tpu.memory_space<vmem>>
    %dma_start3A_13 = tpu.memref_squeeze %dma_start3A_12 : memref<1x96x128xf32, #tpu.memory_space<vmem>> -> memref<96x128xf32, #tpu.memory_space<vmem>>
    %dma_start3A_14 = arith.constant 0 : i32
    %dma_start3A_15 = tpu.memref_slice %arg6[%dma_start3A_14] : memref<6400xi32, #tpu.memory_space<vmem>> -> memref<96xi32, #tpu.memory_space<vmem>>
    %dma_start3A_16 = arith.constant 0 : i32
    %dma_start3A_17 = arith.constant 0 : i32
    %dma_start3A_18 = tpu.memref_slice %arg3[%dma_start3A_16, %dma_start3A_17] : memref<100000x128xf32, #tpu.memory_space<hbm>> -> memref<100000x128xf32, #tpu.memory_space<hbm>>
    tpu.enqueue_indirect_dma source(%dma_start3A_18 : memref<100000x128xf32, #tpu.memory_space<hbm>>) target(%dma_start3A_13 : memref<96x128xf32, #tpu.memory_space<vmem>>) offsets(%dma_start3A_15 : memref<96xi32, #tpu.memory_space<vmem>>) semaphore(%arg9 : memref<!tpu.dma_semaphore, #tpu.memory_space<semaphore_mem>>)
    %dma_start3A_19 = arith.constant 1 : i32
    %dma_start3A_20 = arith.constant 0 : i32
    %dma_start3A_21 = arith.constant 0 : i32
    %dma_start3A_22 = tpu.memref_slice %arg7[%dma_start3A_19, %dma_start3A_20, %dma_start3A_21] : memref<4x104x128xf32, #tpu.memory_space<vmem>> -> memref<1x104x128xf32, #tpu.memory_space<vmem>>
    %dma_start3A_23 = tpu.memref_squeeze %dma_start3A_22 : memref<1x104x128xf32, #tpu.memory_space<vmem>> -> memref<104x128xf32, #tpu.memory_space<vmem>>
    %dma_start3A_24 = arith.constant 96 : i32
    %dma_start3A_25 = tpu.memref_slice %arg6[%dma_start3A_24] : memref<6400xi32, #tpu.memory_space<vmem>> -> memref<104xi32, #tpu.memory_space<vmem>>
    %dma_start3A_26 = arith.constant 0 : i32
    %dma_start3A_27 = arith.constant 0 : i32
    %dma_start3A_28 = tpu.memref_slice %arg3[%dma_start3A_26, %dma_start3A_27] : memref<100000x128xf32, #tpu.memory_space<hbm>> -> memref<100000x128xf32, #tpu.memory_space<hbm>>
    tpu.enqueue_indirect_dma source(%dma_start3A_28 : memref<100000x128xf32, #tpu.memory_space<hbm>>) target(%dma_start3A_23 : memref<104x128xf32, #tpu.memory_space<vmem>>) offsets(%dma_start3A_25 : memref<104xi32, #tpu.memory_space<vmem>>) semaphore(%arg10 : memref<!tpu.dma_semaphore, #tpu.memory_space<semaphore_mem>>)
    tpu.wait_dma2 semaphore(%arg18 : memref<!tpu.dma_semaphore, #tpu.memory_space<semaphore_mem>>) src(%arg4 : memref<200x128xf32, #tpu.memory_space<hbm>>) dst(%arg8 : memref<200x128xf32, #tpu.memory_space<vmem>>)
    %scan3A = arith.constant 0 : i32
    %scan3A_29 = arith.constant 16 : i32
    %scan3A_30 = arith.addi %scan3A, %scan3A_29 : i32
    %scan3A_31 = arith.constant 1 : i32
    scf.for %scan3A_101 = %scan3A to %scan3A_30 step %scan3A_31  : i32 {
      %mul3A_102 = arith.constant 2 : i32
      %mul3A_103 = arith.muli %scan3A_101, %mul3A_102 : i32
      %add3A_104 = arith.constant 0 : i32
      %add3A_105 = arith.addi %add3A_104, %mul3A_103 : i32
      %add3A_106 = arith.constant 0 : i32
      %add3A_107 = arith.addi %add3A_105, %add3A_106 : i32
      %mul3A_108 = arith.constant 2 : i32
      %mul3A_109 = arith.muli %mul3A_108, %add3A_107 : i32
      %add3A_110 = arith.constant 0 : i32
      %add3A_111 = arith.addi %mul3A_109, %add3A_110 : i32
      %add3A_112 = arith.constant 2 : i32
      %add3A_113 = arith.addi %add3A_111, %add3A_112 : i32
      %lt3A = arith.constant 64 : i32
      %lt3A_114 = arith.cmpi slt, %add3A_113, %lt3A : i32
      %convert_element_type3A = arith.extui %lt3A_114 : i1 to i32
      %cond3A = arith.constant 0 : i32
      %cond3A_115 = arith.cmpi ne, %convert_element_type3A, %cond3A : i32
      scf.if %cond3A_115 {
        %ge3A = arith.constant 2 : i32
        %ge3A_287 = arith.cmpi sge, %add3A_111, %ge3A : i32
        %convert_element_type3A_288 = arith.extui %ge3A_287 : i1 to i32
        %cond3A_289 = arith.constant 0 : i32
        %cond3A_290 = arith.cmpi ne, %convert_element_type3A_288, %cond3A_289 : i32
        scf.if %cond3A_290 {
          %dma_wait3A_306 = arith.constant 2 : i32
          %dma_wait3A_307 = arith.constant 0 : i32
          %dma_wait3A_308 = arith.constant 0 : i32
          %dma_wait3A_309 = tpu.memref_slice %arg7[%dma_wait3A_306, %dma_wait3A_307, %dma_wait3A_308] : memref<4x104x128xf32, #tpu.memory_space<vmem>> -> memref<1x96x128xf32, #tpu.memory_space<vmem>>
          %dma_wait3A_310 = tpu.memref_squeeze %dma_wait3A_309 : memref<1x96x128xf32, #tpu.memory_space<vmem>> -> memref<96x128xf32, #tpu.memory_space<vmem>>
          %dma_wait3A_311 = arith.constant 0 : i32
          %dma_wait3A_312 = arith.constant 0 : i32
          %dma_wait3A_313 = tpu.memref_slice %arg5[%mul3A_2, %dma_wait3A_311, %dma_wait3A_312] : memref<1024x200x128xf32, #tpu.memory_space<hbm>> -> memref<1x96x128xf32, #tpu.memory_space<hbm>>
          %dma_wait3A_314 = tpu.memref_squeeze %dma_wait3A_313 : memref<1x96x128xf32, #tpu.memory_space<hbm>> -> memref<96x128xf32, #tpu.memory_space<hbm>>
          %dma_wait3A_315 = arith.constant 0 : i32
          %dma_wait3A_316 = arith.constant 0 : i32
          %dma_wait3A_317 = tpu.memref_slice %arg5[%mul3A_2, %dma_wait3A_315, %dma_wait3A_316] : memref<1024x200x128xf32, #tpu.memory_space<hbm>> -> memref<1x96x128xf32, #tpu.memory_space<hbm>>
          %dma_wait3A_318 = tpu.memref_squeeze %dma_wait3A_317 : memref<1x96x128xf32, #tpu.memory_space<hbm>> -> memref<96x128xf32, #tpu.memory_space<hbm>>
          %dma_wait3A_319 = arith.constant 0 : i32
          %dma_wait3A_320 = arith.constant 0 : i32
          %dma_wait3A_321 = tpu.memref_slice %arg7[%dma_wait3A_306, %dma_wait3A_319, %dma_wait3A_320] : memref<4x104x128xf32, #tpu.memory_space<vmem>> -> memref<1x96x128xf32, #tpu.memory_space<vmem>>
          %dma_wait3A_322 = tpu.memref_squeeze %dma_wait3A_321 : memref<1x96x128xf32, #tpu.memory_space<vmem>> -> memref<96x128xf32, #tpu.memory_space<vmem>>
          tpu.wait_dma2 semaphore(%arg15 : memref<!tpu.dma_semaphore, #tpu.memory_space<semaphore_mem>>) src(%dma_wait3A_322 : memref<96x128xf32, #tpu.memory_space<vmem>>) dst(%dma_wait3A_318 : memref<96x128xf32, #tpu.memory_space<hbm>>)
        } else {
        }
        %add3A_291 = arith.constant 1 : i32
        %add3A_292 = arith.addi %add3A_107, %add3A_291 : i32
        %mul3A_293 = arith.constant 200 : i32
        %mul3A_294 = arith.muli %add3A_292, %mul3A_293 : i32
        %add3A_295 = arith.constant 0 : i32
        %add3A_296 = arith.addi %mul3A_294, %add3A_295 : i32
        %dma_start3A_297 = arith.constant 2 : i32
        %dma_start3A_298 = arith.constant 0 : i32
        %dma_start3A_299 = arith.constant 0 : i32
        %dma_start3A_300 = tpu.memref_slice %arg7[%dma_start3A_297, %dma_start3A_298, %dma_start3A_299] : memref<4x104x128xf32, #tpu.memory_space<vmem>> -> memref<1x96x128xf32, #tpu.memory_space<vmem>>
        %dma_start3A_301 = tpu.memref_squeeze %dma_start3A_300 : memref<1x96x128xf32, #tpu.memory_space<vmem>> -> memref<96x128xf32, #tpu.memory_space<vmem>>
        %dma_start3A_302 = tpu.memref_slice %arg6[%add3A_296] : memref<6400xi32, #tpu.memory_space<vmem>> -> memref<96xi32, #tpu.memory_space<vmem>>
        %dma_start3A_303 = arith.constant 0 : i32
        %dma_start3A_304 = arith.constant 0 : i32
        %dma_start3A_305 = tpu.memref_slice %arg3[%dma_start3A_303, %dma_start3A_304] : memref<100000x128xf32, #tpu.memory_space<hbm>> -> memref<100000x128xf32, #tpu.memory_space<hbm>>
        tpu.enqueue_indirect_dma source(%dma_start3A_305 : memref<100000x128xf32, #tpu.memory_space<hbm>>) target(%dma_start3A_301 : memref<96x128xf32, #tpu.memory_space<vmem>>) offsets(%dma_start3A_302 : memref<96xi32, #tpu.memory_space<vmem>>) semaphore(%arg11 : memref<!tpu.dma_semaphore, #tpu.memory_space<semaphore_mem>>)
      } else {
      }
      %dma_wait3A_116 = arith.constant 0 : i32
      %dma_wait3A_117 = arith.constant 0 : i32
      %dma_wait3A_118 = arith.constant 0 : i32
      %dma_wait3A_119 = tpu.memref_slice %arg7[%dma_wait3A_116, %dma_wait3A_117, %dma_wait3A_118] : memref<4x104x128xf32, #tpu.memory_space<vmem>> -> memref<1x96x128xf32, #tpu.memory_space<vmem>>
      %dma_wait3A_120 = tpu.memref_squeeze %dma_wait3A_119 : memref<1x96x128xf32, #tpu.memory_space<vmem>> -> memref<96x128xf32, #tpu.memory_space<vmem>>
      %dma_wait3A_121 = arith.constant 0 : i32
      %dma_wait3A_122 = tpu.memref_slice %arg6[%dma_wait3A_121] : memref<6400xi32, #tpu.memory_space<vmem>> -> memref<96xi32, #tpu.memory_space<vmem>>
      %dma_wait3A_123 = arith.constant 0 : i32
      %dma_wait3A_124 = arith.constant 0 : i32
      %dma_wait3A_125 = tpu.memref_slice %arg3[%dma_wait3A_123, %dma_wait3A_124] : memref<100000x128xf32, #tpu.memory_space<hbm>> -> memref<100000x128xf32, #tpu.memory_space<hbm>>
      tpu.wait_indirect_dma semaphore(%arg9 : memref<!tpu.dma_semaphore, #tpu.memory_space<semaphore_mem>>) src(%dma_wait3A_125 : memref<100000x128xf32, #tpu.memory_space<hbm>>) dst(%dma_wait3A_120 : memref<96x128xf32, #tpu.memory_space<vmem>>)
      %scan3A_126 = arith.constant 0 : i32
      %scan3A_127 = arith.constant 48 : i32
      %scan3A_128 = arith.addi %scan3A_126, %scan3A_127 : i32
      %scan3A_129 = arith.constant 1 : i32
      scf.for %scan3A_287 = %scan3A_126 to %scan3A_128 step %scan3A_129  : i32 {
        %mul3A_288 = arith.constant 2 : i32
        %mul3A_289 = arith.muli %scan3A_287, %mul3A_288 : i32
        %add3A_290 = arith.constant 0 : i32
        %add3A_291 = arith.addi %add3A_290, %mul3A_289 : i32
        %add3A_292 = arith.constant 0 : i32
        %add3A_293 = arith.addi %add3A_291, %add3A_292 : i32
        %get3A = arith.constant 0 : i32
        %get3A_294 = arith.index_cast %get3A : i32 to index
        %get3A_295 = arith.index_cast %add3A_293 : i32 to index
        %get3A_296 = arith.constant 0 : index
        %get3A_297 = tpu.vector_load %arg7[%get3A_294, %get3A_295, %get3A_296] {strides = array<i32>} : memref<4x104x128xf32, #tpu.memory_space<vmem>>, vector<1x1x16xf32>,
        %get3A_298 = vector.shape_cast %get3A_297 : vector<1x1x16xf32> to vector<16xf32>
        %add3A_299 = arith.constant 0 : i32
        %add3A_300 = arith.addi %add3A_299, %add3A_291 : i32
        %add3A_301 = arith.constant 0 : i32
        %add3A_302 = arith.addi %add3A_300, %add3A_301 : i32
        %get3A_303 = arith.index_cast %add3A_302 : i32 to index
        %get3A_304 = arith.constant 0 : index
        %get3A_305 = tpu.vector_load %arg8[%get3A_303, %get3A_304] {strides = array<i32>} : memref<200x128xf32, #tpu.memory_space<vmem>>, vector<1x16xf32>,
        %get3A_306 = vector.shape_cast %get3A_305 : vector<1x16xf32> to vector<16xf32>
        %add3A_307 = arith.addf %get3A_298, %get3A_306 : vector<16xf32>
        %add3A_308 = arith.constant 0 : i32
        %add3A_309 = arith.addi %add3A_291, %add3A_308 : i32
        %swap3A = arith.constant 0 : i32
        %swap3A_310 = arith.index_cast %swap3A : i32 to index
        %swap3A_311 = arith.index_cast %add3A_309 : i32 to index
        %swap3A_312 = arith.constant 0 : index
        %swap3A_313 = tpu.vector_load %arg7[%swap3A_310, %swap3A_311, %swap3A_312] {strides = array<i32>} : memref<4x104x128xf32, #tpu.memory_space<vmem>>, vector<1x1x16xf32>,
        %swap3A_314 = vector.shape_cast %swap3A_313 : vector<1x1x16xf32> to vector<16xf32>
        %swap3A_315 = vector.shape_cast %add3A_307 : vector<16xf32> to vector<1x1x16xf32>
        tpu.vector_store %arg7[%swap3A_310, %swap3A_311, %swap3A_312], %swap3A_315 {strides = array<i32>} : memref<4x104x128xf32, #tpu.memory_space<vmem>>, vector<1x1x16xf32>,
        %add3A_316 = arith.constant 0 : i32
        %add3A_317 = arith.addi %add3A_291, %add3A_316 : i32
        %get3A_318 = arith.constant 0 : i32
        %get3A_319 = arith.index_cast %get3A_318 : i32 to index
        %get3A_320 = arith.index_cast %add3A_317 : i32 to index
        %get3A_321 = arith.constant 16 : index
        %get3A_322 = tpu.vector_load %arg7[%get3A_319, %get3A_320, %get3A_321] {strides = array<i32>} : memref<4x104x128xf32, #tpu.memory_space<vmem>>, vector<1x1x16xf32>,
        %get3A_323 = vector.shape_cast %get3A_322 : vector<1x1x16xf32> to vector<16xf32>
        %add3A_324 = arith.constant 0 : i32
        %add3A_325 = arith.addi %add3A_324, %add3A_291 : i32
        %add3A_326 = arith.constant 0 : i32
        %add3A_327 = arith.addi %add3A_325, %add3A_326 : i32
        %get3A_328 = arith.index_cast %add3A_327 : i32 to index
        %get3A_329 = arith.constant 16 : index
        %get3A_330 = tpu.vector_load %arg8[%get3A_328, %get3A_329] {strides = array<i32>} : memref<200x128xf32, #tpu.memory_space<vmem>>, vector<1x16xf32>,
        %get3A_331 = vector.shape_cast %get3A_330 : vector<1x16xf32> to vector<16xf32>
        %add3A_332 = arith.addf %get3A_323, %get3A_331 : vector<16xf32>
        %add3A_333 = arith.constant 0 : i32
        %add3A_334 = arith.addi %add3A_291, %add3A_333 : i32
        %swap3A_335 = arith.constant 0 : i32
        %swap3A_336 = arith.index_cast %swap3A_335 : i32 to index
        %swap3A_337 = arith.index_cast %add3A_334 : i32 to index
        %swap3A_338 = arith.constant 16 : index
        %swap3A_339 = tpu.vector_load %arg7[%swap3A_336, %swap3A_337, %swap3A_338] {strides = array<i32>} : memref<4x104x128xf32, #tpu.memory_space<vmem>>, vector<1x1x16xf32>,
        %swap3A_340 = vector.shape_cast %swap3A_339 : vector<1x1x16xf32> to vector<16xf32>
        %swap3A_341 = vector.shape_cast %add3A_332 : vector<16xf32> to vector<1x1x16xf32>
        tpu.vector_store %arg7[%swap3A_336, %swap3A_337, %swap3A_338], %swap3A_341 {strides = array<i32>} : memref<4x104x128xf32, #tpu.memory_space<vmem>>, vector<1x1x16xf32>,
        %add3A_342 = arith.constant 0 : i32
        %add3A_343 = arith.addi %add3A_291, %add3A_342 : i32
        %get3A_344 = arith.constant 0 : i32
        %get3A_345 = arith.index_cast %get3A_344 : i32 to index
        %get3A_346 = arith.index_cast %add3A_343 : i32 to index
        %get3A_347 = arith.constant 32 : index
        %get3A_348 = tpu.vector_load %arg7[%get3A_345, %get3A_346, %get3A_347] {strides = array<i32>} : memref<4x104x128xf32, #tpu.memory_space<vmem>>, vector<1x1x16xf32>,
        %get3A_349 = vector.shape_cast %get3A_348 : vector<1x1x16xf32> to vector<16xf32>
        %add3A_350 = arith.constant 0 : i32
        %add3A_351 = arith.addi %add3A_350, %add3A_291 : i32
        %add3A_352 = arith.constant 0 : i32
        %add3A_353 = arith.addi %add3A_351, %add3A_352 : i32
        %get3A_354 = arith.index_cast %add3A_353 : i32 to index
        %get3A_355 = arith.constant 32 : index
        %get3A_356 = tpu.vector_load %arg8[%get3A_354, %get3A_355] {strides = array<i32>} : memref<200x128xf32, #tpu.memory_space<vmem>>, vector<1x16xf32>,
        %get3A_357 = vector.shape_cast %get3A_356 : vector<1x16xf32> to vector<16xf32>
        %add3A_358 = arith.addf %get3A_349, %get3A_357 : vector<16xf32>
        %add3A_359 = arith.constant 0 : i32
        %add3A_360 = arith.addi %add3A_291, %add3A_359 : i32
        %swap3A_361 = arith.constant 0 : i32
        %swap3A_362 = arith.index_cast %swap3A_361 : i32 to index
        %swap3A_363 = arith.index_cast %add3A_360 : i32 to index
        %swap3A_364 = arith.constant 32 : index
        %swap3A_365 = tpu.vector_load %arg7[%swap3A_362, %swap3A_363, %swap3A_364] {strides = array<i32>} : memref<4x104x128xf32, #tpu.memory_space<vmem>>, vector<1x1x16xf32>,
        %swap3A_366 = vector.shape_cast %swap3A_365 : vector<1x1x16xf32> to vector<16xf32>
        %swap3A_367 = vector.shape_cast %add3A_358 : vector<16xf32> to vector<1x1x16xf32>
        tpu.vector_store %arg7[%swap3A_362, %swap3A_363, %swap3A_364], %swap3A_367 {strides = array<i32>} : memref<4x104x128xf32, #tpu.memory_space<vmem>>, vector<1x1x16xf32>,
        %add3A_368 = arith.constant 0 : i32
        %add3A_369 = arith.addi %add3A_291, %add3A_368 : i32
        %get3A_370 = arith.constant 0 : i32
        %get3A_371 = arith.index_cast %get3A_370 : i32 to index
        %get3A_372 = arith.index_cast %add3A_369 : i32 to index
        %get3A_373 = arith.constant 48 : index
        %get3A_374 = tpu.vector_load %arg7[%get3A_371, %get3A_372, %get3A_373] {strides = array<i32>} : memref<4x104x128xf32, #tpu.memory_space<vmem>>, vector<1x1x16xf32>,
        %get3A_375 = vector.shape_cast %get3A_374 : vector<1x1x16xf32> to vector<16xf32>
        %add3A_376 = arith.constant 0 : i32
        %add3A_377 = arith.addi %add3A_376, %add3A_291 : i32
        %add3A_378 = arith.constant 0 : i32
        %add3A_379 = arith.addi %add3A_377, %add3A_378 : i32
        %get3A_380 = arith.index_cast %add3A_379 : i32 to index
        %get3A_381 = arith.constant 48 : index
        %get3A_382 = tpu.vector_load %arg8[%get3A_380, %get3A_381] {strides = array<i32>} : memref<200x128xf32, #tpu.memory_space<vmem>>, vector<1x16xf32>,
        %get3A_383 = vector.shape_cast %get3A_382 : vector<1x16xf32> to vector<16xf32>
        %add3A_384 = arith.addf %get3A_375, %get3A_383 : vector<16xf32>
        %add3A_385 = arith.constant 0 : i32
        %add3A_386 = arith.addi %add3A_291, %add3A_385 : i32
        %swap3A_387 = arith.constant 0 : i32
        %swap3A_388 = arith.index_cast %swap3A_387 : i32 to index
        %swap3A_389 = arith.index_cast %add3A_386 : i32 to index
        %swap3A_390 = arith.constant 48 : index
        %swap3A_391 = tpu.vector_load %arg7[%swap3A_388, %swap3A_389, %swap3A_390] {strides = array<i32>} : memref<4x104x128xf32, #tpu.memory_space<vmem>>, vector<1x1x16xf32>,
        %swap3A_392 = vector.shape_cast %swap3A_391 : vector<1x1x16xf32> to vector<16xf32>
        %swap3A_393 = vector.shape_cast %add3A_384 : vector<16xf32> to vector<1x1x16xf32>
        tpu.vector_store %arg7[%swap3A_388, %swap3A_389, %swap3A_390], %swap3A_393 {strides = array<i32>} : memref<4x104x128xf32, #tpu.memory_space<vmem>>, vector<1x1x16xf32>,
        %add3A_394 = arith.constant 0 : i32
        %add3A_395 = arith.addi %add3A_291, %add3A_394 : i32
        %get3A_396 = arith.constant 0 : i32
        %get3A_397 = arith.index_cast %get3A_396 : i32 to index
        %get3A_398 = arith.index_cast %add3A_395 : i32 to index
        %get3A_399 = arith.constant 64 : index
        %get3A_400 = tpu.vector_load %arg7[%get3A_397, %get3A_398, %get3A_399] {strides = array<i32>} : memref<4x104x128xf32, #tpu.memory_space<vmem>>, vector<1x1x16xf32>,
        %get3A_401 = vector.shape_cast %get3A_400 : vector<1x1x16xf32> to vector<16xf32>
        %add3A_402 = arith.constant 0 : i32
        %add3A_403 = arith.addi %add3A_402, %add3A_291 : i32
        %add3A_404 = arith.constant 0 : i32
        %add3A_405 = arith.addi %add3A_403, %add3A_404 : i32
        %get3A_406 = arith.index_cast %add3A_405 : i32 to index
        %get3A_407 = arith.constant 64 : index
        %get3A_408 = tpu.vector_load %arg8[%get3A_406, %get3A_407] {strides = array<i32>} : memref<200x128xf32, #tpu.memory_space<vmem>>, vector<1x16xf32>,
        %get3A_409 = vector.shape_cast %get3A_408 : vector<1x16xf32> to vector<16xf32>
        %add3A_410 = arith.addf %get3A_401, %get3A_409 : vector<16xf32>
        %add3A_411 = arith.constant 0 : i32
        %add3A_412 = arith.addi %add3A_291, %add3A_411 : i32
        %swap3A_413 = arith.constant 0 : i32
        %swap3A_414 = arith.index_cast %swap3A_413 : i32 to index
        %swap3A_415 = arith.index_cast %add3A_412 : i32 to index
        %swap3A_416 = arith.constant 64 : index
        %swap3A_417 = tpu.vector_load %arg7[%swap3A_414, %swap3A_415, %swap3A_416] {strides = array<i32>} : memref<4x104x128xf32, #tpu.memory_space<vmem>>, vector<1x1x16xf32>,
        %swap3A_418 = vector.shape_cast %swap3A_417 : vector<1x1x16xf32> to vector<16xf32>
        %swap3A_419 = vector.shape_cast %add3A_410 : vector<16xf32> to vector<1x1x16xf32>
        tpu.vector_store %arg7[%swap3A_414, %swap3A_415, %swap3A_416], %swap3A_419 {strides = array<i32>} : memref<4x104x128xf32, #tpu.memory_space<vmem>>, vector<1x1x16xf32>,
        %add3A_420 = arith.constant 0 : i32
        %add3A_421 = arith.addi %add3A_291, %add3A_420 : i32
        %get3A_422 = arith.constant 0 : i32
        %get3A_423 = arith.index_cast %get3A_422 : i32 to index
        %get3A_424 = arith.index_cast %add3A_421 : i32 to index
        %get3A_425 = arith.constant 80 : index
        %get3A_426 = tpu.vector_load %arg7[%get3A_423, %get3A_424, %get3A_425] {strides = array<i32>} : memref<4x104x128xf32, #tpu.memory_space<vmem>>, vector<1x1x16xf32>,
        %get3A_427 = vector.shape_cast %get3A_426 : vector<1x1x16xf32> to vector<16xf32>
        %add3A_428 = arith.constant 0 : i32
        %add3A_429 = arith.addi %add3A_428, %add3A_291 : i32
        %add3A_430 = arith.constant 0 : i32
        %add3A_431 = arith.addi %add3A_429, %add3A_430 : i32
        %get3A_432 = arith.index_cast %add3A_431 : i32 to index
        %get3A_433 = arith.constant 80 : index
        %get3A_434 = tpu.vector_load %arg8[%get3A_432, %get3A_433] {strides = array<i32>} : memref<200x128xf32, #tpu.memory_space<vmem>>, vector<1x16xf32>,
        %get3A_435 = vector.shape_cast %get3A_434 : vector<1x16xf32> to vector<16xf32>
        %add3A_436 = arith.addf %get3A_427, %get3A_435 : vector<16xf32>
        %add3A_437 = arith.constant 0 : i32
        %add3A_438 = arith.addi %add3A_291, %add3A_437 : i32
        %swap3A_439 = arith.constant 0 : i32
        %swap3A_440 = arith.index_cast %swap3A_439 : i32 to index
        %swap3A_441 = arith.index_cast %add3A_438 : i32 to index
        %swap3A_442 = arith.constant 80 : index
        %swap3A_443 = tpu.vector_load %arg7[%swap3A_440, %swap3A_441, %swap3A_442] {strides = array<i32>} : memref<4x104x128xf32, #tpu.memory_space<vmem>>, vector<1x1x16xf32>,
        %swap3A_444 = vector.shape_cast %swap3A_443 : vector<1x1x16xf32> to vector<16xf32>
        %swap3A_445 = vector.shape_cast %add3A_436 : vector<16xf32> to vector<1x1x16xf32>
        tpu.vector_store %arg7[%swap3A_440, %swap3A_441, %swap3A_442], %swap3A_445 {strides = array<i32>} : memref<4x104x128xf32, #tpu.memory_space<vmem>>, vector<1x1x16xf32>,
        %add3A_446 = arith.constant 0 : i32
        %add3A_447 = arith.addi %add3A_291, %add3A_446 : i32
        %get3A_448 = arith.constant 0 : i32
        %get3A_449 = arith.index_cast %get3A_448 : i32 to index
        %get3A_450 = arith.index_cast %add3A_447 : i32 to index
        %get3A_451 = arith.constant 96 : index
        %get3A_452 = tpu.vector_load %arg7[%get3A_449, %get3A_450, %get3A_451] {strides = array<i32>} : memref<4x104x128xf32, #tpu.memory_space<vmem>>, vector<1x1x16xf32>,
        %get3A_453 = vector.shape_cast %get3A_452 : vector<1x1x16xf32> to vector<16xf32>
        %add3A_454 = arith.constant 0 : i32
        %add3A_455 = arith.addi %add3A_454, %add3A_291 : i32
        %add3A_456 = arith.constant 0 : i32
        %add3A_457 = arith.addi %add3A_455, %add3A_456 : i32
        %get3A_458 = arith.index_cast %add3A_457 : i32 to index
        %get3A_459 = arith.constant 96 : index
        %get3A_460 = tpu.vector_load %arg8[%get3A_458, %get3A_459] {strides = array<i32>} : memref<200x128xf32, #tpu.memory_space<vmem>>, vector<1x16xf32>,
        %get3A_461 = vector.shape_cast %get3A_460 : vector<1x16xf32> to vector<16xf32>
        %add3A_462 = arith.addf %get3A_453, %get3A_461 : vector<16xf32>
        %add3A_463 = arith.constant 0 : i32
        %add3A_464 = arith.addi %add3A_291, %add3A_463 : i32
        %swap3A_465 = arith.constant 0 : i32
        %swap3A_466 = arith.index_cast %swap3A_465 : i32 to index
        %swap3A_467 = arith.index_cast %add3A_464 : i32 to index
        %swap3A_468 = arith.constant 96 : index
        %swap3A_469 = tpu.vector_load %arg7[%swap3A_466, %swap3A_467, %swap3A_468] {strides = array<i32>} : memref<4x104x128xf32, #tpu.memory_space<vmem>>, vector<1x1x16xf32>,
        %swap3A_470 = vector.shape_cast %swap3A_469 : vector<1x1x16xf32> to vector<16xf32>
        %swap3A_471 = vector.shape_cast %add3A_462 : vector<16xf32> to vector<1x1x16xf32>
        tpu.vector_store %arg7[%swap3A_466, %swap3A_467, %swap3A_468], %swap3A_471 {strides = array<i32>} : memref<4x104x128xf32, #tpu.memory_space<vmem>>, vector<1x1x16xf32>,
        %add3A_472 = arith.constant 0 : i32
        %add3A_473 = arith.addi %add3A_291, %add3A_472 : i32
        %get3A_474 = arith.constant 0 : i32
        %get3A_475 = arith.index_cast %get3A_474 : i32 to index
        %get3A_476 = arith.index_cast %add3A_473 : i32 to index
        %get3A_477 = arith.constant 112 : index
        %get3A_478 = tpu.vector_load %arg7[%get3A_475, %get3A_476, %get3A_477] {strides = array<i32>} : memref<4x104x128xf32, #tpu.memory_space<vmem>>, vector<1x1x16xf32>,
        %get3A_479 = vector.shape_cast %get3A_478 : vector<1x1x16xf32> to vector<16xf32>
        %add3A_480 = arith.constant 0 : i32
        %add3A_481 = arith.addi %add3A_480, %add3A_291 : i32
        %add3A_482 = arith.constant 0 : i32
        %add3A_483 = arith.addi %add3A_481, %add3A_482 : i32
        %get3A_484 = arith.index_cast %add3A_483 : i32 to index
        %get3A_485 = arith.constant 112 : index
        %get3A_486 = tpu.vector_load %arg8[%get3A_484, %get3A_485] {strides = array<i32>} : memref<200x128xf32, #tpu.memory_space<vmem>>, vector<1x16xf32>,
        %get3A_487 = vector.shape_cast %get3A_486 : vector<1x16xf32> to vector<16xf32>
        %add3A_488 = arith.addf %get3A_479, %get3A_487 : vector<16xf32>
        %add3A_489 = arith.constant 0 : i32
        %add3A_490 = arith.addi %add3A_291, %add3A_489 : i32
        %swap3A_491 = arith.constant 0 : i32
        %swap3A_492 = arith.index_cast %swap3A_491 : i32 to index
        %swap3A_493 = arith.index_cast %add3A_490 : i32 to index
        %swap3A_494 = arith.constant 112 : index
        %swap3A_495 = tpu.vector_load %arg7[%swap3A_492, %swap3A_493, %swap3A_494] {strides = array<i32>} : memref<4x104x128xf32, #tpu.memory_space<vmem>>, vector<1x1x16xf32>,
        %swap3A_496 = vector.shape_cast %swap3A_495 : vector<1x1x16xf32> to vector<16xf32>
        %swap3A_497 = vector.shape_cast %add3A_488 : vector<16xf32> to vector<1x1x16xf32>
        tpu.vector_store %arg7[%swap3A_492, %swap3A_493, %swap3A_494], %swap3A_497 {strides = array<i32>} : memref<4x104x128xf32, #tpu.memory_space<vmem>>, vector<1x1x16xf32>,
        %add3A_498 = arith.constant 1 : i32
        %add3A_499 = arith.addi %add3A_291, %add3A_498 : i32
        %get3A_500 = arith.constant 0 : i32
        %get3A_501 = arith.index_cast %get3A_500 : i32 to index
        %get3A_502 = arith.index_cast %add3A_499 : i32 to index
        %get3A_503 = arith.constant 0 : index
        %get3A_504 = tpu.vector_load %arg7[%get3A_501, %get3A_502, %get3A_503] {strides = array<i32>} : memref<4x104x128xf32, #tpu.memory_space<vmem>>, vector<1x1x16xf32>,
        %get3A_505 = vector.shape_cast %get3A_504 : vector<1x1x16xf32> to vector<16xf32>
        %add3A_506 = arith.constant 0 : i32
        %add3A_507 = arith.addi %add3A_506, %add3A_291 : i32
        %add3A_508 = arith.constant 1 : i32
        %add3A_509 = arith.addi %add3A_507, %add3A_508 : i32
        %get3A_510 = arith.index_cast %add3A_509 : i32 to index
        %get3A_511 = arith.constant 0 : index
        %get3A_512 = tpu.vector_load %arg8[%get3A_510, %get3A_511] {strides = array<i32>} : memref<200x128xf32, #tpu.memory_space<vmem>>, vector<1x16xf32>,
        %get3A_513 = vector.shape_cast %get3A_512 : vector<1x16xf32> to vector<16xf32>
        %add3A_514 = arith.addf %get3A_505, %get3A_513 : vector<16xf32>
        %add3A_515 = arith.constant 1 : i32
        %add3A_516 = arith.addi %add3A_291, %add3A_515 : i32
        %swap3A_517 = arith.constant 0 : i32
        %swap3A_518 = arith.index_cast %swap3A_517 : i32 to index
        %swap3A_519 = arith.index_cast %add3A_516 : i32 to index
        %swap3A_520 = arith.constant 0 : index
        %swap3A_521 = tpu.vector_load %arg7[%swap3A_518, %swap3A_519, %swap3A_520] {strides = array<i32>} : memref<4x104x128xf32, #tpu.memory_space<vmem>>, vector<1x1x16xf32>,
        %swap3A_522 = vector.shape_cast %swap3A_521 : vector<1x1x16xf32> to vector<16xf32>
        %swap3A_523 = vector.shape_cast %add3A_514 : vector<16xf32> to vector<1x1x16xf32>
        tpu.vector_store %arg7[%swap3A_518, %swap3A_519, %swap3A_520], %swap3A_523 {strides = array<i32>} : memref<4x104x128xf32, #tpu.memory_space<vmem>>, vector<1x1x16xf32>,
        %add3A_524 = arith.constant 1 : i32
        %add3A_525 = arith.addi %add3A_291, %add3A_524 : i32
        %get3A_526 = arith.constant 0 : i32
        %get3A_527 = arith.index_cast %get3A_526 : i32 to index
        %get3A_528 = arith.index_cast %add3A_525 : i32 to index
        %get3A_529 = arith.constant 16 : index
        %get3A_530 = tpu.vector_load %arg7[%get3A_527, %get3A_528, %get3A_529] {strides = array<i32>} : memref<4x104x128xf32, #tpu.memory_space<vmem>>, vector<1x1x16xf32>,
        %get3A_531 = vector.shape_cast %get3A_530 : vector<1x1x16xf32> to vector<16xf32>
        %add3A_532 = arith.constant 0 : i32
        %add3A_533 = arith.addi %add3A_532, %add3A_291 : i32
        %add3A_534 = arith.constant 1 : i32
        %add3A_535 = arith.addi %add3A_533, %add3A_534 : i32
        %get3A_536 = arith.index_cast %add3A_535 : i32 to index
        %get3A_537 = arith.constant 16 : index
        %get3A_538 = tpu.vector_load %arg8[%get3A_536, %get3A_537] {strides = array<i32>} : memref<200x128xf32, #tpu.memory_space<vmem>>, vector<1x16xf32>,
        %get3A_539 = vector.shape_cast %get3A_538 : vector<1x16xf32> to vector<16xf32>
        %add3A_540 = arith.addf %get3A_531, %get3A_539 : vector<16xf32>
        %add3A_541 = arith.constant 1 : i32
        %add3A_542 = arith.addi %add3A_291, %add3A_541 : i32
        %swap3A_543 = arith.constant 0 : i32
        %swap3A_544 = arith.index_cast %swap3A_543 : i32 to index
        %swap3A_545 = arith.index_cast %add3A_542 : i32 to index
        %swap3A_546 = arith.constant 16 : index
        %swap3A_547 = tpu.vector_load %arg7[%swap3A_544, %swap3A_545, %swap3A_546] {strides = array<i32>} : memref<4x104x128xf32, #tpu.memory_space<vmem>>, vector<1x1x16xf32>,
        %swap3A_548 = vector.shape_cast %swap3A_547 : vector<1x1x16xf32> to vector<16xf32>
        %swap3A_549 = vector.shape_cast %add3A_540 : vector<16xf32> to vector<1x1x16xf32>
        tpu.vector_store %arg7[%swap3A_544, %swap3A_545, %swap3A_546], %swap3A_549 {strides = array<i32>} : memref<4x104x128xf32, #tpu.memory_space<vmem>>, vector<1x1x16xf32>,
        %add3A_550 = arith.constant 1 : i32
        %add3A_551 = arith.addi %add3A_291, %add3A_550 : i32
        %get3A_552 = arith.constant 0 : i32
        %get3A_553 = arith.index_cast %get3A_552 : i32 to index
        %get3A_554 = arith.index_cast %add3A_551 : i32 to index
        %get3A_555 = arith.constant 32 : index
        %get3A_556 = tpu.vector_load %arg7[%get3A_553, %get3A_554, %get3A_555] {strides = array<i32>} : memref<4x104x128xf32, #tpu.memory_space<vmem>>, vector<1x1x16xf32>,
        %get3A_557 = vector.shape_cast %get3A_556 : vector<1x1x16xf32> to vector<16xf32>
        %add3A_558 = arith.constant 0 : i32
        %add3A_559 = arith.addi %add3A_558, %add3A_291 : i32
        %add3A_560 = arith.constant 1 : i32
        %add3A_561 = arith.addi %add3A_559, %add3A_560 : i32
        %get3A_562 = arith.index_cast %add3A_561 : i32 to index
        %get3A_563 = arith.constant 32 : index
        %get3A_564 = tpu.vector_load %arg8[%get3A_562, %get3A_563] {strides = array<i32>} : memref<200x128xf32, #tpu.memory_space<vmem>>, vector<1x16xf32>,
        %get3A_565 = vector.shape_cast %get3A_564 : vector<1x16xf32> to vector<16xf32>
        %add3A_566 = arith.addf %get3A_557, %get3A_565 : vector<16xf32>
        %add3A_567 = arith.constant 1 : i32
        %add3A_568 = arith.addi %add3A_291, %add3A_567 : i32
        %swap3A_569 = arith.constant 0 : i32
        %swap3A_570 = arith.index_cast %swap3A_569 : i32 to index
        %swap3A_571 = arith.index_cast %add3A_568 : i32 to index
        %swap3A_572 = arith.constant 32 : index
        %swap3A_573 = tpu.vector_load %arg7[%swap3A_570, %swap3A_571, %swap3A_572] {strides = array<i32>} : memref<4x104x128xf32, #tpu.memory_space<vmem>>, vector<1x1x16xf32>,
        %swap3A_574 = vector.shape_cast %swap3A_573 : vector<1x1x16xf32> to vector<16xf32>
        %swap3A_575 = vector.shape_cast %add3A_566 : vector<16xf32> to vector<1x1x16xf32>
        tpu.vector_store %arg7[%swap3A_570, %swap3A_571, %swap3A_572], %swap3A_575 {strides = array<i32>} : memref<4x104x128xf32, #tpu.memory_space<vmem>>, vector<1x1x16xf32>,
        %add3A_576 = arith.constant 1 : i32
        %add3A_577 = arith.addi %add3A_291, %add3A_576 : i32
        %get3A_578 = arith.constant 0 : i32
        %get3A_579 = arith.index_cast %get3A_578 : i32 to index
        %get3A_580 = arith.index_cast %add3A_577 : i32 to index
        %get3A_581 = arith.constant 48 : index
        %get3A_582 = tpu.vector_load %arg7[%get3A_579, %get3A_580, %get3A_581] {strides = array<i32>} : memref<4x104x128xf32, #tpu.memory_space<vmem>>, vector<1x1x16xf32>,
        %get3A_583 = vector.shape_cast %get3A_582 : vector<1x1x16xf32> to vector<16xf32>
        %add3A_584 = arith.constant 0 : i32
        %add3A_585 = arith.addi %add3A_584, %add3A_291 : i32
        %add3A_586 = arith.constant 1 : i32
        %add3A_587 = arith.addi %add3A_585, %add3A_586 : i32
        %get3A_588 = arith.index_cast %add3A_587 : i32 to index
        %get3A_589 = arith.constant 48 : index
        %get3A_590 = tpu.vector_load %arg8[%get3A_588, %get3A_589] {strides = array<i32>} : memref<200x128xf32, #tpu.memory_space<vmem>>, vector<1x16xf32>,
        %get3A_591 = vector.shape_cast %get3A_590 : vector<1x16xf32> to vector<16xf32>
        %add3A_592 = arith.addf %get3A_583, %get3A_591 : vector<16xf32>
        %add3A_593 = arith.constant 1 : i32
        %add3A_594 = arith.addi %add3A_291, %add3A_593 : i32
        %swap3A_595 = arith.constant 0 : i32
        %swap3A_596 = arith.index_cast %swap3A_595 : i32 to index
        %swap3A_597 = arith.index_cast %add3A_594 : i32 to index
        %swap3A_598 = arith.constant 48 : index
        %swap3A_599 = tpu.vector_load %arg7[%swap3A_596, %swap3A_597, %swap3A_598] {strides = array<i32>} : memref<4x104x128xf32, #tpu.memory_space<vmem>>, vector<1x1x16xf32>,
        %swap3A_600 = vector.shape_cast %swap3A_599 : vector<1x1x16xf32> to vector<16xf32>
        %swap3A_601 = vector.shape_cast %add3A_592 : vector<16xf32> to vector<1x1x16xf32>
        tpu.vector_store %arg7[%swap3A_596, %swap3A_597, %swap3A_598], %swap3A_601 {strides = array<i32>} : memref<4x104x128xf32, #tpu.memory_space<vmem>>, vector<1x1x16xf32>,
        %add3A_602 = arith.constant 1 : i32
        %add3A_603 = arith.addi %add3A_291, %add3A_602 : i32
        %get3A_604 = arith.constant 0 : i32
        %get3A_605 = arith.index_cast %get3A_604 : i32 to index
        %get3A_606 = arith.index_cast %add3A_603 : i32 to index
        %get3A_607 = arith.constant 64 : index
        %get3A_608 = tpu.vector_load %arg7[%get3A_605, %get3A_606, %get3A_607] {strides = array<i32>} : memref<4x104x128xf32, #tpu.memory_space<vmem>>, vector<1x1x16xf32>,
        %get3A_609 = vector.shape_cast %get3A_608 : vector<1x1x16xf32> to vector<16xf32>
        %add3A_610 = arith.constant 0 : i32
        %add3A_611 = arith.addi %add3A_610, %add3A_291 : i32
        %add3A_612 = arith.constant 1 : i32
        %add3A_613 = arith.addi %add3A_611, %add3A_612 : i32
        %get3A_614 = arith.index_cast %add3A_613 : i32 to index
        %get3A_615 = arith.constant 64 : index
        %get3A_616 = tpu.vector_load %arg8[%get3A_614, %get3A_615] {strides = array<i32>} : memref<200x128xf32, #tpu.memory_space<vmem>>, vector<1x16xf32>,
        %get3A_617 = vector.shape_cast %get3A_616 : vector<1x16xf32> to vector<16xf32>
        %add3A_618 = arith.addf %get3A_609, %get3A_617 : vector<16xf32>
        %add3A_619 = arith.constant 1 : i32
        %add3A_620 = arith.addi %add3A_291, %add3A_619 : i32
        %swap3A_621 = arith.constant 0 : i32
        %swap3A_622 = arith.index_cast %swap3A_621 : i32 to index
        %swap3A_623 = arith.index_cast %add3A_620 : i32 to index
        %swap3A_624 = arith.constant 64 : index
        %swap3A_625 = tpu.vector_load %arg7[%swap3A_622, %swap3A_623, %swap3A_624] {strides = array<i32>} : memref<4x104x128xf32, #tpu.memory_space<vmem>>, vector<1x1x16xf32>,
        %swap3A_626 = vector.shape_cast %swap3A_625 : vector<1x1x16xf32> to vector<16xf32>
        %swap3A_627 = vector.shape_cast %add3A_618 : vector<16xf32> to vector<1x1x16xf32>
        tpu.vector_store %arg7[%swap3A_622, %swap3A_623, %swap3A_624], %swap3A_627 {strides = array<i32>} : memref<4x104x128xf32, #tpu.memory_space<vmem>>, vector<1x1x16xf32>,
        %add3A_628 = arith.constant 1 : i32
        %add3A_629 = arith.addi %add3A_291, %add3A_628 : i32
        %get3A_630 = arith.constant 0 : i32
        %get3A_631 = arith.index_cast %get3A_630 : i32 to index
        %get3A_632 = arith.index_cast %add3A_629 : i32 to index
        %get3A_633 = arith.constant 80 : index
        %get3A_634 = tpu.vector_load %arg7[%get3A_631, %get3A_632, %get3A_633] {strides = array<i32>} : memref<4x104x128xf32, #tpu.memory_space<vmem>>, vector<1x1x16xf32>,
        %get3A_635 = vector.shape_cast %get3A_634 : vector<1x1x16xf32> to vector<16xf32>
        %add3A_636 = arith.constant 0 : i32
        %add3A_637 = arith.addi %add3A_636, %add3A_291 : i32
        %add3A_638 = arith.constant 1 : i32
        %add3A_639 = arith.addi %add3A_637, %add3A_638 : i32
        %get3A_640 = arith.index_cast %add3A_639 : i32 to index
        %get3A_641 = arith.constant 80 : index
        %get3A_642 = tpu.vector_load %arg8[%get3A_640, %get3A_641] {strides = array<i32>} : memref<200x128xf32, #tpu.memory_space<vmem>>, vector<1x16xf32>,
        %get3A_643 = vector.shape_cast %get3A_642 : vector<1x16xf32> to vector<16xf32>
        %add3A_644 = arith.addf %get3A_635, %get3A_643 : vector<16xf32>
        %add3A_645 = arith.constant 1 : i32
        %add3A_646 = arith.addi %add3A_291, %add3A_645 : i32
        %swap3A_647 = arith.constant 0 : i32
        %swap3A_648 = arith.index_cast %swap3A_647 : i32 to index
        %swap3A_649 = arith.index_cast %add3A_646 : i32 to index
        %swap3A_650 = arith.constant 80 : index
        %swap3A_651 = tpu.vector_load %arg7[%swap3A_648, %swap3A_649, %swap3A_650] {strides = array<i32>} : memref<4x104x128xf32, #tpu.memory_space<vmem>>, vector<1x1x16xf32>,
        %swap3A_652 = vector.shape_cast %swap3A_651 : vector<1x1x16xf32> to vector<16xf32>
        %swap3A_653 = vector.shape_cast %add3A_644 : vector<16xf32> to vector<1x1x16xf32>
        tpu.vector_store %arg7[%swap3A_648, %swap3A_649, %swap3A_650], %swap3A_653 {strides = array<i32>} : memref<4x104x128xf32, #tpu.memory_space<vmem>>, vector<1x1x16xf32>,
        %add3A_654 = arith.constant 1 : i32
        %add3A_655 = arith.addi %add3A_291, %add3A_654 : i32
        %get3A_656 = arith.constant 0 : i32
        %get3A_657 = arith.index_cast %get3A_656 : i32 to index
        %get3A_658 = arith.index_cast %add3A_655 : i32 to index
        %get3A_659 = arith.constant 96 : index
        %get3A_660 = tpu.vector_load %arg7[%get3A_657, %get3A_658, %get3A_659] {strides = array<i32>} : memref<4x104x128xf32, #tpu.memory_space<vmem>>, vector<1x1x16xf32>,
        %get3A_661 = vector.shape_cast %get3A_660 : vector<1x1x16xf32> to vector<16xf32>
        %add3A_662 = arith.constant 0 : i32
        %add3A_663 = arith.addi %add3A_662, %add3A_291 : i32
        %add3A_664 = arith.constant 1 : i32
        %add3A_665 = arith.addi %add3A_663, %add3A_664 : i32
        %get3A_666 = arith.index_cast %add3A_665 : i32 to index
        %get3A_667 = arith.constant 96 : index
        %get3A_668 = tpu.vector_load %arg8[%get3A_666, %get3A_667] {strides = array<i32>} : memref<200x128xf32, #tpu.memory_space<vmem>>, vector<1x16xf32>,
        %get3A_669 = vector.shape_cast %get3A_668 : vector<1x16xf32> to vector<16xf32>
        %add3A_670 = arith.addf %get3A_661, %get3A_669 : vector<16xf32>
        %add3A_671 = arith.constant 1 : i32
        %add3A_672 = arith.addi %add3A_291, %add3A_671 : i32
        %swap3A_673 = arith.constant 0 : i32
        %swap3A_674 = arith.index_cast %swap3A_673 : i32 to index
        %swap3A_675 = arith.index_cast %add3A_672 : i32 to index
        %swap3A_676 = arith.constant 96 : index
        %swap3A_677 = tpu.vector_load %arg7[%swap3A_674, %swap3A_675, %swap3A_676] {strides = array<i32>} : memref<4x104x128xf32, #tpu.memory_space<vmem>>, vector<1x1x16xf32>,
        %swap3A_678 = vector.shape_cast %swap3A_677 : vector<1x1x16xf32> to vector<16xf32>
        %swap3A_679 = vector.shape_cast %add3A_670 : vector<16xf32> to vector<1x1x16xf32>
        tpu.vector_store %arg7[%swap3A_674, %swap3A_675, %swap3A_676], %swap3A_679 {strides = array<i32>} : memref<4x104x128xf32, #tpu.memory_space<vmem>>, vector<1x1x16xf32>,
        %add3A_680 = arith.constant 1 : i32
        %add3A_681 = arith.addi %add3A_291, %add3A_680 : i32
        %get3A_682 = arith.constant 0 : i32
        %get3A_683 = arith.index_cast %get3A_682 : i32 to index
        %get3A_684 = arith.index_cast %add3A_681 : i32 to index
        %get3A_685 = arith.constant 112 : index
        %get3A_686 = tpu.vector_load %arg7[%get3A_683, %get3A_684, %get3A_685] {strides = array<i32>} : memref<4x104x128xf32, #tpu.memory_space<vmem>>, vector<1x1x16xf32>,
        %get3A_687 = vector.shape_cast %get3A_686 : vector<1x1x16xf32> to vector<16xf32>
        %add3A_688 = arith.constant 0 : i32
        %add3A_689 = arith.addi %add3A_688, %add3A_291 : i32
        %add3A_690 = arith.constant 1 : i32
        %add3A_691 = arith.addi %add3A_689, %add3A_690 : i32
        %get3A_692 = arith.index_cast %add3A_691 : i32 to index
        %get3A_693 = arith.constant 112 : index
        %get3A_694 = tpu.vector_load %arg8[%get3A_692, %get3A_693] {strides = array<i32>} : memref<200x128xf32, #tpu.memory_space<vmem>>, vector<1x16xf32>,
        %get3A_695 = vector.shape_cast %get3A_694 : vector<1x16xf32> to vector<16xf32>
        %add3A_696 = arith.addf %get3A_687, %get3A_695 : vector<16xf32>
        %add3A_697 = arith.constant 1 : i32
        %add3A_698 = arith.addi %add3A_291, %add3A_697 : i32
        %swap3A_699 = arith.constant 0 : i32
        %swap3A_700 = arith.index_cast %swap3A_699 : i32 to index
        %swap3A_701 = arith.index_cast %add3A_698 : i32 to index
        %swap3A_702 = arith.constant 112 : index
        %swap3A_703 = tpu.vector_load %arg7[%swap3A_700, %swap3A_701, %swap3A_702] {strides = array<i32>} : memref<4x104x128xf32, #tpu.memory_space<vmem>>, vector<1x1x16xf32>,
        %swap3A_704 = vector.shape_cast %swap3A_703 : vector<1x1x16xf32> to vector<16xf32>
        %swap3A_705 = vector.shape_cast %add3A_696 : vector<16xf32> to vector<1x1x16xf32>
        tpu.vector_store %arg7[%swap3A_700, %swap3A_701, %swap3A_702], %swap3A_705 {strides = array<i32>} : memref<4x104x128xf32, #tpu.memory_space<vmem>>, vector<1x1x16xf32>,
      }
      %scan3A_130 = arith.constant 48 : i32
      %add3A_131 = arith.addi %mul3A_2, %add3A_107 : i32
      %dma_start3A_132 = arith.constant 0 : i32
      %dma_start3A_133 = arith.constant 0 : i32
      %dma_start3A_134 = arith.constant 0 : i32
      %dma_start3A_135 = tpu.memref_slice %arg7[%dma_start3A_132, %dma_start3A_133, %dma_start3A_134] : memref<4x104x128xf32, #tpu.memory_space<vmem>> -> memref<1x96x128xf32, #tpu.memory_space<vmem>>
      %dma_start3A_136 = tpu.memref_squeeze %dma_start3A_135 : memref<1x96x128xf32, #tpu.memory_space<vmem>> -> memref<96x128xf32, #tpu.memory_space<vmem>>
      %dma_start3A_137 = arith.constant 0 : i32
      %dma_start3A_138 = arith.constant 0 : i32
      %dma_start3A_139 = tpu.memref_slice %arg5[%add3A_131, %dma_start3A_137, %dma_start3A_138] : memref<1024x200x128xf32, #tpu.memory_space<hbm>> -> memref<1x96x128xf32, #tpu.memory_space<hbm>>
      %dma_start3A_140 = tpu.memref_squeeze %dma_start3A_139 : memref<1x96x128xf32, #tpu.memory_space<hbm>> -> memref<96x128xf32, #tpu.memory_space<hbm>>
      %dma_start3A_141 = arith.constant 0 : i32
      %dma_start3A_142 = arith.constant 0 : i32
      %dma_start3A_143 = tpu.memref_slice %arg5[%add3A_131, %dma_start3A_141, %dma_start3A_142] : memref<1024x200x128xf32, #tpu.memory_space<hbm>> -> memref<1x96x128xf32, #tpu.memory_space<hbm>>
      %dma_start3A_144 = tpu.memref_squeeze %dma_start3A_143 : memref<1x96x128xf32, #tpu.memory_space<hbm>> -> memref<96x128xf32, #tpu.memory_space<hbm>>
      %dma_start3A_145 = arith.constant 0 : i32
      %dma_start3A_146 = arith.constant 0 : i32
      %dma_start3A_147 = tpu.memref_slice %arg7[%dma_start3A_132, %dma_start3A_145, %dma_start3A_146] : memref<4x104x128xf32, #tpu.memory_space<vmem>> -> memref<1x96x128xf32, #tpu.memory_space<vmem>>
      %dma_start3A_148 = tpu.memref_squeeze %dma_start3A_147 : memref<1x96x128xf32, #tpu.memory_space<vmem>> -> memref<96x128xf32, #tpu.memory_space<vmem>>
      tpu.enqueue_dma source(%dma_start3A_148 : memref<96x128xf32, #tpu.memory_space<vmem>>) target(%dma_start3A_144 : memref<96x128xf32, #tpu.memory_space<hbm>>) target_semaphore(%arg13 : memref<!tpu.dma_semaphore, #tpu.memory_space<semaphore_mem>>)
      %add3A_149 = arith.constant 0 : i32
      %add3A_150 = arith.addi %add3A_105, %add3A_149 : i32
      %mul3A_151 = arith.constant 2 : i32
      %mul3A_152 = arith.muli %mul3A_151, %add3A_150 : i32
      %add3A_153 = arith.constant 1 : i32
      %add3A_154 = arith.addi %mul3A_152, %add3A_153 : i32
      %add3A_155 = arith.constant 2 : i32
      %add3A_156 = arith.addi %add3A_154, %add3A_155 : i32
      %lt3A_157 = arith.constant 64 : i32
      %lt3A_158 = arith.cmpi slt, %add3A_156, %lt3A_157 : i32
      %convert_element_type3A_159 = arith.extui %lt3A_158 : i1 to i32
      %cond3A_160 = arith.constant 0 : i32
      %cond3A_161 = arith.cmpi ne, %convert_element_type3A_159, %cond3A_160 : i32
      scf.if %cond3A_161 {
        %ge3A = arith.constant 2 : i32
        %ge3A_287 = arith.cmpi sge, %add3A_154, %ge3A : i32
        %convert_element_type3A_288 = arith.extui %ge3A_287 : i1 to i32
        %cond3A_289 = arith.constant 0 : i32
        %cond3A_290 = arith.cmpi ne, %convert_element_type3A_288, %cond3A_289 : i32
        scf.if %cond3A_290 {
          %dma_wait3A_306 = arith.constant 3 : i32
          %dma_wait3A_307 = arith.constant 0 : i32
          %dma_wait3A_308 = arith.constant 0 : i32
          %dma_wait3A_309 = tpu.memref_slice %arg7[%dma_wait3A_306, %dma_wait3A_307, %dma_wait3A_308] : memref<4x104x128xf32, #tpu.memory_space<vmem>> -> memref<1x104x128xf32, #tpu.memory_space<vmem>>
          %dma_wait3A_310 = tpu.memref_squeeze %dma_wait3A_309 : memref<1x104x128xf32, #tpu.memory_space<vmem>> -> memref<104x128xf32, #tpu.memory_space<vmem>>
          %dma_wait3A_311 = arith.constant 96 : i32
          %dma_wait3A_312 = arith.constant 0 : i32
          %dma_wait3A_313 = tpu.memref_slice %arg5[%mul3A_2, %dma_wait3A_311, %dma_wait3A_312] : memref<1024x200x128xf32, #tpu.memory_space<hbm>> -> memref<1x104x128xf32, #tpu.memory_space<hbm>>
          %dma_wait3A_314 = tpu.memref_squeeze %dma_wait3A_313 : memref<1x104x128xf32, #tpu.memory_space<hbm>> -> memref<104x128xf32, #tpu.memory_space<hbm>>
          %dma_wait3A_315 = arith.constant 96 : i32
          %dma_wait3A_316 = arith.constant 0 : i32
          %dma_wait3A_317 = tpu.memref_slice %arg5[%mul3A_2, %dma_wait3A_315, %dma_wait3A_316] : memref<1024x200x128xf32, #tpu.memory_space<hbm>> -> memref<1x104x128xf32, #tpu.memory_space<hbm>>
          %dma_wait3A_318 = tpu.memref_squeeze %dma_wait3A_317 : memref<1x104x128xf32, #tpu.memory_space<hbm>> -> memref<104x128xf32, #tpu.memory_space<hbm>>
          %dma_wait3A_319 = arith.constant 0 : i32
          %dma_wait3A_320 = arith.constant 0 : i32
          %dma_wait3A_321 = tpu.memref_slice %arg7[%dma_wait3A_306, %dma_wait3A_319, %dma_wait3A_320] : memref<4x104x128xf32, #tpu.memory_space<vmem>> -> memref<1x104x128xf32, #tpu.memory_space<vmem>>
          %dma_wait3A_322 = tpu.memref_squeeze %dma_wait3A_321 : memref<1x104x128xf32, #tpu.memory_space<vmem>> -> memref<104x128xf32, #tpu.memory_space<vmem>>
          tpu.wait_dma2 semaphore(%arg16 : memref<!tpu.dma_semaphore, #tpu.memory_space<semaphore_mem>>) src(%dma_wait3A_322 : memref<104x128xf32, #tpu.memory_space<vmem>>) dst(%dma_wait3A_318 : memref<104x128xf32, #tpu.memory_space<hbm>>)
        } else {
        }
        %add3A_291 = arith.constant 1 : i32
        %add3A_292 = arith.addi %add3A_150, %add3A_291 : i32
        %mul3A_293 = arith.constant 200 : i32
        %mul3A_294 = arith.muli %add3A_292, %mul3A_293 : i32
        %add3A_295 = arith.constant 96 : i32
        %add3A_296 = arith.addi %mul3A_294, %add3A_295 : i32
        %dma_start3A_297 = arith.constant 3 : i32
        %dma_start3A_298 = arith.constant 0 : i32
        %dma_start3A_299 = arith.constant 0 : i32
        %dma_start3A_300 = tpu.memref_slice %arg7[%dma_start3A_297, %dma_start3A_298, %dma_start3A_299] : memref<4x104x128xf32, #tpu.memory_space<vmem>> -> memref<1x104x128xf32, #tpu.memory_space<vmem>>
        %dma_start3A_301 = tpu.memref_squeeze %dma_start3A_300 : memref<1x104x128xf32, #tpu.memory_space<vmem>> -> memref<104x128xf32, #tpu.memory_space<vmem>>
        %dma_start3A_302 = tpu.memref_slice %arg6[%add3A_296] : memref<6400xi32, #tpu.memory_space<vmem>> -> memref<104xi32, #tpu.memory_space<vmem>>
        %dma_start3A_303 = arith.constant 0 : i32
        %dma_start3A_304 = arith.constant 0 : i32
        %dma_start3A_305 = tpu.memref_slice %arg3[%dma_start3A_303, %dma_start3A_304] : memref<100000x128xf32, #tpu.memory_space<hbm>> -> memref<100000x128xf32, #tpu.memory_space<hbm>>
        tpu.enqueue_indirect_dma source(%dma_start3A_305 : memref<100000x128xf32, #tpu.memory_space<hbm>>) target(%dma_start3A_301 : memref<104x128xf32, #tpu.memory_space<vmem>>) offsets(%dma_start3A_302 : memref<104xi32, #tpu.memory_space<vmem>>) semaphore(%arg12 : memref<!tpu.dma_semaphore, #tpu.memory_space<semaphore_mem>>)
      } else {
      }
      %dma_wait3A_162 = arith.constant 1 : i32
      %dma_wait3A_163 = arith.constant 0 : i32
      %dma_wait3A_164 = arith.constant 0 : i32
      %dma_wait3A_165 = tpu.memref_slice %arg7[%dma_wait3A_162, %dma_wait3A_163, %dma_wait3A_164] : memref<4x104x128xf32, #tpu.memory_space<vmem>> -> memref<1x104x128xf32, #tpu.memory_space<vmem>>
      %dma_wait3A_166 = tpu.memref_squeeze %dma_wait3A_165 : memref<1x104x128xf32, #tpu.memory_space<vmem>> -> memref<104x128xf32, #tpu.memory_space<vmem>>
      %dma_wait3A_167 = arith.constant 0 : i32
      %dma_wait3A_168 = tpu.memref_slice %arg6[%dma_wait3A_167] : memref<6400xi32, #tpu.memory_space<vmem>> -> memref<104xi32, #tpu.memory_space<vmem>>
      %dma_wait3A_169 = arith.constant 0 : i32
      %dma_wait3A_170 = arith.constant 0 : i32
      %dma_wait3A_171 = tpu.memref_slice %arg3[%dma_wait3A_169, %dma_wait3A_170] : memref<100000x128xf32, #tpu.memory_space<hbm>> -> memref<100000x128xf32, #tpu.memory_space<hbm>>
      tpu.wait_indirect_dma semaphore(%arg10 : memref<!tpu.dma_semaphore, #tpu.memory_space<semaphore_mem>>) src(%dma_wait3A_171 : memref<100000x128xf32, #tpu.memory_space<hbm>>) dst(%dma_wait3A_166 : memref<104x128xf32, #tpu.memory_space<vmem>>)
      %scan3A_172 = arith.constant 0 : i32
      %scan3A_173 = arith.constant 52 : i32
      %scan3A_174 = arith.addi %scan3A_172, %scan3A_173 : i32
      %scan3A_175 = arith.constant 1 : i32
      scf.for %scan3A_287 = %scan3A_172 to %scan3A_174 step %scan3A_175  : i32 {
        %mul3A_288 = arith.constant 2 : i32
        %mul3A_289 = arith.muli %scan3A_287, %mul3A_288 : i32
        %add3A_290 = arith.constant 0 : i32
        %add3A_291 = arith.addi %add3A_290, %mul3A_289 : i32
        %add3A_292 = arith.constant 0 : i32
        %add3A_293 = arith.addi %add3A_291, %add3A_292 : i32
        %get3A = arith.constant 1 : i32
        %get3A_294 = arith.index_cast %get3A : i32 to index
        %get3A_295 = arith.index_cast %add3A_293 : i32 to index
        %get3A_296 = arith.constant 0 : index
        %get3A_297 = tpu.vector_load %arg7[%get3A_294, %get3A_295, %get3A_296] {strides = array<i32>} : memref<4x104x128xf32, #tpu.memory_space<vmem>>, vector<1x1x16xf32>,
        %get3A_298 = vector.shape_cast %get3A_297 : vector<1x1x16xf32> to vector<16xf32>
        %add3A_299 = arith.constant 96 : i32
        %add3A_300 = arith.addi %add3A_299, %add3A_291 : i32
        %add3A_301 = arith.constant 0 : i32
        %add3A_302 = arith.addi %add3A_300, %add3A_301 : i32
        %get3A_303 = arith.index_cast %add3A_302 : i32 to index
        %get3A_304 = arith.constant 0 : index
        %get3A_305 = tpu.vector_load %arg8[%get3A_303, %get3A_304] {strides = array<i32>} : memref<200x128xf32, #tpu.memory_space<vmem>>, vector<1x16xf32>,
        %get3A_306 = vector.shape_cast %get3A_305 : vector<1x16xf32> to vector<16xf32>
        %add3A_307 = arith.addf %get3A_298, %get3A_306 : vector<16xf32>
        %add3A_308 = arith.constant 0 : i32
        %add3A_309 = arith.addi %add3A_291, %add3A_308 : i32
        %swap3A = arith.constant 1 : i32
        %swap3A_310 = arith.index_cast %swap3A : i32 to index
        %swap3A_311 = arith.index_cast %add3A_309 : i32 to index
        %swap3A_312 = arith.constant 0 : index
        %swap3A_313 = tpu.vector_load %arg7[%swap3A_310, %swap3A_311, %swap3A_312] {strides = array<i32>} : memref<4x104x128xf32, #tpu.memory_space<vmem>>, vector<1x1x16xf32>,
        %swap3A_314 = vector.shape_cast %swap3A_313 : vector<1x1x16xf32> to vector<16xf32>
        %swap3A_315 = vector.shape_cast %add3A_307 : vector<16xf32> to vector<1x1x16xf32>
        tpu.vector_store %arg7[%swap3A_310, %swap3A_311, %swap3A_312], %swap3A_315 {strides = array<i32>} : memref<4x104x128xf32, #tpu.memory_space<vmem>>, vector<1x1x16xf32>,
        %add3A_316 = arith.constant 0 : i32
        %add3A_317 = arith.addi %add3A_291, %add3A_316 : i32
        %get3A_318 = arith.constant 1 : i32
        %get3A_319 = arith.index_cast %get3A_318 : i32 to index
        %get3A_320 = arith.index_cast %add3A_317 : i32 to index
        %get3A_321 = arith.constant 16 : index
        %get3A_322 = tpu.vector_load %arg7[%get3A_319, %get3A_320, %get3A_321] {strides = array<i32>} : memref<4x104x128xf32, #tpu.memory_space<vmem>>, vector<1x1x16xf32>,
        %get3A_323 = vector.shape_cast %get3A_322 : vector<1x1x16xf32> to vector<16xf32>
        %add3A_324 = arith.constant 96 : i32
        %add3A_325 = arith.addi %add3A_324, %add3A_291 : i32
        %add3A_326 = arith.constant 0 : i32
        %add3A_327 = arith.addi %add3A_325, %add3A_326 : i32
        %get3A_328 = arith.index_cast %add3A_327 : i32 to index
        %get3A_329 = arith.constant 16 : index
        %get3A_330 = tpu.vector_load %arg8[%get3A_328, %get3A_329] {strides = array<i32>} : memref<200x128xf32, #tpu.memory_space<vmem>>, vector<1x16xf32>,
        %get3A_331 = vector.shape_cast %get3A_330 : vector<1x16xf32> to vector<16xf32>
        %add3A_332 = arith.addf %get3A_323, %get3A_331 : vector<16xf32>
        %add3A_333 = arith.constant 0 : i32
        %add3A_334 = arith.addi %add3A_291, %add3A_333 : i32
        %swap3A_335 = arith.constant 1 : i32
        %swap3A_336 = arith.index_cast %swap3A_335 : i32 to index
        %swap3A_337 = arith.index_cast %add3A_334 : i32 to index
        %swap3A_338 = arith.constant 16 : index
        %swap3A_339 = tpu.vector_load %arg7[%swap3A_336, %swap3A_337, %swap3A_338] {strides = array<i32>} : memref<4x104x128xf32, #tpu.memory_space<vmem>>, vector<1x1x16xf32>,
        %swap3A_340 = vector.shape_cast %swap3A_339 : vector<1x1x16xf32> to vector<16xf32>
        %swap3A_341 = vector.shape_cast %add3A_332 : vector<16xf32> to vector<1x1x16xf32>
        tpu.vector_store %arg7[%swap3A_336, %swap3A_337, %swap3A_338], %swap3A_341 {strides = array<i32>} : memref<4x104x128xf32, #tpu.memory_space<vmem>>, vector<1x1x16xf32>,
        %add3A_342 = arith.constant 0 : i32
        %add3A_343 = arith.addi %add3A_291, %add3A_342 : i32
        %get3A_344 = arith.constant 1 : i32
        %get3A_345 = arith.index_cast %get3A_344 : i32 to index
        %get3A_346 = arith.index_cast %add3A_343 : i32 to index
        %get3A_347 = arith.constant 32 : index
        %get3A_348 = tpu.vector_load %arg7[%get3A_345, %get3A_346, %get3A_347] {strides = array<i32>} : memref<4x104x128xf32, #tpu.memory_space<vmem>>, vector<1x1x16xf32>,
        %get3A_349 = vector.shape_cast %get3A_348 : vector<1x1x16xf32> to vector<16xf32>
        %add3A_350 = arith.constant 96 : i32
        %add3A_351 = arith.addi %add3A_350, %add3A_291 : i32
        %add3A_352 = arith.constant 0 : i32
        %add3A_353 = arith.addi %add3A_351, %add3A_352 : i32
        %get3A_354 = arith.index_cast %add3A_353 : i32 to index
        %get3A_355 = arith.constant 32 : index
        %get3A_356 = tpu.vector_load %arg8[%get3A_354, %get3A_355] {strides = array<i32>} : memref<200x128xf32, #tpu.memory_space<vmem>>, vector<1x16xf32>,
        %get3A_357 = vector.shape_cast %get3A_356 : vector<1x16xf32> to vector<16xf32>
        %add3A_358 = arith.addf %get3A_349, %get3A_357 : vector<16xf32>
        %add3A_359 = arith.constant 0 : i32
        %add3A_360 = arith.addi %add3A_291, %add3A_359 : i32
        %swap3A_361 = arith.constant 1 : i32
        %swap3A_362 = arith.index_cast %swap3A_361 : i32 to index
        %swap3A_363 = arith.index_cast %add3A_360 : i32 to index
        %swap3A_364 = arith.constant 32 : index
        %swap3A_365 = tpu.vector_load %arg7[%swap3A_362, %swap3A_363, %swap3A_364] {strides = array<i32>} : memref<4x104x128xf32, #tpu.memory_space<vmem>>, vector<1x1x16xf32>,
        %swap3A_366 = vector.shape_cast %swap3A_365 : vector<1x1x16xf32> to vector<16xf32>
        %swap3A_367 = vector.shape_cast %add3A_358 : vector<16xf32> to vector<1x1x16xf32>
        tpu.vector_store %arg7[%swap3A_362, %swap3A_363, %swap3A_364], %swap3A_367 {strides = array<i32>} : memref<4x104x128xf32, #tpu.memory_space<vmem>>, vector<1x1x16xf32>,
        %add3A_368 = arith.constant 0 : i32
        %add3A_369 = arith.addi %add3A_291, %add3A_368 : i32
        %get3A_370 = arith.constant 1 : i32
        %get3A_371 = arith.index_cast %get3A_370 : i32 to index
        %get3A_372 = arith.index_cast %add3A_369 : i32 to index
        %get3A_373 = arith.constant 48 : index
        %get3A_374 = tpu.vector_load %arg7[%get3A_371, %get3A_372, %get3A_373] {strides = array<i32>} : memref<4x104x128xf32, #tpu.memory_space<vmem>>, vector<1x1x16xf32>,
        %get3A_375 = vector.shape_cast %get3A_374 : vector<1x1x16xf32> to vector<16xf32>
        %add3A_376 = arith.constant 96 : i32
        %add3A_377 = arith.addi %add3A_376, %add3A_291 : i32
        %add3A_378 = arith.constant 0 : i32
        %add3A_379 = arith.addi %add3A_377, %add3A_378 : i32
        %get3A_380 = arith.index_cast %add3A_379 : i32 to index
        %get3A_381 = arith.constant 48 : index
        %get3A_382 = tpu.vector_load %arg8[%get3A_380, %get3A_381] {strides = array<i32>} : memref<200x128xf32, #tpu.memory_space<vmem>>, vector<1x16xf32>,
        %get3A_383 = vector.shape_cast %get3A_382 : vector<1x16xf32> to vector<16xf32>
        %add3A_384 = arith.addf %get3A_375, %get3A_383 : vector<16xf32>
        %add3A_385 = arith.constant 0 : i32
        %add3A_386 = arith.addi %add3A_291, %add3A_385 : i32
        %swap3A_387 = arith.constant 1 : i32
        %swap3A_388 = arith.index_cast %swap3A_387 : i32 to index
        %swap3A_389 = arith.index_cast %add3A_386 : i32 to index
        %swap3A_390 = arith.constant 48 : index
        %swap3A_391 = tpu.vector_load %arg7[%swap3A_388, %swap3A_389, %swap3A_390] {strides = array<i32>} : memref<4x104x128xf32, #tpu.memory_space<vmem>>, vector<1x1x16xf32>,
        %swap3A_392 = vector.shape_cast %swap3A_391 : vector<1x1x16xf32> to vector<16xf32>
        %swap3A_393 = vector.shape_cast %add3A_384 : vector<16xf32> to vector<1x1x16xf32>
        tpu.vector_store %arg7[%swap3A_388, %swap3A_389, %swap3A_390], %swap3A_393 {strides = array<i32>} : memref<4x104x128xf32, #tpu.memory_space<vmem>>, vector<1x1x16xf32>,
        %add3A_394 = arith.constant 0 : i32
        %add3A_395 = arith.addi %add3A_291, %add3A_394 : i32
        %get3A_396 = arith.constant 1 : i32
        %get3A_397 = arith.index_cast %get3A_396 : i32 to index
        %get3A_398 = arith.index_cast %add3A_395 : i32 to index
        %get3A_399 = arith.constant 64 : index
        %get3A_400 = tpu.vector_load %arg7[%get3A_397, %get3A_398, %get3A_399] {strides = array<i32>} : memref<4x104x128xf32, #tpu.memory_space<vmem>>, vector<1x1x16xf32>,
        %get3A_401 = vector.shape_cast %get3A_400 : vector<1x1x16xf32> to vector<16xf32>
        %add3A_402 = arith.constant 96 : i32
        %add3A_403 = arith.addi %add3A_402, %add3A_291 : i32
        %add3A_404 = arith.constant 0 : i32
        %add3A_405 = arith.addi %add3A_403, %add3A_404 : i32
        %get3A_406 = arith.index_cast %add3A_405 : i32 to index
        %get3A_407 = arith.constant 64 : index
        %get3A_408 = tpu.vector_load %arg8[%get3A_406, %get3A_407] {strides = array<i32>} : memref<200x128xf32, #tpu.memory_space<vmem>>, vector<1x16xf32>,
        %get3A_409 = vector.shape_cast %get3A_408 : vector<1x16xf32> to vector<16xf32>
        %add3A_410 = arith.addf %get3A_401, %get3A_409 : vector<16xf32>
        %add3A_411 = arith.constant 0 : i32
        %add3A_412 = arith.addi %add3A_291, %add3A_411 : i32
        %swap3A_413 = arith.constant 1 : i32
        %swap3A_414 = arith.index_cast %swap3A_413 : i32 to index
        %swap3A_415 = arith.index_cast %add3A_412 : i32 to index
        %swap3A_416 = arith.constant 64 : index
        %swap3A_417 = tpu.vector_load %arg7[%swap3A_414, %swap3A_415, %swap3A_416] {strides = array<i32>} : memref<4x104x128xf32, #tpu.memory_space<vmem>>, vector<1x1x16xf32>,
        %swap3A_418 = vector.shape_cast %swap3A_417 : vector<1x1x16xf32> to vector<16xf32>
        %swap3A_419 = vector.shape_cast %add3A_410 : vector<16xf32> to vector<1x1x16xf32>
        tpu.vector_store %arg7[%swap3A_414, %swap3A_415, %swap3A_416], %swap3A_419 {strides = array<i32>} : memref<4x104x128xf32, #tpu.memory_space<vmem>>, vector<1x1x16xf32>,
        %add3A_420 = arith.constant 0 : i32
        %add3A_421 = arith.addi %add3A_291, %add3A_420 : i32
        %get3A_422 = arith.constant 1 : i32
        %get3A_423 = arith.index_cast %get3A_422 : i32 to index
        %get3A_424 = arith.index_cast %add3A_421 : i32 to index
        %get3A_425 = arith.constant 80 : index
        %get3A_426 = tpu.vector_load %arg7[%get3A_423, %get3A_424, %get3A_425] {strides = array<i32>} : memref<4x104x128xf32, #tpu.memory_space<vmem>>, vector<1x1x16xf32>,
        %get3A_427 = vector.shape_cast %get3A_426 : vector<1x1x16xf32> to vector<16xf32>
        %add3A_428 = arith.constant 96 : i32
        %add3A_429 = arith.addi %add3A_428, %add3A_291 : i32
        %add3A_430 = arith.constant 0 : i32
        %add3A_431 = arith.addi %add3A_429, %add3A_430 : i32
        %get3A_432 = arith.index_cast %add3A_431 : i32 to index
        %get3A_433 = arith.constant 80 : index
        %get3A_434 = tpu.vector_load %arg8[%get3A_432, %get3A_433] {strides = array<i32>} : memref<200x128xf32, #tpu.memory_space<vmem>>, vector<1x16xf32>,
        %get3A_435 = vector.shape_cast %get3A_434 : vector<1x16xf32> to vector<16xf32>
        %add3A_436 = arith.addf %get3A_427, %get3A_435 : vector<16xf32>
        %add3A_437 = arith.constant 0 : i32
        %add3A_438 = arith.addi %add3A_291, %add3A_437 : i32
        %swap3A_439 = arith.constant 1 : i32
        %swap3A_440 = arith.index_cast %swap3A_439 : i32 to index
        %swap3A_441 = arith.index_cast %add3A_438 : i32 to index
        %swap3A_442 = arith.constant 80 : index
        %swap3A_443 = tpu.vector_load %arg7[%swap3A_440, %swap3A_441, %swap3A_442] {strides = array<i32>} : memref<4x104x128xf32, #tpu.memory_space<vmem>>, vector<1x1x16xf32>,
        %swap3A_444 = vector.shape_cast %swap3A_443 : vector<1x1x16xf32> to vector<16xf32>
        %swap3A_445 = vector.shape_cast %add3A_436 : vector<16xf32> to vector<1x1x16xf32>
        tpu.vector_store %arg7[%swap3A_440, %swap3A_441, %swap3A_442], %swap3A_445 {strides = array<i32>} : memref<4x104x128xf32, #tpu.memory_space<vmem>>, vector<1x1x16xf32>,
        %add3A_446 = arith.constant 0 : i32
        %add3A_447 = arith.addi %add3A_291, %add3A_446 : i32
        %get3A_448 = arith.constant 1 : i32
        %get3A_449 = arith.index_cast %get3A_448 : i32 to index
        %get3A_450 = arith.index_cast %add3A_447 : i32 to index
        %get3A_451 = arith.constant 96 : index
        %get3A_452 = tpu.vector_load %arg7[%get3A_449, %get3A_450, %get3A_451] {strides = array<i32>} : memref<4x104x128xf32, #tpu.memory_space<vmem>>, vector<1x1x16xf32>,
        %get3A_453 = vector.shape_cast %get3A_452 : vector<1x1x16xf32> to vector<16xf32>
        %add3A_454 = arith.constant 96 : i32
        %add3A_455 = arith.addi %add3A_454, %add3A_291 : i32
        %add3A_456 = arith.constant 0 : i32
        %add3A_457 = arith.addi %add3A_455, %add3A_456 : i32
        %get3A_458 = arith.index_cast %add3A_457 : i32 to index
        %get3A_459 = arith.constant 96 : index
        %get3A_460 = tpu.vector_load %arg8[%get3A_458, %get3A_459] {strides = array<i32>} : memref<200x128xf32, #tpu.memory_space<vmem>>, vector<1x16xf32>,
        %get3A_461 = vector.shape_cast %get3A_460 : vector<1x16xf32> to vector<16xf32>
        %add3A_462 = arith.addf %get3A_453, %get3A_461 : vector<16xf32>
        %add3A_463 = arith.constant 0 : i32
        %add3A_464 = arith.addi %add3A_291, %add3A_463 : i32
        %swap3A_465 = arith.constant 1 : i32
        %swap3A_466 = arith.index_cast %swap3A_465 : i32 to index
        %swap3A_467 = arith.index_cast %add3A_464 : i32 to index
        %swap3A_468 = arith.constant 96 : index
        %swap3A_469 = tpu.vector_load %arg7[%swap3A_466, %swap3A_467, %swap3A_468] {strides = array<i32>} : memref<4x104x128xf32, #tpu.memory_space<vmem>>, vector<1x1x16xf32>,
        %swap3A_470 = vector.shape_cast %swap3A_469 : vector<1x1x16xf32> to vector<16xf32>
        %swap3A_471 = vector.shape_cast %add3A_462 : vector<16xf32> to vector<1x1x16xf32>
        tpu.vector_store %arg7[%swap3A_466, %swap3A_467, %swap3A_468], %swap3A_471 {strides = array<i32>} : memref<4x104x128xf32, #tpu.memory_space<vmem>>, vector<1x1x16xf32>,
        %add3A_472 = arith.constant 0 : i32
        %add3A_473 = arith.addi %add3A_291, %add3A_472 : i32
        %get3A_474 = arith.constant 1 : i32
        %get3A_475 = arith.index_cast %get3A_474 : i32 to index
        %get3A_476 = arith.index_cast %add3A_473 : i32 to index
        %get3A_477 = arith.constant 112 : index
        %get3A_478 = tpu.vector_load %arg7[%get3A_475, %get3A_476, %get3A_477] {strides = array<i32>} : memref<4x104x128xf32, #tpu.memory_space<vmem>>, vector<1x1x16xf32>,
        %get3A_479 = vector.shape_cast %get3A_478 : vector<1x1x16xf32> to vector<16xf32>
        %add3A_480 = arith.constant 96 : i32
        %add3A_481 = arith.addi %add3A_480, %add3A_291 : i32
        %add3A_482 = arith.constant 0 : i32
        %add3A_483 = arith.addi %add3A_481, %add3A_482 : i32
        %get3A_484 = arith.index_cast %add3A_483 : i32 to index
        %get3A_485 = arith.constant 112 : index
        %get3A_486 = tpu.vector_load %arg8[%get3A_484, %get3A_485] {strides = array<i32>} : memref<200x128xf32, #tpu.memory_space<vmem>>, vector<1x16xf32>,
        %get3A_487 = vector.shape_cast %get3A_486 : vector<1x16xf32> to vector<16xf32>
        %add3A_488 = arith.addf %get3A_479, %get3A_487 : vector<16xf32>
        %add3A_489 = arith.constant 0 : i32
        %add3A_490 = arith.addi %add3A_291, %add3A_489 : i32
        %swap3A_491 = arith.constant 1 : i32
        %swap3A_492 = arith.index_cast %swap3A_491 : i32 to index
        %swap3A_493 = arith.index_cast %add3A_490 : i32 to index
        %swap3A_494 = arith.constant 112 : index
        %swap3A_495 = tpu.vector_load %arg7[%swap3A_492, %swap3A_493, %swap3A_494] {strides = array<i32>} : memref<4x104x128xf32, #tpu.memory_space<vmem>>, vector<1x1x16xf32>,
        %swap3A_496 = vector.shape_cast %swap3A_495 : vector<1x1x16xf32> to vector<16xf32>
        %swap3A_497 = vector.shape_cast %add3A_488 : vector<16xf32> to vector<1x1x16xf32>
        tpu.vector_store %arg7[%swap3A_492, %swap3A_493, %swap3A_494], %swap3A_497 {strides = array<i32>} : memref<4x104x128xf32, #tpu.memory_space<vmem>>, vector<1x1x16xf32>,
        %add3A_498 = arith.constant 1 : i32
        %add3A_499 = arith.addi %add3A_291, %add3A_498 : i32
        %get3A_500 = arith.constant 1 : i32
        %get3A_501 = arith.index_cast %get3A_500 : i32 to index
        %get3A_502 = arith.index_cast %add3A_499 : i32 to index
        %get3A_503 = arith.constant 0 : index
        %get3A_504 = tpu.vector_load %arg7[%get3A_501, %get3A_502, %get3A_503] {strides = array<i32>} : memref<4x104x128xf32, #tpu.memory_space<vmem>>, vector<1x1x16xf32>,
        %get3A_505 = vector.shape_cast %get3A_504 : vector<1x1x16xf32> to vector<16xf32>
        %add3A_506 = arith.constant 96 : i32
        %add3A_507 = arith.addi %add3A_506, %add3A_291 : i32
        %add3A_508 = arith.constant 1 : i32
        %add3A_509 = arith.addi %add3A_507, %add3A_508 : i32
        %get3A_510 = arith.index_cast %add3A_509 : i32 to index
        %get3A_511 = arith.constant 0 : index
        %get3A_512 = tpu.vector_load %arg8[%get3A_510, %get3A_511] {strides = array<i32>} : memref<200x128xf32, #tpu.memory_space<vmem>>, vector<1x16xf32>,
        %get3A_513 = vector.shape_cast %get3A_512 : vector<1x16xf32> to vector<16xf32>
        %add3A_514 = arith.addf %get3A_505, %get3A_513 : vector<16xf32>
        %add3A_515 = arith.constant 1 : i32
        %add3A_516 = arith.addi %add3A_291, %add3A_515 : i32
        %swap3A_517 = arith.constant 1 : i32
        %swap3A_518 = arith.index_cast %swap3A_517 : i32 to index
        %swap3A_519 = arith.index_cast %add3A_516 : i32 to index
        %swap3A_520 = arith.constant 0 : index
        %swap3A_521 = tpu.vector_load %arg7[%swap3A_518, %swap3A_519, %swap3A_520] {strides = array<i32>} : memref<4x104x128xf32, #tpu.memory_space<vmem>>, vector<1x1x16xf32>,
        %swap3A_522 = vector.shape_cast %swap3A_521 : vector<1x1x16xf32> to vector<16xf32>
        %swap3A_523 = vector.shape_cast %add3A_514 : vector<16xf32> to vector<1x1x16xf32>
        tpu.vector_store %arg7[%swap3A_518, %swap3A_519, %swap3A_520], %swap3A_523 {strides = array<i32>} : memref<4x104x128xf32, #tpu.memory_space<vmem>>, vector<1x1x16xf32>,
        %add3A_524 = arith.constant 1 : i32
        %add3A_525 = arith.addi %add3A_291, %add3A_524 : i32
        %get3A_526 = arith.constant 1 : i32
        %get3A_527 = arith.index_cast %get3A_526 : i32 to index
        %get3A_528 = arith.index_cast %add3A_525 : i32 to index
        %get3A_529 = arith.constant 16 : index
        %get3A_530 = tpu.vector_load %arg7[%get3A_527, %get3A_528, %get3A_529] {strides = array<i32>} : memref<4x104x128xf32, #tpu.memory_space<vmem>>, vector<1x1x16xf32>,
        %get3A_531 = vector.shape_cast %get3A_530 : vector<1x1x16xf32> to vector<16xf32>
        %add3A_532 = arith.constant 96 : i32
        %add3A_533 = arith.addi %add3A_532, %add3A_291 : i32
        %add3A_534 = arith.constant 1 : i32
        %add3A_535 = arith.addi %add3A_533, %add3A_534 : i32
        %get3A_536 = arith.index_cast %add3A_535 : i32 to index
        %get3A_537 = arith.constant 16 : index
        %get3A_538 = tpu.vector_load %arg8[%get3A_536, %get3A_537] {strides = array<i32>} : memref<200x128xf32, #tpu.memory_space<vmem>>, vector<1x16xf32>,
        %get3A_539 = vector.shape_cast %get3A_538 : vector<1x16xf32> to vector<16xf32>
        %add3A_540 = arith.addf %get3A_531, %get3A_539 : vector<16xf32>
        %add3A_541 = arith.constant 1 : i32
        %add3A_542 = arith.addi %add3A_291, %add3A_541 : i32
        %swap3A_543 = arith.constant 1 : i32
        %swap3A_544 = arith.index_cast %swap3A_543 : i32 to index
        %swap3A_545 = arith.index_cast %add3A_542 : i32 to index
        %swap3A_546 = arith.constant 16 : index
        %swap3A_547 = tpu.vector_load %arg7[%swap3A_544, %swap3A_545, %swap3A_546] {strides = array<i32>} : memref<4x104x128xf32, #tpu.memory_space<vmem>>, vector<1x1x16xf32>,
        %swap3A_548 = vector.shape_cast %swap3A_547 : vector<1x1x16xf32> to vector<16xf32>
        %swap3A_549 = vector.shape_cast %add3A_540 : vector<16xf32> to vector<1x1x16xf32>
        tpu.vector_store %arg7[%swap3A_544, %swap3A_545, %swap3A_546], %swap3A_549 {strides = array<i32>} : memref<4x104x128xf32, #tpu.memory_space<vmem>>, vector<1x1x16xf32>,
        %add3A_550 = arith.constant 1 : i32
        %add3A_551 = arith.addi %add3A_291, %add3A_550 : i32
        %get3A_552 = arith.constant 1 : i32
        %get3A_553 = arith.index_cast %get3A_552 : i32 to index
        %get3A_554 = arith.index_cast %add3A_551 : i32 to index
        %get3A_555 = arith.constant 32 : index
        %get3A_556 = tpu.vector_load %arg7[%get3A_553, %get3A_554, %get3A_555] {strides = array<i32>} : memref<4x104x128xf32, #tpu.memory_space<vmem>>, vector<1x1x16xf32>,
        %get3A_557 = vector.shape_cast %get3A_556 : vector<1x1x16xf32> to vector<16xf32>
        %add3A_558 = arith.constant 96 : i32
        %add3A_559 = arith.addi %add3A_558, %add3A_291 : i32
        %add3A_560 = arith.constant 1 : i32
        %add3A_561 = arith.addi %add3A_559, %add3A_560 : i32
        %get3A_562 = arith.index_cast %add3A_561 : i32 to index
        %get3A_563 = arith.constant 32 : index
        %get3A_564 = tpu.vector_load %arg8[%get3A_562, %get3A_563] {strides = array<i32>} : memref<200x128xf32, #tpu.memory_space<vmem>>, vector<1x16xf32>,
        %get3A_565 = vector.shape_cast %get3A_564 : vector<1x16xf32> to vector<16xf32>
        %add3A_566 = arith.addf %get3A_557, %get3A_565 : vector<16xf32>
        %add3A_567 = arith.constant 1 : i32
        %add3A_568 = arith.addi %add3A_291, %add3A_567 : i32
        %swap3A_569 = arith.constant 1 : i32
        %swap3A_570 = arith.index_cast %swap3A_569 : i32 to index
        %swap3A_571 = arith.index_cast %add3A_568 : i32 to index
        %swap3A_572 = arith.constant 32 : index
        %swap3A_573 = tpu.vector_load %arg7[%swap3A_570, %swap3A_571, %swap3A_572] {strides = array<i32>} : memref<4x104x128xf32, #tpu.memory_space<vmem>>, vector<1x1x16xf32>,
        %swap3A_574 = vector.shape_cast %swap3A_573 : vector<1x1x16xf32> to vector<16xf32>
        %swap3A_575 = vector.shape_cast %add3A_566 : vector<16xf32> to vector<1x1x16xf32>
        tpu.vector_store %arg7[%swap3A_570, %swap3A_571, %swap3A_572], %swap3A_575 {strides = array<i32>} : memref<4x104x128xf32, #tpu.memory_space<vmem>>, vector<1x1x16xf32>,
        %add3A_576 = arith.constant 1 : i32
        %add3A_577 = arith.addi %add3A_291, %add3A_576 : i32
        %get3A_578 = arith.constant 1 : i32
        %get3A_579 = arith.index_cast %get3A_578 : i32 to index
        %get3A_580 = arith.index_cast %add3A_577 : i32 to index
        %get3A_581 = arith.constant 48 : index
        %get3A_582 = tpu.vector_load %arg7[%get3A_579, %get3A_580, %get3A_581] {strides = array<i32>} : memref<4x104x128xf32, #tpu.memory_space<vmem>>, vector<1x1x16xf32>,
        %get3A_583 = vector.shape_cast %get3A_582 : vector<1x1x16xf32> to vector<16xf32>
        %add3A_584 = arith.constant 96 : i32
        %add3A_585 = arith.addi %add3A_584, %add3A_291 : i32
        %add3A_586 = arith.constant 1 : i32
        %add3A_587 = arith.addi %add3A_585, %add3A_586 : i32
        %get3A_588 = arith.index_cast %add3A_587 : i32 to index
        %get3A_589 = arith.constant 48 : index
        %get3A_590 = tpu.vector_load %arg8[%get3A_588, %get3A_589] {strides = array<i32>} : memref<200x128xf32, #tpu.memory_space<vmem>>, vector<1x16xf32>,
        %get3A_591 = vector.shape_cast %get3A_590 : vector<1x16xf32> to vector<16xf32>
        %add3A_592 = arith.addf %get3A_583, %get3A_591 : vector<16xf32>
        %add3A_593 = arith.constant 1 : i32
        %add3A_594 = arith.addi %add3A_291, %add3A_593 : i32
        %swap3A_595 = arith.constant 1 : i32
        %swap3A_596 = arith.index_cast %swap3A_595 : i32 to index
        %swap3A_597 = arith.index_cast %add3A_594 : i32 to index
        %swap3A_598 = arith.constant 48 : index
        %swap3A_599 = tpu.vector_load %arg7[%swap3A_596, %swap3A_597, %swap3A_598] {strides = array<i32>} : memref<4x104x128xf32, #tpu.memory_space<vmem>>, vector<1x1x16xf32>,
        %swap3A_600 = vector.shape_cast %swap3A_599 : vector<1x1x16xf32> to vector<16xf32>
        %swap3A_601 = vector.shape_cast %add3A_592 : vector<16xf32> to vector<1x1x16xf32>
        tpu.vector_store %arg7[%swap3A_596, %swap3A_597, %swap3A_598], %swap3A_601 {strides = array<i32>} : memref<4x104x128xf32, #tpu.memory_space<vmem>>, vector<1x1x16xf32>,
        %add3A_602 = arith.constant 1 : i32
        %add3A_603 = arith.addi %add3A_291, %add3A_602 : i32
        %get3A_604 = arith.constant 1 : i32
        %get3A_605 = arith.index_cast %get3A_604 : i32 to index
        %get3A_606 = arith.index_cast %add3A_603 : i32 to index
        %get3A_607 = arith.constant 64 : index
        %get3A_608 = tpu.vector_load %arg7[%get3A_605, %get3A_606, %get3A_607] {strides = array<i32>} : memref<4x104x128xf32, #tpu.memory_space<vmem>>, vector<1x1x16xf32>,
        %get3A_609 = vector.shape_cast %get3A_608 : vector<1x1x16xf32> to vector<16xf32>
        %add3A_610 = arith.constant 96 : i32
        %add3A_611 = arith.addi %add3A_610, %add3A_291 : i32
        %add3A_612 = arith.constant 1 : i32
        %add3A_613 = arith.addi %add3A_611, %add3A_612 : i32
        %get3A_614 = arith.index_cast %add3A_613 : i32 to index
        %get3A_615 = arith.constant 64 : index
        %get3A_616 = tpu.vector_load %arg8[%get3A_614, %get3A_615] {strides = array<i32>} : memref<200x128xf32, #tpu.memory_space<vmem>>, vector<1x16xf32>,
        %get3A_617 = vector.shape_cast %get3A_616 : vector<1x16xf32> to vector<16xf32>
        %add3A_618 = arith.addf %get3A_609, %get3A_617 : vector<16xf32>
        %add3A_619 = arith.constant 1 : i32
        %add3A_620 = arith.addi %add3A_291, %add3A_619 : i32
        %swap3A_621 = arith.constant 1 : i32
        %swap3A_622 = arith.index_cast %swap3A_621 : i32 to index
        %swap3A_623 = arith.index_cast %add3A_620 : i32 to index
        %swap3A_624 = arith.constant 64 : index
        %swap3A_625 = tpu.vector_load %arg7[%swap3A_622, %swap3A_623, %swap3A_624] {strides = array<i32>} : memref<4x104x128xf32, #tpu.memory_space<vmem>>, vector<1x1x16xf32>,
        %swap3A_626 = vector.shape_cast %swap3A_625 : vector<1x1x16xf32> to vector<16xf32>
        %swap3A_627 = vector.shape_cast %add3A_618 : vector<16xf32> to vector<1x1x16xf32>
        tpu.vector_store %arg7[%swap3A_622, %swap3A_623, %swap3A_624], %swap3A_627 {strides = array<i32>} : memref<4x104x128xf32, #tpu.memory_space<vmem>>, vector<1x1x16xf32>,
        %add3A_628 = arith.constant 1 : i32
        %add3A_629 = arith.addi %add3A_291, %add3A_628 : i32
        %get3A_630 = arith.constant 1 : i32
        %get3A_631 = arith.index_cast %get3A_630 : i32 to index
        %get3A_632 = arith.index_cast %add3A_629 : i32 to index
        %get3A_633 = arith.constant 80 : index
        %get3A_634 = tpu.vector_load %arg7[%get3A_631, %get3A_632, %get3A_633] {strides = array<i32>} : memref<4x104x128xf32, #tpu.memory_space<vmem>>, vector<1x1x16xf32>,
        %get3A_635 = vector.shape_cast %get3A_634 : vector<1x1x16xf32> to vector<16xf32>
        %add3A_636 = arith.constant 96 : i32
        %add3A_637 = arith.addi %add3A_636, %add3A_291 : i32
        %add3A_638 = arith.constant 1 : i32
        %add3A_639 = arith.addi %add3A_637, %add3A_638 : i32
        %get3A_640 = arith.index_cast %add3A_639 : i32 to index
        %get3A_641 = arith.constant 80 : index
        %get3A_642 = tpu.vector_load %arg8[%get3A_640, %get3A_641] {strides = array<i32>} : memref<200x128xf32, #tpu.memory_space<vmem>>, vector<1x16xf32>,
        %get3A_643 = vector.shape_cast %get3A_642 : vector<1x16xf32> to vector<16xf32>
        %add3A_644 = arith.addf %get3A_635, %get3A_643 : vector<16xf32>
        %add3A_645 = arith.constant 1 : i32
        %add3A_646 = arith.addi %add3A_291, %add3A_645 : i32
        %swap3A_647 = arith.constant 1 : i32
        %swap3A_648 = arith.index_cast %swap3A_647 : i32 to index
        %swap3A_649 = arith.index_cast %add3A_646 : i32 to index
        %swap3A_650 = arith.constant 80 : index
        %swap3A_651 = tpu.vector_load %arg7[%swap3A_648, %swap3A_649, %swap3A_650] {strides = array<i32>} : memref<4x104x128xf32, #tpu.memory_space<vmem>>, vector<1x1x16xf32>,
        %swap3A_652 = vector.shape_cast %swap3A_651 : vector<1x1x16xf32> to vector<16xf32>
        %swap3A_653 = vector.shape_cast %add3A_644 : vector<16xf32> to vector<1x1x16xf32>
        tpu.vector_store %arg7[%swap3A_648, %swap3A_649, %swap3A_650], %swap3A_653 {strides = array<i32>} : memref<4x104x128xf32, #tpu.memory_space<vmem>>, vector<1x1x16xf32>,
        %add3A_654 = arith.constant 1 : i32
        %add3A_655 = arith.addi %add3A_291, %add3A_654 : i32
        %get3A_656 = arith.constant 1 : i32
        %get3A_657 = arith.index_cast %get3A_656 : i32 to index
        %get3A_658 = arith.index_cast %add3A_655 : i32 to index
        %get3A_659 = arith.constant 96 : index
        %get3A_660 = tpu.vector_load %arg7[%get3A_657, %get3A_658, %get3A_659] {strides = array<i32>} : memref<4x104x128xf32, #tpu.memory_space<vmem>>, vector<1x1x16xf32>,
        %get3A_661 = vector.shape_cast %get3A_660 : vector<1x1x16xf32> to vector<16xf32>
        %add3A_662 = arith.constant 96 : i32
        %add3A_663 = arith.addi %add3A_662, %add3A_291 : i32
        %add3A_664 = arith.constant 1 : i32
        %add3A_665 = arith.addi %add3A_663, %add3A_664 : i32
        %get3A_666 = arith.index_cast %add3A_665 : i32 to index
        %get3A_667 = arith.constant 96 : index
        %get3A_668 = tpu.vector_load %arg8[%get3A_666, %get3A_667] {strides = array<i32>} : memref<200x128xf32, #tpu.memory_space<vmem>>, vector<1x16xf32>,
        %get3A_669 = vector.shape_cast %get3A_668 : vector<1x16xf32> to vector<16xf32>
        %add3A_670 = arith.addf %get3A_661, %get3A_669 : vector<16xf32>
        %add3A_671 = arith.constant 1 : i32
        %add3A_672 = arith.addi %add3A_291, %add3A_671 : i32
        %swap3A_673 = arith.constant 1 : i32
        %swap3A_674 = arith.index_cast %swap3A_673 : i32 to index
        %swap3A_675 = arith.index_cast %add3A_672 : i32 to index
        %swap3A_676 = arith.constant 96 : index
        %swap3A_677 = tpu.vector_load %arg7[%swap3A_674, %swap3A_675, %swap3A_676] {strides = array<i32>} : memref<4x104x128xf32, #tpu.memory_space<vmem>>, vector<1x1x16xf32>,
        %swap3A_678 = vector.shape_cast %swap3A_677 : vector<1x1x16xf32> to vector<16xf32>
        %swap3A_679 = vector.shape_cast %add3A_670 : vector<16xf32> to vector<1x1x16xf32>
        tpu.vector_store %arg7[%swap3A_674, %swap3A_675, %swap3A_676], %swap3A_679 {strides = array<i32>} : memref<4x104x128xf32, #tpu.memory_space<vmem>>, vector<1x1x16xf32>,
        %add3A_680 = arith.constant 1 : i32
        %add3A_681 = arith.addi %add3A_291, %add3A_680 : i32
        %get3A_682 = arith.constant 1 : i32
        %get3A_683 = arith.index_cast %get3A_682 : i32 to index
        %get3A_684 = arith.index_cast %add3A_681 : i32 to index
        %get3A_685 = arith.constant 112 : index
        %get3A_686 = tpu.vector_load %arg7[%get3A_683, %get3A_684, %get3A_685] {strides = array<i32>} : memref<4x104x128xf32, #tpu.memory_space<vmem>>, vector<1x1x16xf32>,
        %get3A_687 = vector.shape_cast %get3A_686 : vector<1x1x16xf32> to vector<16xf32>
        %add3A_688 = arith.constant 96 : i32
        %add3A_689 = arith.addi %add3A_688, %add3A_291 : i32
        %add3A_690 = arith.constant 1 : i32
        %add3A_691 = arith.addi %add3A_689, %add3A_690 : i32
        %get3A_692 = arith.index_cast %add3A_691 : i32 to index
        %get3A_693 = arith.constant 112 : index
        %get3A_694 = tpu.vector_load %arg8[%get3A_692, %get3A_693] {strides = array<i32>} : memref<200x128xf32, #tpu.memory_space<vmem>>, vector<1x16xf32>,
        %get3A_695 = vector.shape_cast %get3A_694 : vector<1x16xf32> to vector<16xf32>
        %add3A_696 = arith.addf %get3A_687, %get3A_695 : vector<16xf32>
        %add3A_697 = arith.constant 1 : i32
        %add3A_698 = arith.addi %add3A_291, %add3A_697 : i32
        %swap3A_699 = arith.constant 1 : i32
        %swap3A_700 = arith.index_cast %swap3A_699 : i32 to index
        %swap3A_701 = arith.index_cast %add3A_698 : i32 to index
        %swap3A_702 = arith.constant 112 : index
        %swap3A_703 = tpu.vector_load %arg7[%swap3A_700, %swap3A_701, %swap3A_702] {strides = array<i32>} : memref<4x104x128xf32, #tpu.memory_space<vmem>>, vector<1x1x16xf32>,
        %swap3A_704 = vector.shape_cast %swap3A_703 : vector<1x1x16xf32> to vector<16xf32>
        %swap3A_705 = vector.shape_cast %add3A_696 : vector<16xf32> to vector<1x1x16xf32>
        tpu.vector_store %arg7[%swap3A_700, %swap3A_701, %swap3A_702], %swap3A_705 {strides = array<i32>} : memref<4x104x128xf32, #tpu.memory_space<vmem>>, vector<1x1x16xf32>,
      }
      %scan3A_176 = arith.constant 52 : i32
      %add3A_177 = arith.addi %mul3A_2, %add3A_150 : i32
      %dma_start3A_178 = arith.constant 1 : i32
      %dma_start3A_179 = arith.constant 0 : i32
      %dma_start3A_180 = arith.constant 0 : i32
      %dma_start3A_181 = tpu.memref_slice %arg7[%dma_start3A_178, %dma_start3A_179, %dma_start3A_180] : memref<4x104x128xf32, #tpu.memory_space<vmem>> -> memref<1x104x128xf32, #tpu.memory_space<vmem>>
      %dma_start3A_182 = tpu.memref_squeeze %dma_start3A_181 : memref<1x104x128xf32, #tpu.memory_space<vmem>> -> memref<104x128xf32, #tpu.memory_space<vmem>>
      %dma_start3A_183 = arith.constant 96 : i32
      %dma_start3A_184 = arith.constant 0 : i32
      %dma_start3A_185 = tpu.memref_slice %arg5[%add3A_177, %dma_start3A_183, %dma_start3A_184] : memref<1024x200x128xf32, #tpu.memory_space<hbm>> -> memref<1x104x128xf32, #tpu.memory_space<hbm>>
      %dma_start3A_186 = tpu.memref_squeeze %dma_start3A_185 : memref<1x104x128xf32, #tpu.memory_space<hbm>> -> memref<104x128xf32, #tpu.memory_space<hbm>>
      %dma_start3A_187 = arith.constant 96 : i32
      %dma_start3A_188 = arith.constant 0 : i32
      %dma_start3A_189 = tpu.memref_slice %arg5[%add3A_177, %dma_start3A_187, %dma_start3A_188] : memref<1024x200x128xf32, #tpu.memory_space<hbm>> -> memref<1x104x128xf32, #tpu.memory_space<hbm>>
      %dma_start3A_190 = tpu.memref_squeeze %dma_start3A_189 : memref<1x104x128xf32, #tpu.memory_space<hbm>> -> memref<104x128xf32, #tpu.memory_space<hbm>>
      %dma_start3A_191 = arith.constant 0 : i32
      %dma_start3A_192 = arith.constant 0 : i32
      %dma_start3A_193 = tpu.memref_slice %arg7[%dma_start3A_178, %dma_start3A_191, %dma_start3A_192] : memref<4x104x128xf32, #tpu.memory_space<vmem>> -> memref<1x104x128xf32, #tpu.memory_space<vmem>>
      %dma_start3A_194 = tpu.memref_squeeze %dma_start3A_193 : memref<1x104x128xf32, #tpu.memory_space<vmem>> -> memref<104x128xf32, #tpu.memory_space<vmem>>
      tpu.enqueue_dma source(%dma_start3A_194 : memref<104x128xf32, #tpu.memory_space<vmem>>) target(%dma_start3A_190 : memref<104x128xf32, #tpu.memory_space<hbm>>) target_semaphore(%arg14 : memref<!tpu.dma_semaphore, #tpu.memory_space<semaphore_mem>>)
      %add3A_195 = arith.constant 1 : i32
      %add3A_196 = arith.addi %add3A_105, %add3A_195 : i32
      %mul3A_197 = arith.constant 2 : i32
      %mul3A_198 = arith.muli %mul3A_197, %add3A_196 : i32
      %add3A_199 = arith.constant 0 : i32
      %add3A_200 = arith.addi %mul3A_198, %add3A_199 : i32
      %add3A_201 = arith.constant 2 : i32
      %add3A_202 = arith.addi %add3A_200, %add3A_201 : i32
      %lt3A_203 = arith.constant 64 : i32
      %lt3A_204 = arith.cmpi slt, %add3A_202, %lt3A_203 : i32
      %convert_element_type3A_205 = arith.extui %lt3A_204 : i1 to i32
      %cond3A_206 = arith.constant 0 : i32
      %cond3A_207 = arith.cmpi ne, %convert_element_type3A_205, %cond3A_206 : i32
      scf.if %cond3A_207 {
        %ge3A = arith.constant 2 : i32
        %ge3A_287 = arith.cmpi sge, %add3A_200, %ge3A : i32
        %convert_element_type3A_288 = arith.extui %ge3A_287 : i1 to i32
        %cond3A_289 = arith.constant 0 : i32
        %cond3A_290 = arith.cmpi ne, %convert_element_type3A_288, %cond3A_289 : i32
        scf.if %cond3A_290 {
          %dma_wait3A_306 = arith.constant 0 : i32
          %dma_wait3A_307 = arith.constant 0 : i32
          %dma_wait3A_308 = arith.constant 0 : i32
          %dma_wait3A_309 = tpu.memref_slice %arg7[%dma_wait3A_306, %dma_wait3A_307, %dma_wait3A_308] : memref<4x104x128xf32, #tpu.memory_space<vmem>> -> memref<1x96x128xf32, #tpu.memory_space<vmem>>
          %dma_wait3A_310 = tpu.memref_squeeze %dma_wait3A_309 : memref<1x96x128xf32, #tpu.memory_space<vmem>> -> memref<96x128xf32, #tpu.memory_space<vmem>>
          %dma_wait3A_311 = arith.constant 0 : i32
          %dma_wait3A_312 = arith.constant 0 : i32
          %dma_wait3A_313 = tpu.memref_slice %arg5[%mul3A_2, %dma_wait3A_311, %dma_wait3A_312] : memref<1024x200x128xf32, #tpu.memory_space<hbm>> -> memref<1x96x128xf32, #tpu.memory_space<hbm>>
          %dma_wait3A_314 = tpu.memref_squeeze %dma_wait3A_313 : memref<1x96x128xf32, #tpu.memory_space<hbm>> -> memref<96x128xf32, #tpu.memory_space<hbm>>
          %dma_wait3A_315 = arith.constant 0 : i32
          %dma_wait3A_316 = arith.constant 0 : i32
          %dma_wait3A_317 = tpu.memref_slice %arg5[%mul3A_2, %dma_wait3A_315, %dma_wait3A_316] : memref<1024x200x128xf32, #tpu.memory_space<hbm>> -> memref<1x96x128xf32, #tpu.memory_space<hbm>>
          %dma_wait3A_318 = tpu.memref_squeeze %dma_wait3A_317 : memref<1x96x128xf32, #tpu.memory_space<hbm>> -> memref<96x128xf32, #tpu.memory_space<hbm>>
          %dma_wait3A_319 = arith.constant 0 : i32
          %dma_wait3A_320 = arith.constant 0 : i32
          %dma_wait3A_321 = tpu.memref_slice %arg7[%dma_wait3A_306, %dma_wait3A_319, %dma_wait3A_320] : memref<4x104x128xf32, #tpu.memory_space<vmem>> -> memref<1x96x128xf32, #tpu.memory_space<vmem>>
          %dma_wait3A_322 = tpu.memref_squeeze %dma_wait3A_321 : memref<1x96x128xf32, #tpu.memory_space<vmem>> -> memref<96x128xf32, #tpu.memory_space<vmem>>
          tpu.wait_dma2 semaphore(%arg13 : memref<!tpu.dma_semaphore, #tpu.memory_space<semaphore_mem>>) src(%dma_wait3A_322 : memref<96x128xf32, #tpu.memory_space<vmem>>) dst(%dma_wait3A_318 : memref<96x128xf32, #tpu.memory_space<hbm>>)
        } else {
        }
        %add3A_291 = arith.constant 1 : i32
        %add3A_292 = arith.addi %add3A_196, %add3A_291 : i32
        %mul3A_293 = arith.constant 200 : i32
        %mul3A_294 = arith.muli %add3A_292, %mul3A_293 : i32
        %add3A_295 = arith.constant 0 : i32
        %add3A_296 = arith.addi %mul3A_294, %add3A_295 : i32
        %dma_start3A_297 = arith.constant 0 : i32
        %dma_start3A_298 = arith.constant 0 : i32
        %dma_start3A_299 = arith.constant 0 : i32
        %dma_start3A_300 = tpu.memref_slice %arg7[%dma_start3A_297, %dma_start3A_298, %dma_start3A_299] : memref<4x104x128xf32, #tpu.memory_space<vmem>> -> memref<1x96x128xf32, #tpu.memory_space<vmem>>
        %dma_start3A_301 = tpu.memref_squeeze %dma_start3A_300 : memref<1x96x128xf32, #tpu.memory_space<vmem>> -> memref<96x128xf32, #tpu.memory_space<vmem>>
        %dma_start3A_302 = tpu.memref_slice %arg6[%add3A_296] : memref<6400xi32, #tpu.memory_space<vmem>> -> memref<96xi32, #tpu.memory_space<vmem>>
        %dma_start3A_303 = arith.constant 0 : i32
        %dma_start3A_304 = arith.constant 0 : i32
        %dma_start3A_305 = tpu.memref_slice %arg3[%dma_start3A_303, %dma_start3A_304] : memref<100000x128xf32, #tpu.memory_space<hbm>> -> memref<100000x128xf32, #tpu.memory_space<hbm>>
        tpu.enqueue_indirect_dma source(%dma_start3A_305 : memref<100000x128xf32, #tpu.memory_space<hbm>>) target(%dma_start3A_301 : memref<96x128xf32, #tpu.memory_space<vmem>>) offsets(%dma_start3A_302 : memref<96xi32, #tpu.memory_space<vmem>>) semaphore(%arg9 : memref<!tpu.dma_semaphore, #tpu.memory_space<semaphore_mem>>)
      } else {
      }
      %dma_wait3A_208 = arith.constant 2 : i32
      %dma_wait3A_209 = arith.constant 0 : i32
      %dma_wait3A_210 = arith.constant 0 : i32
      %dma_wait3A_211 = tpu.memref_slice %arg7[%dma_wait3A_208, %dma_wait3A_209, %dma_wait3A_210] : memref<4x104x128xf32, #tpu.memory_space<vmem>> -> memref<1x96x128xf32, #tpu.memory_space<vmem>>
      %dma_wait3A_212 = tpu.memref_squeeze %dma_wait3A_211 : memref<1x96x128xf32, #tpu.memory_space<vmem>> -> memref<96x128xf32, #tpu.memory_space<vmem>>
      %dma_wait3A_213 = arith.constant 0 : i32
      %dma_wait3A_214 = tpu.memref_slice %arg6[%dma_wait3A_213] : memref<6400xi32, #tpu.memory_space<vmem>> -> memref<96xi32, #tpu.memory_space<vmem>>
      %dma_wait3A_215 = arith.constant 0 : i32
      %dma_wait3A_216 = arith.constant 0 : i32
      %dma_wait3A_217 = tpu.memref_slice %arg3[%dma_wait3A_215, %dma_wait3A_216] : memref<100000x128xf32, #tpu.memory_space<hbm>> -> memref<100000x128xf32, #tpu.memory_space<hbm>>
      tpu.wait_indirect_dma semaphore(%arg11 : memref<!tpu.dma_semaphore, #tpu.memory_space<semaphore_mem>>) src(%dma_wait3A_217 : memref<100000x128xf32, #tpu.memory_space<hbm>>) dst(%dma_wait3A_212 : memref<96x128xf32, #tpu.memory_space<vmem>>)
      %scan3A_218 = arith.constant 0 : i32
      %scan3A_219 = arith.constant 48 : i32
      %scan3A_220 = arith.addi %scan3A_218, %scan3A_219 : i32
      %scan3A_221 = arith.constant 1 : i32
      scf.for %scan3A_287 = %scan3A_218 to %scan3A_220 step %scan3A_221  : i32 {
        %mul3A_288 = arith.constant 2 : i32
        %mul3A_289 = arith.muli %scan3A_287, %mul3A_288 : i32
        %add3A_290 = arith.constant 0 : i32
        %add3A_291 = arith.addi %add3A_290, %mul3A_289 : i32
        %add3A_292 = arith.constant 0 : i32
        %add3A_293 = arith.addi %add3A_291, %add3A_292 : i32
        %get3A = arith.constant 2 : i32
        %get3A_294 = arith.index_cast %get3A : i32 to index
        %get3A_295 = arith.index_cast %add3A_293 : i32 to index
        %get3A_296 = arith.constant 0 : index
        %get3A_297 = tpu.vector_load %arg7[%get3A_294, %get3A_295, %get3A_296] {strides = array<i32>} : memref<4x104x128xf32, #tpu.memory_space<vmem>>, vector<1x1x16xf32>,
        %get3A_298 = vector.shape_cast %get3A_297 : vector<1x1x16xf32> to vector<16xf32>
        %add3A_299 = arith.constant 0 : i32
        %add3A_300 = arith.addi %add3A_299, %add3A_291 : i32
        %add3A_301 = arith.constant 0 : i32
        %add3A_302 = arith.addi %add3A_300, %add3A_301 : i32
        %get3A_303 = arith.index_cast %add3A_302 : i32 to index
        %get3A_304 = arith.constant 0 : index
        %get3A_305 = tpu.vector_load %arg8[%get3A_303, %get3A_304] {strides = array<i32>} : memref<200x128xf32, #tpu.memory_space<vmem>>, vector<1x16xf32>,
        %get3A_306 = vector.shape_cast %get3A_305 : vector<1x16xf32> to vector<16xf32>
        %add3A_307 = arith.addf %get3A_298, %get3A_306 : vector<16xf32>
        %add3A_308 = arith.constant 0 : i32
        %add3A_309 = arith.addi %add3A_291, %add3A_308 : i32
        %swap3A = arith.constant 2 : i32
        %swap3A_310 = arith.index_cast %swap3A : i32 to index
        %swap3A_311 = arith.index_cast %add3A_309 : i32 to index
        %swap3A_312 = arith.constant 0 : index
        %swap3A_313 = tpu.vector_load %arg7[%swap3A_310, %swap3A_311, %swap3A_312] {strides = array<i32>} : memref<4x104x128xf32, #tpu.memory_space<vmem>>, vector<1x1x16xf32>,
        %swap3A_314 = vector.shape_cast %swap3A_313 : vector<1x1x16xf32> to vector<16xf32>
        %swap3A_315 = vector.shape_cast %add3A_307 : vector<16xf32> to vector<1x1x16xf32>
        tpu.vector_store %arg7[%swap3A_310, %swap3A_311, %swap3A_312], %swap3A_315 {strides = array<i32>} : memref<4x104x128xf32, #tpu.memory_space<vmem>>, vector<1x1x16xf32>,
        %add3A_316 = arith.constant 0 : i32
        %add3A_317 = arith.addi %add3A_291, %add3A_316 : i32
        %get3A_318 = arith.constant 2 : i32
        %get3A_319 = arith.index_cast %get3A_318 : i32 to index
        %get3A_320 = arith.index_cast %add3A_317 : i32 to index
        %get3A_321 = arith.constant 16 : index
        %get3A_322 = tpu.vector_load %arg7[%get3A_319, %get3A_320, %get3A_321] {strides = array<i32>} : memref<4x104x128xf32, #tpu.memory_space<vmem>>, vector<1x1x16xf32>,
        %get3A_323 = vector.shape_cast %get3A_322 : vector<1x1x16xf32> to vector<16xf32>
        %add3A_324 = arith.constant 0 : i32
        %add3A_325 = arith.addi %add3A_324, %add3A_291 : i32
        %add3A_326 = arith.constant 0 : i32
        %add3A_327 = arith.addi %add3A_325, %add3A_326 : i32
        %get3A_328 = arith.index_cast %add3A_327 : i32 to index
        %get3A_329 = arith.constant 16 : index
        %get3A_330 = tpu.vector_load %arg8[%get3A_328, %get3A_329] {strides = array<i32>} : memref<200x128xf32, #tpu.memory_space<vmem>>, vector<1x16xf32>,
        %get3A_331 = vector.shape_cast %get3A_330 : vector<1x16xf32> to vector<16xf32>
        %add3A_332 = arith.addf %get3A_323, %get3A_331 : vector<16xf32>
        %add3A_333 = arith.constant 0 : i32
        %add3A_334 = arith.addi %add3A_291, %add3A_333 : i32
        %swap3A_335 = arith.constant 2 : i32
        %swap3A_336 = arith.index_cast %swap3A_335 : i32 to index
        %swap3A_337 = arith.index_cast %add3A_334 : i32 to index
        %swap3A_338 = arith.constant 16 : index
        %swap3A_339 = tpu.vector_load %arg7[%swap3A_336, %swap3A_337, %swap3A_338] {strides = array<i32>} : memref<4x104x128xf32, #tpu.memory_space<vmem>>, vector<1x1x16xf32>,
        %swap3A_340 = vector.shape_cast %swap3A_339 : vector<1x1x16xf32> to vector<16xf32>
        %swap3A_341 = vector.shape_cast %add3A_332 : vector<16xf32> to vector<1x1x16xf32>
        tpu.vector_store %arg7[%swap3A_336, %swap3A_337, %swap3A_338], %swap3A_341 {strides = array<i32>} : memref<4x104x128xf32, #tpu.memory_space<vmem>>, vector<1x1x16xf32>,
        %add3A_342 = arith.constant 0 : i32
        %add3A_343 = arith.addi %add3A_291, %add3A_342 : i32
        %get3A_344 = arith.constant 2 : i32
        %get3A_345 = arith.index_cast %get3A_344 : i32 to index
        %get3A_346 = arith.index_cast %add3A_343 : i32 to index
        %get3A_347 = arith.constant 32 : index
        %get3A_348 = tpu.vector_load %arg7[%get3A_345, %get3A_346, %get3A_347] {strides = array<i32>} : memref<4x104x128xf32, #tpu.memory_space<vmem>>, vector<1x1x16xf32>,
        %get3A_349 = vector.shape_cast %get3A_348 : vector<1x1x16xf32> to vector<16xf32>
        %add3A_350 = arith.constant 0 : i32
        %add3A_351 = arith.addi %add3A_350, %add3A_291 : i32
        %add3A_352 = arith.constant 0 : i32
        %add3A_353 = arith.addi %add3A_351, %add3A_352 : i32
        %get3A_354 = arith.index_cast %add3A_353 : i32 to index
        %get3A_355 = arith.constant 32 : index
        %get3A_356 = tpu.vector_load %arg8[%get3A_354, %get3A_355] {strides = array<i32>} : memref<200x128xf32, #tpu.memory_space<vmem>>, vector<1x16xf32>,
        %get3A_357 = vector.shape_cast %get3A_356 : vector<1x16xf32> to vector<16xf32>
        %add3A_358 = arith.addf %get3A_349, %get3A_357 : vector<16xf32>
        %add3A_359 = arith.constant 0 : i32
        %add3A_360 = arith.addi %add3A_291, %add3A_359 : i32
        %swap3A_361 = arith.constant 2 : i32
        %swap3A_362 = arith.index_cast %swap3A_361 : i32 to index
        %swap3A_363 = arith.index_cast %add3A_360 : i32 to index
        %swap3A_364 = arith.constant 32 : index
        %swap3A_365 = tpu.vector_load %arg7[%swap3A_362, %swap3A_363, %swap3A_364] {strides = array<i32>} : memref<4x104x128xf32, #tpu.memory_space<vmem>>, vector<1x1x16xf32>,
        %swap3A_366 = vector.shape_cast %swap3A_365 : vector<1x1x16xf32> to vector<16xf32>
        %swap3A_367 = vector.shape_cast %add3A_358 : vector<16xf32> to vector<1x1x16xf32>
        tpu.vector_store %arg7[%swap3A_362, %swap3A_363, %swap3A_364], %swap3A_367 {strides = array<i32>} : memref<4x104x128xf32, #tpu.memory_space<vmem>>, vector<1x1x16xf32>,
        %add3A_368 = arith.constant 0 : i32
        %add3A_369 = arith.addi %add3A_291, %add3A_368 : i32
        %get3A_370 = arith.constant 2 : i32
        %get3A_371 = arith.index_cast %get3A_370 : i32 to index
        %get3A_372 = arith.index_cast %add3A_369 : i32 to index
        %get3A_373 = arith.constant 48 : index
        %get3A_374 = tpu.vector_load %arg7[%get3A_371, %get3A_372, %get3A_373] {strides = array<i32>} : memref<4x104x128xf32, #tpu.memory_space<vmem>>, vector<1x1x16xf32>,
        %get3A_375 = vector.shape_cast %get3A_374 : vector<1x1x16xf32> to vector<16xf32>
        %add3A_376 = arith.constant 0 : i32
        %add3A_377 = arith.addi %add3A_376, %add3A_291 : i32
        %add3A_378 = arith.constant 0 : i32
        %add3A_379 = arith.addi %add3A_377, %add3A_378 : i32
        %get3A_380 = arith.index_cast %add3A_379 : i32 to index
        %get3A_381 = arith.constant 48 : index
        %get3A_382 = tpu.vector_load %arg8[%get3A_380, %get3A_381] {strides = array<i32>} : memref<200x128xf32, #tpu.memory_space<vmem>>, vector<1x16xf32>,
        %get3A_383 = vector.shape_cast %get3A_382 : vector<1x16xf32> to vector<16xf32>
        %add3A_384 = arith.addf %get3A_375, %get3A_383 : vector<16xf32>
        %add3A_385 = arith.constant 0 : i32
        %add3A_386 = arith.addi %add3A_291, %add3A_385 : i32
        %swap3A_387 = arith.constant 2 : i32
        %swap3A_388 = arith.index_cast %swap3A_387 : i32 to index
        %swap3A_389 = arith.index_cast %add3A_386 : i32 to index
        %swap3A_390 = arith.constant 48 : index
        %swap3A_391 = tpu.vector_load %arg7[%swap3A_388, %swap3A_389, %swap3A_390] {strides = array<i32>} : memref<4x104x128xf32, #tpu.memory_space<vmem>>, vector<1x1x16xf32>,
        %swap3A_392 = vector.shape_cast %swap3A_391 : vector<1x1x16xf32> to vector<16xf32>
        %swap3A_393 = vector.shape_cast %add3A_384 : vector<16xf32> to vector<1x1x16xf32>
        tpu.vector_store %arg7[%swap3A_388, %swap3A_389, %swap3A_390], %swap3A_393 {strides = array<i32>} : memref<4x104x128xf32, #tpu.memory_space<vmem>>, vector<1x1x16xf32>,
        %add3A_394 = arith.constant 0 : i32
        %add3A_395 = arith.addi %add3A_291, %add3A_394 : i32
        %get3A_396 = arith.constant 2 : i32
        %get3A_397 = arith.index_cast %get3A_396 : i32 to index
        %get3A_398 = arith.index_cast %add3A_395 : i32 to index
        %get3A_399 = arith.constant 64 : index
        %get3A_400 = tpu.vector_load %arg7[%get3A_397, %get3A_398, %get3A_399] {strides = array<i32>} : memref<4x104x128xf32, #tpu.memory_space<vmem>>, vector<1x1x16xf32>,
        %get3A_401 = vector.shape_cast %get3A_400 : vector<1x1x16xf32> to vector<16xf32>
        %add3A_402 = arith.constant 0 : i32
        %add3A_403 = arith.addi %add3A_402, %add3A_291 : i32
        %add3A_404 = arith.constant 0 : i32
        %add3A_405 = arith.addi %add3A_403, %add3A_404 : i32
        %get3A_406 = arith.index_cast %add3A_405 : i32 to index
        %get3A_407 = arith.constant 64 : index
        %get3A_408 = tpu.vector_load %arg8[%get3A_406, %get3A_407] {strides = array<i32>} : memref<200x128xf32, #tpu.memory_space<vmem>>, vector<1x16xf32>,
        %get3A_409 = vector.shape_cast %get3A_408 : vector<1x16xf32> to vector<16xf32>
        %add3A_410 = arith.addf %get3A_401, %get3A_409 : vector<16xf32>
        %add3A_411 = arith.constant 0 : i32
        %add3A_412 = arith.addi %add3A_291, %add3A_411 : i32
        %swap3A_413 = arith.constant 2 : i32
        %swap3A_414 = arith.index_cast %swap3A_413 : i32 to index
        %swap3A_415 = arith.index_cast %add3A_412 : i32 to index
        %swap3A_416 = arith.constant 64 : index
        %swap3A_417 = tpu.vector_load %arg7[%swap3A_414, %swap3A_415, %swap3A_416] {strides = array<i32>} : memref<4x104x128xf32, #tpu.memory_space<vmem>>, vector<1x1x16xf32>,
        %swap3A_418 = vector.shape_cast %swap3A_417 : vector<1x1x16xf32> to vector<16xf32>
        %swap3A_419 = vector.shape_cast %add3A_410 : vector<16xf32> to vector<1x1x16xf32>
        tpu.vector_store %arg7[%swap3A_414, %swap3A_415, %swap3A_416], %swap3A_419 {strides = array<i32>} : memref<4x104x128xf32, #tpu.memory_space<vmem>>, vector<1x1x16xf32>,
        %add3A_420 = arith.constant 0 : i32
        %add3A_421 = arith.addi %add3A_291, %add3A_420 : i32
        %get3A_422 = arith.constant 2 : i32
        %get3A_423 = arith.index_cast %get3A_422 : i32 to index
        %get3A_424 = arith.index_cast %add3A_421 : i32 to index
        %get3A_425 = arith.constant 80 : index
        %get3A_426 = tpu.vector_load %arg7[%get3A_423, %get3A_424, %get3A_425] {strides = array<i32>} : memref<4x104x128xf32, #tpu.memory_space<vmem>>, vector<1x1x16xf32>,
        %get3A_427 = vector.shape_cast %get3A_426 : vector<1x1x16xf32> to vector<16xf32>
        %add3A_428 = arith.constant 0 : i32
        %add3A_429 = arith.addi %add3A_428, %add3A_291 : i32
        %add3A_430 = arith.constant 0 : i32
        %add3A_431 = arith.addi %add3A_429, %add3A_430 : i32
        %get3A_432 = arith.index_cast %add3A_431 : i32 to index
        %get3A_433 = arith.constant 80 : index
        %get3A_434 = tpu.vector_load %arg8[%get3A_432, %get3A_433] {strides = array<i32>} : memref<200x128xf32, #tpu.memory_space<vmem>>, vector<1x16xf32>,
        %get3A_435 = vector.shape_cast %get3A_434 : vector<1x16xf32> to vector<16xf32>
        %add3A_436 = arith.addf %get3A_427, %get3A_435 : vector<16xf32>
        %add3A_437 = arith.constant 0 : i32
        %add3A_438 = arith.addi %add3A_291, %add3A_437 : i32
        %swap3A_439 = arith.constant 2 : i32
        %swap3A_440 = arith.index_cast %swap3A_439 : i32 to index
        %swap3A_441 = arith.index_cast %add3A_438 : i32 to index
        %swap3A_442 = arith.constant 80 : index
        %swap3A_443 = tpu.vector_load %arg7[%swap3A_440, %swap3A_441, %swap3A_442] {strides = array<i32>} : memref<4x104x128xf32, #tpu.memory_space<vmem>>, vector<1x1x16xf32>,
        %swap3A_444 = vector.shape_cast %swap3A_443 : vector<1x1x16xf32> to vector<16xf32>
        %swap3A_445 = vector.shape_cast %add3A_436 : vector<16xf32> to vector<1x1x16xf32>
        tpu.vector_store %arg7[%swap3A_440, %swap3A_441, %swap3A_442], %swap3A_445 {strides = array<i32>} : memref<4x104x128xf32, #tpu.memory_space<vmem>>, vector<1x1x16xf32>,
        %add3A_446 = arith.constant 0 : i32
        %add3A_447 = arith.addi %add3A_291, %add3A_446 : i32
        %get3A_448 = arith.constant 2 : i32
        %get3A_449 = arith.index_cast %get3A_448 : i32 to index
        %get3A_450 = arith.index_cast %add3A_447 : i32 to index
        %get3A_451 = arith.constant 96 : index
        %get3A_452 = tpu.vector_load %arg7[%get3A_449, %get3A_450, %get3A_451] {strides = array<i32>} : memref<4x104x128xf32, #tpu.memory_space<vmem>>, vector<1x1x16xf32>,
        %get3A_453 = vector.shape_cast %get3A_452 : vector<1x1x16xf32> to vector<16xf32>
        %add3A_454 = arith.constant 0 : i32
        %add3A_455 = arith.addi %add3A_454, %add3A_291 : i32
        %add3A_456 = arith.constant 0 : i32
        %add3A_457 = arith.addi %add3A_455, %add3A_456 : i32
        %get3A_458 = arith.index_cast %add3A_457 : i32 to index
        %get3A_459 = arith.constant 96 : index
        %get3A_460 = tpu.vector_load %arg8[%get3A_458, %get3A_459] {strides = array<i32>} : memref<200x128xf32, #tpu.memory_space<vmem>>, vector<1x16xf32>,
        %get3A_461 = vector.shape_cast %get3A_460 : vector<1x16xf32> to vector<16xf32>
        %add3A_462 = arith.addf %get3A_453, %get3A_461 : vector<16xf32>
        %add3A_463 = arith.constant 0 : i32
        %add3A_464 = arith.addi %add3A_291, %add3A_463 : i32
        %swap3A_465 = arith.constant 2 : i32
        %swap3A_466 = arith.index_cast %swap3A_465 : i32 to index
        %swap3A_467 = arith.index_cast %add3A_464 : i32 to index
        %swap3A_468 = arith.constant 96 : index
        %swap3A_469 = tpu.vector_load %arg7[%swap3A_466, %swap3A_467, %swap3A_468] {strides = array<i32>} : memref<4x104x128xf32, #tpu.memory_space<vmem>>, vector<1x1x16xf32>,
        %swap3A_470 = vector.shape_cast %swap3A_469 : vector<1x1x16xf32> to vector<16xf32>
        %swap3A_471 = vector.shape_cast %add3A_462 : vector<16xf32> to vector<1x1x16xf32>
        tpu.vector_store %arg7[%swap3A_466, %swap3A_467, %swap3A_468], %swap3A_471 {strides = array<i32>} : memref<4x104x128xf32, #tpu.memory_space<vmem>>, vector<1x1x16xf32>,
        %add3A_472 = arith.constant 0 : i32
        %add3A_473 = arith.addi %add3A_291, %add3A_472 : i32
        %get3A_474 = arith.constant 2 : i32
        %get3A_475 = arith.index_cast %get3A_474 : i32 to index
        %get3A_476 = arith.index_cast %add3A_473 : i32 to index
        %get3A_477 = arith.constant 112 : index
        %get3A_478 = tpu.vector_load %arg7[%get3A_475, %get3A_476, %get3A_477] {strides = array<i32>} : memref<4x104x128xf32, #tpu.memory_space<vmem>>, vector<1x1x16xf32>,
        %get3A_479 = vector.shape_cast %get3A_478 : vector<1x1x16xf32> to vector<16xf32>
        %add3A_480 = arith.constant 0 : i32
        %add3A_481 = arith.addi %add3A_480, %add3A_291 : i32
        %add3A_482 = arith.constant 0 : i32
        %add3A_483 = arith.addi %add3A_481, %add3A_482 : i32
        %get3A_484 = arith.index_cast %add3A_483 : i32 to index
        %get3A_485 = arith.constant 112 : index
        %get3A_486 = tpu.vector_load %arg8[%get3A_484, %get3A_485] {strides = array<i32>} : memref<200x128xf32, #tpu.memory_space<vmem>>, vector<1x16xf32>,
        %get3A_487 = vector.shape_cast %get3A_486 : vector<1x16xf32> to vector<16xf32>
        %add3A_488 = arith.addf %get3A_479, %get3A_487 : vector<16xf32>
        %add3A_489 = arith.constant 0 : i32
        %add3A_490 = arith.addi %add3A_291, %add3A_489 : i32
        %swap3A_491 = arith.constant 2 : i32
        %swap3A_492 = arith.index_cast %swap3A_491 : i32 to index
        %swap3A_493 = arith.index_cast %add3A_490 : i32 to index
        %swap3A_494 = arith.constant 112 : index
        %swap3A_495 = tpu.vector_load %arg7[%swap3A_492, %swap3A_493, %swap3A_494] {strides = array<i32>} : memref<4x104x128xf32, #tpu.memory_space<vmem>>, vector<1x1x16xf32>,
        %swap3A_496 = vector.shape_cast %swap3A_495 : vector<1x1x16xf32> to vector<16xf32>
        %swap3A_497 = vector.shape_cast %add3A_488 : vector<16xf32> to vector<1x1x16xf32>
        tpu.vector_store %arg7[%swap3A_492, %swap3A_493, %swap3A_494], %swap3A_497 {strides = array<i32>} : memref<4x104x128xf32, #tpu.memory_space<vmem>>, vector<1x1x16xf32>,
        %add3A_498 = arith.constant 1 : i32
        %add3A_499 = arith.addi %add3A_291, %add3A_498 : i32
        %get3A_500 = arith.constant 2 : i32
        %get3A_501 = arith.index_cast %get3A_500 : i32 to index
        %get3A_502 = arith.index_cast %add3A_499 : i32 to index
        %get3A_503 = arith.constant 0 : index
        %get3A_504 = tpu.vector_load %arg7[%get3A_501, %get3A_502, %get3A_503] {strides = array<i32>} : memref<4x104x128xf32, #tpu.memory_space<vmem>>, vector<1x1x16xf32>,
        %get3A_505 = vector.shape_cast %get3A_504 : vector<1x1x16xf32> to vector<16xf32>
        %add3A_506 = arith.constant 0 : i32
        %add3A_507 = arith.addi %add3A_506, %add3A_291 : i32
        %add3A_508 = arith.constant 1 : i32
        %add3A_509 = arith.addi %add3A_507, %add3A_508 : i32
        %get3A_510 = arith.index_cast %add3A_509 : i32 to index
        %get3A_511 = arith.constant 0 : index
        %get3A_512 = tpu.vector_load %arg8[%get3A_510, %get3A_511] {strides = array<i32>} : memref<200x128xf32, #tpu.memory_space<vmem>>, vector<1x16xf32>,
        %get3A_513 = vector.shape_cast %get3A_512 : vector<1x16xf32> to vector<16xf32>
        %add3A_514 = arith.addf %get3A_505, %get3A_513 : vector<16xf32>
        %add3A_515 = arith.constant 1 : i32
        %add3A_516 = arith.addi %add3A_291, %add3A_515 : i32
        %swap3A_517 = arith.constant 2 : i32
        %swap3A_518 = arith.index_cast %swap3A_517 : i32 to index
        %swap3A_519 = arith.index_cast %add3A_516 : i32 to index
        %swap3A_520 = arith.constant 0 : index
        %swap3A_521 = tpu.vector_load %arg7[%swap3A_518, %swap3A_519, %swap3A_520] {strides = array<i32>} : memref<4x104x128xf32, #tpu.memory_space<vmem>>, vector<1x1x16xf32>,
        %swap3A_522 = vector.shape_cast %swap3A_521 : vector<1x1x16xf32> to vector<16xf32>
        %swap3A_523 = vector.shape_cast %add3A_514 : vector<16xf32> to vector<1x1x16xf32>
        tpu.vector_store %arg7[%swap3A_518, %swap3A_519, %swap3A_520], %swap3A_523 {strides = array<i32>} : memref<4x104x128xf32, #tpu.memory_space<vmem>>, vector<1x1x16xf32>,
        %add3A_524 = arith.constant 1 : i32
        %add3A_525 = arith.addi %add3A_291, %add3A_524 : i32
        %get3A_526 = arith.constant 2 : i32
        %get3A_527 = arith.index_cast %get3A_526 : i32 to index
        %get3A_528 = arith.index_cast %add3A_525 : i32 to index
        %get3A_529 = arith.constant 16 : index
        %get3A_530 = tpu.vector_load %arg7[%get3A_527, %get3A_528, %get3A_529] {strides = array<i32>} : memref<4x104x128xf32, #tpu.memory_space<vmem>>, vector<1x1x16xf32>,
        %get3A_531 = vector.shape_cast %get3A_530 : vector<1x1x16xf32> to vector<16xf32>
        %add3A_532 = arith.constant 0 : i32
        %add3A_533 = arith.addi %add3A_532, %add3A_291 : i32
        %add3A_534 = arith.constant 1 : i32
        %add3A_535 = arith.addi %add3A_533, %add3A_534 : i32
        %get3A_536 = arith.index_cast %add3A_535 : i32 to index
        %get3A_537 = arith.constant 16 : index
        %get3A_538 = tpu.vector_load %arg8[%get3A_536, %get3A_537] {strides = array<i32>} : memref<200x128xf32, #tpu.memory_space<vmem>>, vector<1x16xf32>,
        %get3A_539 = vector.shape_cast %get3A_538 : vector<1x16xf32> to vector<16xf32>
        %add3A_540 = arith.addf %get3A_531, %get3A_539 : vector<16xf32>
        %add3A_541 = arith.constant 1 : i32
        %add3A_542 = arith.addi %add3A_291, %add3A_541 : i32
        %swap3A_543 = arith.constant 2 : i32
        %swap3A_544 = arith.index_cast %swap3A_543 : i32 to index
        %swap3A_545 = arith.index_cast %add3A_542 : i32 to index
        %swap3A_546 = arith.constant 16 : index
        %swap3A_547 = tpu.vector_load %arg7[%swap3A_544, %swap3A_545, %swap3A_546] {strides = array<i32>} : memref<4x104x128xf32, #tpu.memory_space<vmem>>, vector<1x1x16xf32>,
        %swap3A_548 = vector.shape_cast %swap3A_547 : vector<1x1x16xf32> to vector<16xf32>
        %swap3A_549 = vector.shape_cast %add3A_540 : vector<16xf32> to vector<1x1x16xf32>
        tpu.vector_store %arg7[%swap3A_544, %swap3A_545, %swap3A_546], %swap3A_549 {strides = array<i32>} : memref<4x104x128xf32, #tpu.memory_space<vmem>>, vector<1x1x16xf32>,
        %add3A_550 = arith.constant 1 : i32
        %add3A_551 = arith.addi %add3A_291, %add3A_550 : i32
        %get3A_552 = arith.constant 2 : i32
        %get3A_553 = arith.index_cast %get3A_552 : i32 to index
        %get3A_554 = arith.index_cast %add3A_551 : i32 to index
        %get3A_555 = arith.constant 32 : index
        %get3A_556 = tpu.vector_load %arg7[%get3A_553, %get3A_554, %get3A_555] {strides = array<i32>} : memref<4x104x128xf32, #tpu.memory_space<vmem>>, vector<1x1x16xf32>,
        %get3A_557 = vector.shape_cast %get3A_556 : vector<1x1x16xf32> to vector<16xf32>
        %add3A_558 = arith.constant 0 : i32
        %add3A_559 = arith.addi %add3A_558, %add3A_291 : i32
        %add3A_560 = arith.constant 1 : i32
        %add3A_561 = arith.addi %add3A_559, %add3A_560 : i32
        %get3A_562 = arith.index_cast %add3A_561 : i32 to index
        %get3A_563 = arith.constant 32 : index
        %get3A_564 = tpu.vector_load %arg8[%get3A_562, %get3A_563] {strides = array<i32>} : memref<200x128xf32, #tpu.memory_space<vmem>>, vector<1x16xf32>,
        %get3A_565 = vector.shape_cast %get3A_564 : vector<1x16xf32> to vector<16xf32>
        %add3A_566 = arith.addf %get3A_557, %get3A_565 : vector<16xf32>
        %add3A_567 = arith.constant 1 : i32
        %add3A_568 = arith.addi %add3A_291, %add3A_567 : i32
        %swap3A_569 = arith.constant 2 : i32
        %swap3A_570 = arith.index_cast %swap3A_569 : i32 to index
        %swap3A_571 = arith.index_cast %add3A_568 : i32 to index
        %swap3A_572 = arith.constant 32 : index
        %swap3A_573 = tpu.vector_load %arg7[%swap3A_570, %swap3A_571, %swap3A_572] {strides = array<i32>} : memref<4x104x128xf32, #tpu.memory_space<vmem>>, vector<1x1x16xf32>,
        %swap3A_574 = vector.shape_cast %swap3A_573 : vector<1x1x16xf32> to vector<16xf32>
        %swap3A_575 = vector.shape_cast %add3A_566 : vector<16xf32> to vector<1x1x16xf32>
        tpu.vector_store %arg7[%swap3A_570, %swap3A_571, %swap3A_572], %swap3A_575 {strides = array<i32>} : memref<4x104x128xf32, #tpu.memory_space<vmem>>, vector<1x1x16xf32>,
        %add3A_576 = arith.constant 1 : i32
        %add3A_577 = arith.addi %add3A_291, %add3A_576 : i32
        %get3A_578 = arith.constant 2 : i32
        %get3A_579 = arith.index_cast %get3A_578 : i32 to index
        %get3A_580 = arith.index_cast %add3A_577 : i32 to index
        %get3A_581 = arith.constant 48 : index
        %get3A_582 = tpu.vector_load %arg7[%get3A_579, %get3A_580, %get3A_581] {strides = array<i32>} : memref<4x104x128xf32, #tpu.memory_space<vmem>>, vector<1x1x16xf32>,
        %get3A_583 = vector.shape_cast %get3A_582 : vector<1x1x16xf32> to vector<16xf32>
        %add3A_584 = arith.constant 0 : i32
        %add3A_585 = arith.addi %add3A_584, %add3A_291 : i32
        %add3A_586 = arith.constant 1 : i32
        %add3A_587 = arith.addi %add3A_585, %add3A_586 : i32
        %get3A_588 = arith.index_cast %add3A_587 : i32 to index
        %get3A_589 = arith.constant 48 : index
        %get3A_590 = tpu.vector_load %arg8[%get3A_588, %get3A_589] {strides = array<i32>} : memref<200x128xf32, #tpu.memory_space<vmem>>, vector<1x16xf32>,
        %get3A_591 = vector.shape_cast %get3A_590 : vector<1x16xf32> to vector<16xf32>
        %add3A_592 = arith.addf %get3A_583, %get3A_591 : vector<16xf32>
        %add3A_593 = arith.constant 1 : i32
        %add3A_594 = arith.addi %add3A_291, %add3A_593 : i32
        %swap3A_595 = arith.constant 2 : i32
        %swap3A_596 = arith.index_cast %swap3A_595 : i32 to index
        %swap3A_597 = arith.index_cast %add3A_594 : i32 to index
        %swap3A_598 = arith.constant 48 : index
        %swap3A_599 = tpu.vector_load %arg7[%swap3A_596, %swap3A_597, %swap3A_598] {strides = array<i32>} : memref<4x104x128xf32, #tpu.memory_space<vmem>>, vector<1x1x16xf32>,
        %swap3A_600 = vector.shape_cast %swap3A_599 : vector<1x1x16xf32> to vector<16xf32>
        %swap3A_601 = vector.shape_cast %add3A_592 : vector<16xf32> to vector<1x1x16xf32>
        tpu.vector_store %arg7[%swap3A_596, %swap3A_597, %swap3A_598], %swap3A_601 {strides = array<i32>} : memref<4x104x128xf32, #tpu.memory_space<vmem>>, vector<1x1x16xf32>,
        %add3A_602 = arith.constant 1 : i32
        %add3A_603 = arith.addi %add3A_291, %add3A_602 : i32
        %get3A_604 = arith.constant 2 : i32
        %get3A_605 = arith.index_cast %get3A_604 : i32 to index
        %get3A_606 = arith.index_cast %add3A_603 : i32 to index
        %get3A_607 = arith.constant 64 : index
        %get3A_608 = tpu.vector_load %arg7[%get3A_605, %get3A_606, %get3A_607] {strides = array<i32>} : memref<4x104x128xf32, #tpu.memory_space<vmem>>, vector<1x1x16xf32>,
        %get3A_609 = vector.shape_cast %get3A_608 : vector<1x1x16xf32> to vector<16xf32>
        %add3A_610 = arith.constant 0 : i32
        %add3A_611 = arith.addi %add3A_610, %add3A_291 : i32
        %add3A_612 = arith.constant 1 : i32
        %add3A_613 = arith.addi %add3A_611, %add3A_612 : i32
        %get3A_614 = arith.index_cast %add3A_613 : i32 to index
        %get3A_615 = arith.constant 64 : index
        %get3A_616 = tpu.vector_load %arg8[%get3A_614, %get3A_615] {strides = array<i32>} : memref<200x128xf32, #tpu.memory_space<vmem>>, vector<1x16xf32>,
        %get3A_617 = vector.shape_cast %get3A_616 : vector<1x16xf32> to vector<16xf32>
        %add3A_618 = arith.addf %get3A_609, %get3A_617 : vector<16xf32>
        %add3A_619 = arith.constant 1 : i32
        %add3A_620 = arith.addi %add3A_291, %add3A_619 : i32
        %swap3A_621 = arith.constant 2 : i32
        %swap3A_622 = arith.index_cast %swap3A_621 : i32 to index
        %swap3A_623 = arith.index_cast %add3A_620 : i32 to index
        %swap3A_624 = arith.constant 64 : index
        %swap3A_625 = tpu.vector_load %arg7[%swap3A_622, %swap3A_623, %swap3A_624] {strides = array<i32>} : memref<4x104x128xf32, #tpu.memory_space<vmem>>, vector<1x1x16xf32>,
        %swap3A_626 = vector.shape_cast %swap3A_625 : vector<1x1x16xf32> to vector<16xf32>
        %swap3A_627 = vector.shape_cast %add3A_618 : vector<16xf32> to vector<1x1x16xf32>
        tpu.vector_store %arg7[%swap3A_622, %swap3A_623, %swap3A_624], %swap3A_627 {strides = array<i32>} : memref<4x104x128xf32, #tpu.memory_space<vmem>>, vector<1x1x16xf32>,
        %add3A_628 = arith.constant 1 : i32
        %add3A_629 = arith.addi %add3A_291, %add3A_628 : i32
        %get3A_630 = arith.constant 2 : i32
        %get3A_631 = arith.index_cast %get3A_630 : i32 to index
        %get3A_632 = arith.index_cast %add3A_629 : i32 to index
        %get3A_633 = arith.constant 80 : index
        %get3A_634 = tpu.vector_load %arg7[%get3A_631, %get3A_632, %get3A_633] {strides = array<i32>} : memref<4x104x128xf32, #tpu.memory_space<vmem>>, vector<1x1x16xf32>,
        %get3A_635 = vector.shape_cast %get3A_634 : vector<1x1x16xf32> to vector<16xf32>
        %add3A_636 = arith.constant 0 : i32
        %add3A_637 = arith.addi %add3A_636, %add3A_291 : i32
        %add3A_638 = arith.constant 1 : i32
        %add3A_639 = arith.addi %add3A_637, %add3A_638 : i32
        %get3A_640 = arith.index_cast %add3A_639 : i32 to index
        %get3A_641 = arith.constant 80 : index
        %get3A_642 = tpu.vector_load %arg8[%get3A_640, %get3A_641] {strides = array<i32>} : memref<200x128xf32, #tpu.memory_space<vmem>>, vector<1x16xf32>,
        %get3A_643 = vector.shape_cast %get3A_642 : vector<1x16xf32> to vector<16xf32>
        %add3A_644 = arith.addf %get3A_635, %get3A_643 : vector<16xf32>
        %add3A_645 = arith.constant 1 : i32
        %add3A_646 = arith.addi %add3A_291, %add3A_645 : i32
        %swap3A_647 = arith.constant 2 : i32
        %swap3A_648 = arith.index_cast %swap3A_647 : i32 to index
        %swap3A_649 = arith.index_cast %add3A_646 : i32 to index
        %swap3A_650 = arith.constant 80 : index
        %swap3A_651 = tpu.vector_load %arg7[%swap3A_648, %swap3A_649, %swap3A_650] {strides = array<i32>} : memref<4x104x128xf32, #tpu.memory_space<vmem>>, vector<1x1x16xf32>,
        %swap3A_652 = vector.shape_cast %swap3A_651 : vector<1x1x16xf32> to vector<16xf32>
        %swap3A_653 = vector.shape_cast %add3A_644 : vector<16xf32> to vector<1x1x16xf32>
        tpu.vector_store %arg7[%swap3A_648, %swap3A_649, %swap3A_650], %swap3A_653 {strides = array<i32>} : memref<4x104x128xf32, #tpu.memory_space<vmem>>, vector<1x1x16xf32>,
        %add3A_654 = arith.constant 1 : i32
        %add3A_655 = arith.addi %add3A_291, %add3A_654 : i32
        %get3A_656 = arith.constant 2 : i32
        %get3A_657 = arith.index_cast %get3A_656 : i32 to index
        %get3A_658 = arith.index_cast %add3A_655 : i32 to index
        %get3A_659 = arith.constant 96 : index
        %get3A_660 = tpu.vector_load %arg7[%get3A_657, %get3A_658, %get3A_659] {strides = array<i32>} : memref<4x104x128xf32, #tpu.memory_space<vmem>>, vector<1x1x16xf32>,
        %get3A_661 = vector.shape_cast %get3A_660 : vector<1x1x16xf32> to vector<16xf32>
        %add3A_662 = arith.constant 0 : i32
        %add3A_663 = arith.addi %add3A_662, %add3A_291 : i32
        %add3A_664 = arith.constant 1 : i32
        %add3A_665 = arith.addi %add3A_663, %add3A_664 : i32
        %get3A_666 = arith.index_cast %add3A_665 : i32 to index
        %get3A_667 = arith.constant 96 : index
        %get3A_668 = tpu.vector_load %arg8[%get3A_666, %get3A_667] {strides = array<i32>} : memref<200x128xf32, #tpu.memory_space<vmem>>, vector<1x16xf32>,
        %get3A_669 = vector.shape_cast %get3A_668 : vector<1x16xf32> to vector<16xf32>
        %add3A_670 = arith.addf %get3A_661, %get3A_669 : vector<16xf32>
        %add3A_671 = arith.constant 1 : i32
        %add3A_672 = arith.addi %add3A_291, %add3A_671 : i32
        %swap3A_673 = arith.constant 2 : i32
        %swap3A_674 = arith.index_cast %swap3A_673 : i32 to index
        %swap3A_675 = arith.index_cast %add3A_672 : i32 to index
        %swap3A_676 = arith.constant 96 : index
        %swap3A_677 = tpu.vector_load %arg7[%swap3A_674, %swap3A_675, %swap3A_676] {strides = array<i32>} : memref<4x104x128xf32, #tpu.memory_space<vmem>>, vector<1x1x16xf32>,
        %swap3A_678 = vector.shape_cast %swap3A_677 : vector<1x1x16xf32> to vector<16xf32>
        %swap3A_679 = vector.shape_cast %add3A_670 : vector<16xf32> to vector<1x1x16xf32>
        tpu.vector_store %arg7[%swap3A_674, %swap3A_675, %swap3A_676], %swap3A_679 {strides = array<i32>} : memref<4x104x128xf32, #tpu.memory_space<vmem>>, vector<1x1x16xf32>,
        %add3A_680 = arith.constant 1 : i32
        %add3A_681 = arith.addi %add3A_291, %add3A_680 : i32
        %get3A_682 = arith.constant 2 : i32
        %get3A_683 = arith.index_cast %get3A_682 : i32 to index
        %get3A_684 = arith.index_cast %add3A_681 : i32 to index
        %get3A_685 = arith.constant 112 : index
        %get3A_686 = tpu.vector_load %arg7[%get3A_683, %get3A_684, %get3A_685] {strides = array<i32>} : memref<4x104x128xf32, #tpu.memory_space<vmem>>, vector<1x1x16xf32>,
        %get3A_687 = vector.shape_cast %get3A_686 : vector<1x1x16xf32> to vector<16xf32>
        %add3A_688 = arith.constant 0 : i32
        %add3A_689 = arith.addi %add3A_688, %add3A_291 : i32
        %add3A_690 = arith.constant 1 : i32
        %add3A_691 = arith.addi %add3A_689, %add3A_690 : i32
        %get3A_692 = arith.index_cast %add3A_691 : i32 to index
        %get3A_693 = arith.constant 112 : index
        %get3A_694 = tpu.vector_load %arg8[%get3A_692, %get3A_693] {strides = array<i32>} : memref<200x128xf32, #tpu.memory_space<vmem>>, vector<1x16xf32>,
        %get3A_695 = vector.shape_cast %get3A_694 : vector<1x16xf32> to vector<16xf32>
        %add3A_696 = arith.addf %get3A_687, %get3A_695 : vector<16xf32>
        %add3A_697 = arith.constant 1 : i32
        %add3A_698 = arith.addi %add3A_291, %add3A_697 : i32
        %swap3A_699 = arith.constant 2 : i32
        %swap3A_700 = arith.index_cast %swap3A_699 : i32 to index
        %swap3A_701 = arith.index_cast %add3A_698 : i32 to index
        %swap3A_702 = arith.constant 112 : index
        %swap3A_703 = tpu.vector_load %arg7[%swap3A_700, %swap3A_701, %swap3A_702] {strides = array<i32>} : memref<4x104x128xf32, #tpu.memory_space<vmem>>, vector<1x1x16xf32>,
        %swap3A_704 = vector.shape_cast %swap3A_703 : vector<1x1x16xf32> to vector<16xf32>
        %swap3A_705 = vector.shape_cast %add3A_696 : vector<16xf32> to vector<1x1x16xf32>
        tpu.vector_store %arg7[%swap3A_700, %swap3A_701, %swap3A_702], %swap3A_705 {strides = array<i32>} : memref<4x104x128xf32, #tpu.memory_space<vmem>>, vector<1x1x16xf32>,
      }
      %scan3A_222 = arith.constant 48 : i32
      %add3A_223 = arith.addi %mul3A_2, %add3A_196 : i32
      %dma_start3A_224 = arith.constant 2 : i32
      %dma_start3A_225 = arith.constant 0 : i32
      %dma_start3A_226 = arith.constant 0 : i32
      %dma_start3A_227 = tpu.memref_slice %arg7[%dma_start3A_224, %dma_start3A_225, %dma_start3A_226] : memref<4x104x128xf32, #tpu.memory_space<vmem>> -> memref<1x96x128xf32, #tpu.memory_space<vmem>>
      %dma_start3A_228 = tpu.memref_squeeze %dma_start3A_227 : memref<1x96x128xf32, #tpu.memory_space<vmem>> -> memref<96x128xf32, #tpu.memory_space<vmem>>
      %dma_start3A_229 = arith.constant 0 : i32
      %dma_start3A_230 = arith.constant 0 : i32
      %dma_start3A_231 = tpu.memref_slice %arg5[%add3A_223, %dma_start3A_229, %dma_start3A_230] : memref<1024x200x128xf32, #tpu.memory_space<hbm>> -> memref<1x96x128xf32, #tpu.memory_space<hbm>>
      %dma_start3A_232 = tpu.memref_squeeze %dma_start3A_231 : memref<1x96x128xf32, #tpu.memory_space<hbm>> -> memref<96x128xf32, #tpu.memory_space<hbm>>
      %dma_start3A_233 = arith.constant 0 : i32
      %dma_start3A_234 = arith.constant 0 : i32
      %dma_start3A_235 = tpu.memref_slice %arg5[%add3A_223, %dma_start3A_233, %dma_start3A_234] : memref<1024x200x128xf32, #tpu.memory_space<hbm>> -> memref<1x96x128xf32, #tpu.memory_space<hbm>>
      %dma_start3A_236 = tpu.memref_squeeze %dma_start3A_235 : memref<1x96x128xf32, #tpu.memory_space<hbm>> -> memref<96x128xf32, #tpu.memory_space<hbm>>
      %dma_start3A_237 = arith.constant 0 : i32
      %dma_start3A_238 = arith.constant 0 : i32
      %dma_start3A_239 = tpu.memref_slice %arg7[%dma_start3A_224, %dma_start3A_237, %dma_start3A_238] : memref<4x104x128xf32, #tpu.memory_space<vmem>> -> memref<1x96x128xf32, #tpu.memory_space<vmem>>
      %dma_start3A_240 = tpu.memref_squeeze %dma_start3A_239 : memref<1x96x128xf32, #tpu.memory_space<vmem>> -> memref<96x128xf32, #tpu.memory_space<vmem>>
      tpu.enqueue_dma source(%dma_start3A_240 : memref<96x128xf32, #tpu.memory_space<vmem>>) target(%dma_start3A_236 : memref<96x128xf32, #tpu.memory_space<hbm>>) target_semaphore(%arg15 : memref<!tpu.dma_semaphore, #tpu.memory_space<semaphore_mem>>)
      %add3A_241 = arith.constant 1 : i32
      %add3A_242 = arith.addi %add3A_105, %add3A_241 : i32
      %mul3A_243 = arith.constant 2 : i32
      %mul3A_244 = arith.muli %mul3A_243, %add3A_242 : i32
      %add3A_245 = arith.constant 1 : i32
      %add3A_246 = arith.addi %mul3A_244, %add3A_245 : i32
      %add3A_247 = arith.constant 2 : i32
      %add3A_248 = arith.addi %add3A_246, %add3A_247 : i32
      %lt3A_249 = arith.constant 64 : i32
      %lt3A_250 = arith.cmpi slt, %add3A_248, %lt3A_249 : i32
      %convert_element_type3A_251 = arith.extui %lt3A_250 : i1 to i32
      %cond3A_252 = arith.constant 0 : i32
      %cond3A_253 = arith.cmpi ne, %convert_element_type3A_251, %cond3A_252 : i32
      scf.if %cond3A_253 {
        %ge3A = arith.constant 2 : i32
        %ge3A_287 = arith.cmpi sge, %add3A_246, %ge3A : i32
        %convert_element_type3A_288 = arith.extui %ge3A_287 : i1 to i32
        %cond3A_289 = arith.constant 0 : i32
        %cond3A_290 = arith.cmpi ne, %convert_element_type3A_288, %cond3A_289 : i32
        scf.if %cond3A_290 {
          %dma_wait3A_306 = arith.constant 1 : i32
          %dma_wait3A_307 = arith.constant 0 : i32
          %dma_wait3A_308 = arith.constant 0 : i32
          %dma_wait3A_309 = tpu.memref_slice %arg7[%dma_wait3A_306, %dma_wait3A_307, %dma_wait3A_308] : memref<4x104x128xf32, #tpu.memory_space<vmem>> -> memref<1x104x128xf32, #tpu.memory_space<vmem>>
          %dma_wait3A_310 = tpu.memref_squeeze %dma_wait3A_309 : memref<1x104x128xf32, #tpu.memory_space<vmem>> -> memref<104x128xf32, #tpu.memory_space<vmem>>
          %dma_wait3A_311 = arith.constant 96 : i32
          %dma_wait3A_312 = arith.constant 0 : i32
          %dma_wait3A_313 = tpu.memref_slice %arg5[%mul3A_2, %dma_wait3A_311, %dma_wait3A_312] : memref<1024x200x128xf32, #tpu.memory_space<hbm>> -> memref<1x104x128xf32, #tpu.memory_space<hbm>>
          %dma_wait3A_314 = tpu.memref_squeeze %dma_wait3A_313 : memref<1x104x128xf32, #tpu.memory_space<hbm>> -> memref<104x128xf32, #tpu.memory_space<hbm>>
          %dma_wait3A_315 = arith.constant 96 : i32
          %dma_wait3A_316 = arith.constant 0 : i32
          %dma_wait3A_317 = tpu.memref_slice %arg5[%mul3A_2, %dma_wait3A_315, %dma_wait3A_316] : memref<1024x200x128xf32, #tpu.memory_space<hbm>> -> memref<1x104x128xf32, #tpu.memory_space<hbm>>
          %dma_wait3A_318 = tpu.memref_squeeze %dma_wait3A_317 : memref<1x104x128xf32, #tpu.memory_space<hbm>> -> memref<104x128xf32, #tpu.memory_space<hbm>>
          %dma_wait3A_319 = arith.constant 0 : i32
          %dma_wait3A_320 = arith.constant 0 : i32
          %dma_wait3A_321 = tpu.memref_slice %arg7[%dma_wait3A_306, %dma_wait3A_319, %dma_wait3A_320] : memref<4x104x128xf32, #tpu.memory_space<vmem>> -> memref<1x104x128xf32, #tpu.memory_space<vmem>>
          %dma_wait3A_322 = tpu.memref_squeeze %dma_wait3A_321 : memref<1x104x128xf32, #tpu.memory_space<vmem>> -> memref<104x128xf32, #tpu.memory_space<vmem>>
          tpu.wait_dma2 semaphore(%arg14 : memref<!tpu.dma_semaphore, #tpu.memory_space<semaphore_mem>>) src(%dma_wait3A_322 : memref<104x128xf32, #tpu.memory_space<vmem>>) dst(%dma_wait3A_318 : memref<104x128xf32, #tpu.memory_space<hbm>>)
        } else {
        }
        %add3A_291 = arith.constant 1 : i32
        %add3A_292 = arith.addi %add3A_242, %add3A_291 : i32
        %mul3A_293 = arith.constant 200 : i32
        %mul3A_294 = arith.muli %add3A_292, %mul3A_293 : i32
        %add3A_295 = arith.constant 96 : i32
        %add3A_296 = arith.addi %mul3A_294, %add3A_295 : i32
        %dma_start3A_297 = arith.constant 1 : i32
        %dma_start3A_298 = arith.constant 0 : i32
        %dma_start3A_299 = arith.constant 0 : i32
        %dma_start3A_300 = tpu.memref_slice %arg7[%dma_start3A_297, %dma_start3A_298, %dma_start3A_299] : memref<4x104x128xf32, #tpu.memory_space<vmem>> -> memref<1x104x128xf32, #tpu.memory_space<vmem>>
        %dma_start3A_301 = tpu.memref_squeeze %dma_start3A_300 : memref<1x104x128xf32, #tpu.memory_space<vmem>> -> memref<104x128xf32, #tpu.memory_space<vmem>>
        %dma_start3A_302 = tpu.memref_slice %arg6[%add3A_296] : memref<6400xi32, #tpu.memory_space<vmem>> -> memref<104xi32, #tpu.memory_space<vmem>>
        %dma_start3A_303 = arith.constant 0 : i32
        %dma_start3A_304 = arith.constant 0 : i32
        %dma_start3A_305 = tpu.memref_slice %arg3[%dma_start3A_303, %dma_start3A_304] : memref<100000x128xf32, #tpu.memory_space<hbm>> -> memref<100000x128xf32, #tpu.memory_space<hbm>>
        tpu.enqueue_indirect_dma source(%dma_start3A_305 : memref<100000x128xf32, #tpu.memory_space<hbm>>) target(%dma_start3A_301 : memref<104x128xf32, #tpu.memory_space<vmem>>) offsets(%dma_start3A_302 : memref<104xi32, #tpu.memory_space<vmem>>) semaphore(%arg10 : memref<!tpu.dma_semaphore, #tpu.memory_space<semaphore_mem>>)
      } else {
      }
      %dma_wait3A_254 = arith.constant 3 : i32
      %dma_wait3A_255 = arith.constant 0 : i32
      %dma_wait3A_256 = arith.constant 0 : i32
      %dma_wait3A_257 = tpu.memref_slice %arg7[%dma_wait3A_254, %dma_wait3A_255, %dma_wait3A_256] : memref<4x104x128xf32, #tpu.memory_space<vmem>> -> memref<1x104x128xf32, #tpu.memory_space<vmem>>
      %dma_wait3A_258 = tpu.memref_squeeze %dma_wait3A_257 : memref<1x104x128xf32, #tpu.memory_space<vmem>> -> memref<104x128xf32, #tpu.memory_space<vmem>>
      %dma_wait3A_259 = arith.constant 0 : i32
      %dma_wait3A_260 = tpu.memref_slice %arg6[%dma_wait3A_259] : memref<6400xi32, #tpu.memory_space<vmem>> -> memref<104xi32, #tpu.memory_space<vmem>>
      %dma_wait3A_261 = arith.constant 0 : i32
      %dma_wait3A_262 = arith.constant 0 : i32
      %dma_wait3A_263 = tpu.memref_slice %arg3[%dma_wait3A_261, %dma_wait3A_262] : memref<100000x128xf32, #tpu.memory_space<hbm>> -> memref<100000x128xf32, #tpu.memory_space<hbm>>
      tpu.wait_indirect_dma semaphore(%arg12 : memref<!tpu.dma_semaphore, #tpu.memory_space<semaphore_mem>>) src(%dma_wait3A_263 : memref<100000x128xf32, #tpu.memory_space<hbm>>) dst(%dma_wait3A_258 : memref<104x128xf32, #tpu.memory_space<vmem>>)
      %scan3A_264 = arith.constant 0 : i32
      %scan3A_265 = arith.constant 52 : i32
      %scan3A_266 = arith.addi %scan3A_264, %scan3A_265 : i32
      %scan3A_267 = arith.constant 1 : i32
      scf.for %scan3A_287 = %scan3A_264 to %scan3A_266 step %scan3A_267  : i32 {
        %mul3A_288 = arith.constant 2 : i32
        %mul3A_289 = arith.muli %scan3A_287, %mul3A_288 : i32
        %add3A_290 = arith.constant 0 : i32
        %add3A_291 = arith.addi %add3A_290, %mul3A_289 : i32
        %add3A_292 = arith.constant 0 : i32
        %add3A_293 = arith.addi %add3A_291, %add3A_292 : i32
        %get3A = arith.constant 3 : i32
        %get3A_294 = arith.index_cast %get3A : i32 to index
        %get3A_295 = arith.index_cast %add3A_293 : i32 to index
        %get3A_296 = arith.constant 0 : index
        %get3A_297 = tpu.vector_load %arg7[%get3A_294, %get3A_295, %get3A_296] {strides = array<i32>} : memref<4x104x128xf32, #tpu.memory_space<vmem>>, vector<1x1x16xf32>,
        %get3A_298 = vector.shape_cast %get3A_297 : vector<1x1x16xf32> to vector<16xf32>
        %add3A_299 = arith.constant 96 : i32
        %add3A_300 = arith.addi %add3A_299, %add3A_291 : i32
        %add3A_301 = arith.constant 0 : i32
        %add3A_302 = arith.addi %add3A_300, %add3A_301 : i32
        %get3A_303 = arith.index_cast %add3A_302 : i32 to index
        %get3A_304 = arith.constant 0 : index
        %get3A_305 = tpu.vector_load %arg8[%get3A_303, %get3A_304] {strides = array<i32>} : memref<200x128xf32, #tpu.memory_space<vmem>>, vector<1x16xf32>,
        %get3A_306 = vector.shape_cast %get3A_305 : vector<1x16xf32> to vector<16xf32>
        %add3A_307 = arith.addf %get3A_298, %get3A_306 : vector<16xf32>
        %add3A_308 = arith.constant 0 : i32
        %add3A_309 = arith.addi %add3A_291, %add3A_308 : i32
        %swap3A = arith.constant 3 : i32
        %swap3A_310 = arith.index_cast %swap3A : i32 to index
        %swap3A_311 = arith.index_cast %add3A_309 : i32 to index
        %swap3A_312 = arith.constant 0 : index
        %swap3A_313 = tpu.vector_load %arg7[%swap3A_310, %swap3A_311, %swap3A_312] {strides = array<i32>} : memref<4x104x128xf32, #tpu.memory_space<vmem>>, vector<1x1x16xf32>,
        %swap3A_314 = vector.shape_cast %swap3A_313 : vector<1x1x16xf32> to vector<16xf32>
        %swap3A_315 = vector.shape_cast %add3A_307 : vector<16xf32> to vector<1x1x16xf32>
        tpu.vector_store %arg7[%swap3A_310, %swap3A_311, %swap3A_312], %swap3A_315 {strides = array<i32>} : memref<4x104x128xf32, #tpu.memory_space<vmem>>, vector<1x1x16xf32>,
        %add3A_316 = arith.constant 0 : i32
        %add3A_317 = arith.addi %add3A_291, %add3A_316 : i32
        %get3A_318 = arith.constant 3 : i32
        %get3A_319 = arith.index_cast %get3A_318 : i32 to index
        %get3A_320 = arith.index_cast %add3A_317 : i32 to index
        %get3A_321 = arith.constant 16 : index
        %get3A_322 = tpu.vector_load %arg7[%get3A_319, %get3A_320, %get3A_321] {strides = array<i32>} : memref<4x104x128xf32, #tpu.memory_space<vmem>>, vector<1x1x16xf32>,
        %get3A_323 = vector.shape_cast %get3A_322 : vector<1x1x16xf32> to vector<16xf32>
        %add3A_324 = arith.constant 96 : i32
        %add3A_325 = arith.addi %add3A_324, %add3A_291 : i32
        %add3A_326 = arith.constant 0 : i32
        %add3A_327 = arith.addi %add3A_325, %add3A_326 : i32
        %get3A_328 = arith.index_cast %add3A_327 : i32 to index
        %get3A_329 = arith.constant 16 : index
        %get3A_330 = tpu.vector_load %arg8[%get3A_328, %get3A_329] {strides = array<i32>} : memref<200x128xf32, #tpu.memory_space<vmem>>, vector<1x16xf32>,
        %get3A_331 = vector.shape_cast %get3A_330 : vector<1x16xf32> to vector<16xf32>
        %add3A_332 = arith.addf %get3A_323, %get3A_331 : vector<16xf32>
        %add3A_333 = arith.constant 0 : i32
        %add3A_334 = arith.addi %add3A_291, %add3A_333 : i32
        %swap3A_335 = arith.constant 3 : i32
        %swap3A_336 = arith.index_cast %swap3A_335 : i32 to index
        %swap3A_337 = arith.index_cast %add3A_334 : i32 to index
        %swap3A_338 = arith.constant 16 : index
        %swap3A_339 = tpu.vector_load %arg7[%swap3A_336, %swap3A_337, %swap3A_338] {strides = array<i32>} : memref<4x104x128xf32, #tpu.memory_space<vmem>>, vector<1x1x16xf32>,
        %swap3A_340 = vector.shape_cast %swap3A_339 : vector<1x1x16xf32> to vector<16xf32>
        %swap3A_341 = vector.shape_cast %add3A_332 : vector<16xf32> to vector<1x1x16xf32>
        tpu.vector_store %arg7[%swap3A_336, %swap3A_337, %swap3A_338], %swap3A_341 {strides = array<i32>} : memref<4x104x128xf32, #tpu.memory_space<vmem>>, vector<1x1x16xf32>,
        %add3A_342 = arith.constant 0 : i32
        %add3A_343 = arith.addi %add3A_291, %add3A_342 : i32
        %get3A_344 = arith.constant 3 : i32
        %get3A_345 = arith.index_cast %get3A_344 : i32 to index
        %get3A_346 = arith.index_cast %add3A_343 : i32 to index
        %get3A_347 = arith.constant 32 : index
        %get3A_348 = tpu.vector_load %arg7[%get3A_345, %get3A_346, %get3A_347] {strides = array<i32>} : memref<4x104x128xf32, #tpu.memory_space<vmem>>, vector<1x1x16xf32>,
        %get3A_349 = vector.shape_cast %get3A_348 : vector<1x1x16xf32> to vector<16xf32>
        %add3A_350 = arith.constant 96 : i32
        %add3A_351 = arith.addi %add3A_350, %add3A_291 : i32
        %add3A_352 = arith.constant 0 : i32
        %add3A_353 = arith.addi %add3A_351, %add3A_352 : i32
        %get3A_354 = arith.index_cast %add3A_353 : i32 to index
        %get3A_355 = arith.constant 32 : index
        %get3A_356 = tpu.vector_load %arg8[%get3A_354, %get3A_355] {strides = array<i32>} : memref<200x128xf32, #tpu.memory_space<vmem>>, vector<1x16xf32>,
        %get3A_357 = vector.shape_cast %get3A_356 : vector<1x16xf32> to vector<16xf32>
        %add3A_358 = arith.addf %get3A_349, %get3A_357 : vector<16xf32>
        %add3A_359 = arith.constant 0 : i32
        %add3A_360 = arith.addi %add3A_291, %add3A_359 : i32
        %swap3A_361 = arith.constant 3 : i32
        %swap3A_362 = arith.index_cast %swap3A_361 : i32 to index
        %swap3A_363 = arith.index_cast %add3A_360 : i32 to index
        %swap3A_364 = arith.constant 32 : index
        %swap3A_365 = tpu.vector_load %arg7[%swap3A_362, %swap3A_363, %swap3A_364] {strides = array<i32>} : memref<4x104x128xf32, #tpu.memory_space<vmem>>, vector<1x1x16xf32>,
        %swap3A_366 = vector.shape_cast %swap3A_365 : vector<1x1x16xf32> to vector<16xf32>
        %swap3A_367 = vector.shape_cast %add3A_358 : vector<16xf32> to vector<1x1x16xf32>
        tpu.vector_store %arg7[%swap3A_362, %swap3A_363, %swap3A_364], %swap3A_367 {strides = array<i32>} : memref<4x104x128xf32, #tpu.memory_space<vmem>>, vector<1x1x16xf32>,
        %add3A_368 = arith.constant 0 : i32
        %add3A_369 = arith.addi %add3A_291, %add3A_368 : i32
        %get3A_370 = arith.constant 3 : i32
        %get3A_371 = arith.index_cast %get3A_370 : i32 to index
        %get3A_372 = arith.index_cast %add3A_369 : i32 to index
        %get3A_373 = arith.constant 48 : index
        %get3A_374 = tpu.vector_load %arg7[%get3A_371, %get3A_372, %get3A_373] {strides = array<i32>} : memref<4x104x128xf32, #tpu.memory_space<vmem>>, vector<1x1x16xf32>,
        %get3A_375 = vector.shape_cast %get3A_374 : vector<1x1x16xf32> to vector<16xf32>
        %add3A_376 = arith.constant 96 : i32
        %add3A_377 = arith.addi %add3A_376, %add3A_291 : i32
        %add3A_378 = arith.constant 0 : i32
        %add3A_379 = arith.addi %add3A_377, %add3A_378 : i32
        %get3A_380 = arith.index_cast %add3A_379 : i32 to index
        %get3A_381 = arith.constant 48 : index
        %get3A_382 = tpu.vector_load %arg8[%get3A_380, %get3A_381] {strides = array<i32>} : memref<200x128xf32, #tpu.memory_space<vmem>>, vector<1x16xf32>,
        %get3A_383 = vector.shape_cast %get3A_382 : vector<1x16xf32> to vector<16xf32>
        %add3A_384 = arith.addf %get3A_375, %get3A_383 : vector<16xf32>
        %add3A_385 = arith.constant 0 : i32
        %add3A_386 = arith.addi %add3A_291, %add3A_385 : i32
        %swap3A_387 = arith.constant 3 : i32
        %swap3A_388 = arith.index_cast %swap3A_387 : i32 to index
        %swap3A_389 = arith.index_cast %add3A_386 : i32 to index
        %swap3A_390 = arith.constant 48 : index
        %swap3A_391 = tpu.vector_load %arg7[%swap3A_388, %swap3A_389, %swap3A_390] {strides = array<i32>} : memref<4x104x128xf32, #tpu.memory_space<vmem>>, vector<1x1x16xf32>,
        %swap3A_392 = vector.shape_cast %swap3A_391 : vector<1x1x16xf32> to vector<16xf32>
        %swap3A_393 = vector.shape_cast %add3A_384 : vector<16xf32> to vector<1x1x16xf32>
        tpu.vector_store %arg7[%swap3A_388, %swap3A_389, %swap3A_390], %swap3A_393 {strides = array<i32>} : memref<4x104x128xf32, #tpu.memory_space<vmem>>, vector<1x1x16xf32>,
        %add3A_394 = arith.constant 0 : i32
        %add3A_395 = arith.addi %add3A_291, %add3A_394 : i32
        %get3A_396 = arith.constant 3 : i32
        %get3A_397 = arith.index_cast %get3A_396 : i32 to index
        %get3A_398 = arith.index_cast %add3A_395 : i32 to index
        %get3A_399 = arith.constant 64 : index
        %get3A_400 = tpu.vector_load %arg7[%get3A_397, %get3A_398, %get3A_399] {strides = array<i32>} : memref<4x104x128xf32, #tpu.memory_space<vmem>>, vector<1x1x16xf32>,
        %get3A_401 = vector.shape_cast %get3A_400 : vector<1x1x16xf32> to vector<16xf32>
        %add3A_402 = arith.constant 96 : i32
        %add3A_403 = arith.addi %add3A_402, %add3A_291 : i32
        %add3A_404 = arith.constant 0 : i32
        %add3A_405 = arith.addi %add3A_403, %add3A_404 : i32
        %get3A_406 = arith.index_cast %add3A_405 : i32 to index
        %get3A_407 = arith.constant 64 : index
        %get3A_408 = tpu.vector_load %arg8[%get3A_406, %get3A_407] {strides = array<i32>} : memref<200x128xf32, #tpu.memory_space<vmem>>, vector<1x16xf32>,
        %get3A_409 = vector.shape_cast %get3A_408 : vector<1x16xf32> to vector<16xf32>
        %add3A_410 = arith.addf %get3A_401, %get3A_409 : vector<16xf32>
        %add3A_411 = arith.constant 0 : i32
        %add3A_412 = arith.addi %add3A_291, %add3A_411 : i32
        %swap3A_413 = arith.constant 3 : i32
        %swap3A_414 = arith.index_cast %swap3A_413 : i32 to index
        %swap3A_415 = arith.index_cast %add3A_412 : i32 to index
        %swap3A_416 = arith.constant 64 : index
        %swap3A_417 = tpu.vector_load %arg7[%swap3A_414, %swap3A_415, %swap3A_416] {strides = array<i32>} : memref<4x104x128xf32, #tpu.memory_space<vmem>>, vector<1x1x16xf32>,
        %swap3A_418 = vector.shape_cast %swap3A_417 : vector<1x1x16xf32> to vector<16xf32>
        %swap3A_419 = vector.shape_cast %add3A_410 : vector<16xf32> to vector<1x1x16xf32>
        tpu.vector_store %arg7[%swap3A_414, %swap3A_415, %swap3A_416], %swap3A_419 {strides = array<i32>} : memref<4x104x128xf32, #tpu.memory_space<vmem>>, vector<1x1x16xf32>,
        %add3A_420 = arith.constant 0 : i32
        %add3A_421 = arith.addi %add3A_291, %add3A_420 : i32
        %get3A_422 = arith.constant 3 : i32
        %get3A_423 = arith.index_cast %get3A_422 : i32 to index
        %get3A_424 = arith.index_cast %add3A_421 : i32 to index
        %get3A_425 = arith.constant 80 : index
        %get3A_426 = tpu.vector_load %arg7[%get3A_423, %get3A_424, %get3A_425] {strides = array<i32>} : memref<4x104x128xf32, #tpu.memory_space<vmem>>, vector<1x1x16xf32>,
        %get3A_427 = vector.shape_cast %get3A_426 : vector<1x1x16xf32> to vector<16xf32>
        %add3A_428 = arith.constant 96 : i32
        %add3A_429 = arith.addi %add3A_428, %add3A_291 : i32
        %add3A_430 = arith.constant 0 : i32
        %add3A_431 = arith.addi %add3A_429, %add3A_430 : i32
        %get3A_432 = arith.index_cast %add3A_431 : i32 to index
        %get3A_433 = arith.constant 80 : index
        %get3A_434 = tpu.vector_load %arg8[%get3A_432, %get3A_433] {strides = array<i32>} : memref<200x128xf32, #tpu.memory_space<vmem>>, vector<1x16xf32>,
        %get3A_435 = vector.shape_cast %get3A_434 : vector<1x16xf32> to vector<16xf32>
        %add3A_436 = arith.addf %get3A_427, %get3A_435 : vector<16xf32>
        %add3A_437 = arith.constant 0 : i32
        %add3A_438 = arith.addi %add3A_291, %add3A_437 : i32
        %swap3A_439 = arith.constant 3 : i32
        %swap3A_440 = arith.index_cast %swap3A_439 : i32 to index
        %swap3A_441 = arith.index_cast %add3A_438 : i32 to index
        %swap3A_442 = arith.constant 80 : index
        %swap3A_443 = tpu.vector_load %arg7[%swap3A_440, %swap3A_441, %swap3A_442] {strides = array<i32>} : memref<4x104x128xf32, #tpu.memory_space<vmem>>, vector<1x1x16xf32>,
        %swap3A_444 = vector.shape_cast %swap3A_443 : vector<1x1x16xf32> to vector<16xf32>
        %swap3A_445 = vector.shape_cast %add3A_436 : vector<16xf32> to vector<1x1x16xf32>
        tpu.vector_store %arg7[%swap3A_440, %swap3A_441, %swap3A_442], %swap3A_445 {strides = array<i32>} : memref<4x104x128xf32, #tpu.memory_space<vmem>>, vector<1x1x16xf32>,
        %add3A_446 = arith.constant 0 : i32
        %add3A_447 = arith.addi %add3A_291, %add3A_446 : i32
        %get3A_448 = arith.constant 3 : i32
        %get3A_449 = arith.index_cast %get3A_448 : i32 to index
        %get3A_450 = arith.index_cast %add3A_447 : i32 to index
        %get3A_451 = arith.constant 96 : index
        %get3A_452 = tpu.vector_load %arg7[%get3A_449, %get3A_450, %get3A_451] {strides = array<i32>} : memref<4x104x128xf32, #tpu.memory_space<vmem>>, vector<1x1x16xf32>,
        %get3A_453 = vector.shape_cast %get3A_452 : vector<1x1x16xf32> to vector<16xf32>
        %add3A_454 = arith.constant 96 : i32
        %add3A_455 = arith.addi %add3A_454, %add3A_291 : i32
        %add3A_456 = arith.constant 0 : i32
        %add3A_457 = arith.addi %add3A_455, %add3A_456 : i32
        %get3A_458 = arith.index_cast %add3A_457 : i32 to index
        %get3A_459 = arith.constant 96 : index
        %get3A_460 = tpu.vector_load %arg8[%get3A_458, %get3A_459] {strides = array<i32>} : memref<200x128xf32, #tpu.memory_space<vmem>>, vector<1x16xf32>,
        %get3A_461 = vector.shape_cast %get3A_460 : vector<1x16xf32> to vector<16xf32>
        %add3A_462 = arith.addf %get3A_453, %get3A_461 : vector<16xf32>
        %add3A_463 = arith.constant 0 : i32
        %add3A_464 = arith.addi %add3A_291, %add3A_463 : i32
        %swap3A_465 = arith.constant 3 : i32
        %swap3A_466 = arith.index_cast %swap3A_465 : i32 to index
        %swap3A_467 = arith.index_cast %add3A_464 : i32 to index
        %swap3A_468 = arith.constant 96 : index
        %swap3A_469 = tpu.vector_load %arg7[%swap3A_466, %swap3A_467, %swap3A_468] {strides = array<i32>} : memref<4x104x128xf32, #tpu.memory_space<vmem>>, vector<1x1x16xf32>,
        %swap3A_470 = vector.shape_cast %swap3A_469 : vector<1x1x16xf32> to vector<16xf32>
        %swap3A_471 = vector.shape_cast %add3A_462 : vector<16xf32> to vector<1x1x16xf32>
        tpu.vector_store %arg7[%swap3A_466, %swap3A_467, %swap3A_468], %swap3A_471 {strides = array<i32>} : memref<4x104x128xf32, #tpu.memory_space<vmem>>, vector<1x1x16xf32>,
        %add3A_472 = arith.constant 0 : i32
        %add3A_473 = arith.addi %add3A_291, %add3A_472 : i32
        %get3A_474 = arith.constant 3 : i32
        %get3A_475 = arith.index_cast %get3A_474 : i32 to index
        %get3A_476 = arith.index_cast %add3A_473 : i32 to index
        %get3A_477 = arith.constant 112 : index
        %get3A_478 = tpu.vector_load %arg7[%get3A_475, %get3A_476, %get3A_477] {strides = array<i32>} : memref<4x104x128xf32, #tpu.memory_space<vmem>>, vector<1x1x16xf32>,
        %get3A_479 = vector.shape_cast %get3A_478 : vector<1x1x16xf32> to vector<16xf32>
        %add3A_480 = arith.constant 96 : i32
        %add3A_481 = arith.addi %add3A_480, %add3A_291 : i32
        %add3A_482 = arith.constant 0 : i32
        %add3A_483 = arith.addi %add3A_481, %add3A_482 : i32
        %get3A_484 = arith.index_cast %add3A_483 : i32 to index
        %get3A_485 = arith.constant 112 : index
        %get3A_486 = tpu.vector_load %arg8[%get3A_484, %get3A_485] {strides = array<i32>} : memref<200x128xf32, #tpu.memory_space<vmem>>, vector<1x16xf32>,
        %get3A_487 = vector.shape_cast %get3A_486 : vector<1x16xf32> to vector<16xf32>
        %add3A_488 = arith.addf %get3A_479, %get3A_487 : vector<16xf32>
        %add3A_489 = arith.constant 0 : i32
        %add3A_490 = arith.addi %add3A_291, %add3A_489 : i32
        %swap3A_491 = arith.constant 3 : i32
        %swap3A_492 = arith.index_cast %swap3A_491 : i32 to index
        %swap3A_493 = arith.index_cast %add3A_490 : i32 to index
        %swap3A_494 = arith.constant 112 : index
        %swap3A_495 = tpu.vector_load %arg7[%swap3A_492, %swap3A_493, %swap3A_494] {strides = array<i32>} : memref<4x104x128xf32, #tpu.memory_space<vmem>>, vector<1x1x16xf32>,
        %swap3A_496 = vector.shape_cast %swap3A_495 : vector<1x1x16xf32> to vector<16xf32>
        %swap3A_497 = vector.shape_cast %add3A_488 : vector<16xf32> to vector<1x1x16xf32>
        tpu.vector_store %arg7[%swap3A_492, %swap3A_493, %swap3A_494], %swap3A_497 {strides = array<i32>} : memref<4x104x128xf32, #tpu.memory_space<vmem>>, vector<1x1x16xf32>,
        %add3A_498 = arith.constant 1 : i32
        %add3A_499 = arith.addi %add3A_291, %add3A_498 : i32
        %get3A_500 = arith.constant 3 : i32
        %get3A_501 = arith.index_cast %get3A_500 : i32 to index
        %get3A_502 = arith.index_cast %add3A_499 : i32 to index
        %get3A_503 = arith.constant 0 : index
        %get3A_504 = tpu.vector_load %arg7[%get3A_501, %get3A_502, %get3A_503] {strides = array<i32>} : memref<4x104x128xf32, #tpu.memory_space<vmem>>, vector<1x1x16xf32>,
        %get3A_505 = vector.shape_cast %get3A_504 : vector<1x1x16xf32> to vector<16xf32>
        %add3A_506 = arith.constant 96 : i32
        %add3A_507 = arith.addi %add3A_506, %add3A_291 : i32
        %add3A_508 = arith.constant 1 : i32
        %add3A_509 = arith.addi %add3A_507, %add3A_508 : i32
        %get3A_510 = arith.index_cast %add3A_509 : i32 to index
        %get3A_511 = arith.constant 0 : index
        %get3A_512 = tpu.vector_load %arg8[%get3A_510, %get3A_511] {strides = array<i32>} : memref<200x128xf32, #tpu.memory_space<vmem>>, vector<1x16xf32>,
        %get3A_513 = vector.shape_cast %get3A_512 : vector<1x16xf32> to vector<16xf32>
        %add3A_514 = arith.addf %get3A_505, %get3A_513 : vector<16xf32>
        %add3A_515 = arith.constant 1 : i32
        %add3A_516 = arith.addi %add3A_291, %add3A_515 : i32
        %swap3A_517 = arith.constant 3 : i32
        %swap3A_518 = arith.index_cast %swap3A_517 : i32 to index
        %swap3A_519 = arith.index_cast %add3A_516 : i32 to index
        %swap3A_520 = arith.constant 0 : index
        %swap3A_521 = tpu.vector_load %arg7[%swap3A_518, %swap3A_519, %swap3A_520] {strides = array<i32>} : memref<4x104x128xf32, #tpu.memory_space<vmem>>, vector<1x1x16xf32>,
        %swap3A_522 = vector.shape_cast %swap3A_521 : vector<1x1x16xf32> to vector<16xf32>
        %swap3A_523 = vector.shape_cast %add3A_514 : vector<16xf32> to vector<1x1x16xf32>
        tpu.vector_store %arg7[%swap3A_518, %swap3A_519, %swap3A_520], %swap3A_523 {strides = array<i32>} : memref<4x104x128xf32, #tpu.memory_space<vmem>>, vector<1x1x16xf32>,
        %add3A_524 = arith.constant 1 : i32
        %add3A_525 = arith.addi %add3A_291, %add3A_524 : i32
        %get3A_526 = arith.constant 3 : i32
        %get3A_527 = arith.index_cast %get3A_526 : i32 to index
        %get3A_528 = arith.index_cast %add3A_525 : i32 to index
        %get3A_529 = arith.constant 16 : index
        %get3A_530 = tpu.vector_load %arg7[%get3A_527, %get3A_528, %get3A_529] {strides = array<i32>} : memref<4x104x128xf32, #tpu.memory_space<vmem>>, vector<1x1x16xf32>,
        %get3A_531 = vector.shape_cast %get3A_530 : vector<1x1x16xf32> to vector<16xf32>
        %add3A_532 = arith.constant 96 : i32
        %add3A_533 = arith.addi %add3A_532, %add3A_291 : i32
        %add3A_534 = arith.constant 1 : i32
        %add3A_535 = arith.addi %add3A_533, %add3A_534 : i32
        %get3A_536 = arith.index_cast %add3A_535 : i32 to index
        %get3A_537 = arith.constant 16 : index
        %get3A_538 = tpu.vector_load %arg8[%get3A_536, %get3A_537] {strides = array<i32>} : memref<200x128xf32, #tpu.memory_space<vmem>>, vector<1x16xf32>,
        %get3A_539 = vector.shape_cast %get3A_538 : vector<1x16xf32> to vector<16xf32>
        %add3A_540 = arith.addf %get3A_531, %get3A_539 : vector<16xf32>
        %add3A_541 = arith.constant 1 : i32
        %add3A_542 = arith.addi %add3A_291, %add3A_541 : i32
        %swap3A_543 = arith.constant 3 : i32
        %swap3A_544 = arith.index_cast %swap3A_543 : i32 to index
        %swap3A_545 = arith.index_cast %add3A_542 : i32 to index
        %swap3A_546 = arith.constant 16 : index
        %swap3A_547 = tpu.vector_load %arg7[%swap3A_544, %swap3A_545, %swap3A_546] {strides = array<i32>} : memref<4x104x128xf32, #tpu.memory_space<vmem>>, vector<1x1x16xf32>,
        %swap3A_548 = vector.shape_cast %swap3A_547 : vector<1x1x16xf32> to vector<16xf32>
        %swap3A_549 = vector.shape_cast %add3A_540 : vector<16xf32> to vector<1x1x16xf32>
        tpu.vector_store %arg7[%swap3A_544, %swap3A_545, %swap3A_546], %swap3A_549 {strides = array<i32>} : memref<4x104x128xf32, #tpu.memory_space<vmem>>, vector<1x1x16xf32>,
        %add3A_550 = arith.constant 1 : i32
        %add3A_551 = arith.addi %add3A_291, %add3A_550 : i32
        %get3A_552 = arith.constant 3 : i32
        %get3A_553 = arith.index_cast %get3A_552 : i32 to index
        %get3A_554 = arith.index_cast %add3A_551 : i32 to index
        %get3A_555 = arith.constant 32 : index
        %get3A_556 = tpu.vector_load %arg7[%get3A_553, %get3A_554, %get3A_555] {strides = array<i32>} : memref<4x104x128xf32, #tpu.memory_space<vmem>>, vector<1x1x16xf32>,
        %get3A_557 = vector.shape_cast %get3A_556 : vector<1x1x16xf32> to vector<16xf32>
        %add3A_558 = arith.constant 96 : i32
        %add3A_559 = arith.addi %add3A_558, %add3A_291 : i32
        %add3A_560 = arith.constant 1 : i32
        %add3A_561 = arith.addi %add3A_559, %add3A_560 : i32
        %get3A_562 = arith.index_cast %add3A_561 : i32 to index
        %get3A_563 = arith.constant 32 : index
        %get3A_564 = tpu.vector_load %arg8[%get3A_562, %get3A_563] {strides = array<i32>} : memref<200x128xf32, #tpu.memory_space<vmem>>, vector<1x16xf32>,
        %get3A_565 = vector.shape_cast %get3A_564 : vector<1x16xf32> to vector<16xf32>
        %add3A_566 = arith.addf %get3A_557, %get3A_565 : vector<16xf32>
        %add3A_567 = arith.constant 1 : i32
        %add3A_568 = arith.addi %add3A_291, %add3A_567 : i32
        %swap3A_569 = arith.constant 3 : i32
        %swap3A_570 = arith.index_cast %swap3A_569 : i32 to index
        %swap3A_571 = arith.index_cast %add3A_568 : i32 to index
        %swap3A_572 = arith.constant 32 : index
        %swap3A_573 = tpu.vector_load %arg7[%swap3A_570, %swap3A_571, %swap3A_572] {strides = array<i32>} : memref<4x104x128xf32, #tpu.memory_space<vmem>>, vector<1x1x16xf32>,
        %swap3A_574 = vector.shape_cast %swap3A_573 : vector<1x1x16xf32> to vector<16xf32>
        %swap3A_575 = vector.shape_cast %add3A_566 : vector<16xf32> to vector<1x1x16xf32>
        tpu.vector_store %arg7[%swap3A_570, %swap3A_571, %swap3A_572], %swap3A_575 {strides = array<i32>} : memref<4x104x128xf32, #tpu.memory_space<vmem>>, vector<1x1x16xf32>,
        %add3A_576 = arith.constant 1 : i32
        %add3A_577 = arith.addi %add3A_291, %add3A_576 : i32
        %get3A_578 = arith.constant 3 : i32
        %get3A_579 = arith.index_cast %get3A_578 : i32 to index
        %get3A_580 = arith.index_cast %add3A_577 : i32 to index
        %get3A_581 = arith.constant 48 : index
        %get3A_582 = tpu.vector_load %arg7[%get3A_579, %get3A_580, %get3A_581] {strides = array<i32>} : memref<4x104x128xf32, #tpu.memory_space<vmem>>, vector<1x1x16xf32>,
        %get3A_583 = vector.shape_cast %get3A_582 : vector<1x1x16xf32> to vector<16xf32>
        %add3A_584 = arith.constant 96 : i32
        %add3A_585 = arith.addi %add3A_584, %add3A_291 : i32
        %add3A_586 = arith.constant 1 : i32
        %add3A_587 = arith.addi %add3A_585, %add3A_586 : i32
        %get3A_588 = arith.index_cast %add3A_587 : i32 to index
        %get3A_589 = arith.constant 48 : index
        %get3A_590 = tpu.vector_load %arg8[%get3A_588, %get3A_589] {strides = array<i32>} : memref<200x128xf32, #tpu.memory_space<vmem>>, vector<1x16xf32>,
        %get3A_591 = vector.shape_cast %get3A_590 : vector<1x16xf32> to vector<16xf32>
        %add3A_592 = arith.addf %get3A_583, %get3A_591 : vector<16xf32>
        %add3A_593 = arith.constant 1 : i32
        %add3A_594 = arith.addi %add3A_291, %add3A_593 : i32
        %swap3A_595 = arith.constant 3 : i32
        %swap3A_596 = arith.index_cast %swap3A_595 : i32 to index
        %swap3A_597 = arith.index_cast %add3A_594 : i32 to index
        %swap3A_598 = arith.constant 48 : index
        %swap3A_599 = tpu.vector_load %arg7[%swap3A_596, %swap3A_597, %swap3A_598] {strides = array<i32>} : memref<4x104x128xf32, #tpu.memory_space<vmem>>, vector<1x1x16xf32>,
        %swap3A_600 = vector.shape_cast %swap3A_599 : vector<1x1x16xf32> to vector<16xf32>
        %swap3A_601 = vector.shape_cast %add3A_592 : vector<16xf32> to vector<1x1x16xf32>
        tpu.vector_store %arg7[%swap3A_596, %swap3A_597, %swap3A_598], %swap3A_601 {strides = array<i32>} : memref<4x104x128xf32, #tpu.memory_space<vmem>>, vector<1x1x16xf32>,
        %add3A_602 = arith.constant 1 : i32
        %add3A_603 = arith.addi %add3A_291, %add3A_602 : i32
        %get3A_604 = arith.constant 3 : i32
        %get3A_605 = arith.index_cast %get3A_604 : i32 to index
        %get3A_606 = arith.index_cast %add3A_603 : i32 to index
        %get3A_607 = arith.constant 64 : index
        %get3A_608 = tpu.vector_load %arg7[%get3A_605, %get3A_606, %get3A_607] {strides = array<i32>} : memref<4x104x128xf32, #tpu.memory_space<vmem>>, vector<1x1x16xf32>,
        %get3A_609 = vector.shape_cast %get3A_608 : vector<1x1x16xf32> to vector<16xf32>
        %add3A_610 = arith.constant 96 : i32
        %add3A_611 = arith.addi %add3A_610, %add3A_291 : i32
        %add3A_612 = arith.constant 1 : i32
        %add3A_613 = arith.addi %add3A_611, %add3A_612 : i32
        %get3A_614 = arith.index_cast %add3A_613 : i32 to index
        %get3A_615 = arith.constant 64 : index
        %get3A_616 = tpu.vector_load %arg8[%get3A_614, %get3A_615] {strides = array<i32>} : memref<200x128xf32, #tpu.memory_space<vmem>>, vector<1x16xf32>,
        %get3A_617 = vector.shape_cast %get3A_616 : vector<1x16xf32> to vector<16xf32>
        %add3A_618 = arith.addf %get3A_609, %get3A_617 : vector<16xf32>
        %add3A_619 = arith.constant 1 : i32
        %add3A_620 = arith.addi %add3A_291, %add3A_619 : i32
        %swap3A_621 = arith.constant 3 : i32
        %swap3A_622 = arith.index_cast %swap3A_621 : i32 to index
        %swap3A_623 = arith.index_cast %add3A_620 : i32 to index
        %swap3A_624 = arith.constant 64 : index
        %swap3A_625 = tpu.vector_load %arg7[%swap3A_622, %swap3A_623, %swap3A_624] {strides = array<i32>} : memref<4x104x128xf32, #tpu.memory_space<vmem>>, vector<1x1x16xf32>,
        %swap3A_626 = vector.shape_cast %swap3A_625 : vector<1x1x16xf32> to vector<16xf32>
        %swap3A_627 = vector.shape_cast %add3A_618 : vector<16xf32> to vector<1x1x16xf32>
        tpu.vector_store %arg7[%swap3A_622, %swap3A_623, %swap3A_624], %swap3A_627 {strides = array<i32>} : memref<4x104x128xf32, #tpu.memory_space<vmem>>, vector<1x1x16xf32>,
        %add3A_628 = arith.constant 1 : i32
        %add3A_629 = arith.addi %add3A_291, %add3A_628 : i32
        %get3A_630 = arith.constant 3 : i32
        %get3A_631 = arith.index_cast %get3A_630 : i32 to index
        %get3A_632 = arith.index_cast %add3A_629 : i32 to index
        %get3A_633 = arith.constant 80 : index
        %get3A_634 = tpu.vector_load %arg7[%get3A_631, %get3A_632, %get3A_633] {strides = array<i32>} : memref<4x104x128xf32, #tpu.memory_space<vmem>>, vector<1x1x16xf32>,
        %get3A_635 = vector.shape_cast %get3A_634 : vector<1x1x16xf32> to vector<16xf32>
        %add3A_636 = arith.constant 96 : i32
        %add3A_637 = arith.addi %add3A_636, %add3A_291 : i32
        %add3A_638 = arith.constant 1 : i32
        %add3A_639 = arith.addi %add3A_637, %add3A_638 : i32
        %get3A_640 = arith.index_cast %add3A_639 : i32 to index
        %get3A_641 = arith.constant 80 : index
        %get3A_642 = tpu.vector_load %arg8[%get3A_640, %get3A_641] {strides = array<i32>} : memref<200x128xf32, #tpu.memory_space<vmem>>, vector<1x16xf32>,
        %get3A_643 = vector.shape_cast %get3A_642 : vector<1x16xf32> to vector<16xf32>
        %add3A_644 = arith.addf %get3A_635, %get3A_643 : vector<16xf32>
        %add3A_645 = arith.constant 1 : i32
        %add3A_646 = arith.addi %add3A_291, %add3A_645 : i32
        %swap3A_647 = arith.constant 3 : i32
        %swap3A_648 = arith.index_cast %swap3A_647 : i32 to index
        %swap3A_649 = arith.index_cast %add3A_646 : i32 to index
        %swap3A_650 = arith.constant 80 : index
        %swap3A_651 = tpu.vector_load %arg7[%swap3A_648, %swap3A_649, %swap3A_650] {strides = array<i32>} : memref<4x104x128xf32, #tpu.memory_space<vmem>>, vector<1x1x16xf32>,
        %swap3A_652 = vector.shape_cast %swap3A_651 : vector<1x1x16xf32> to vector<16xf32>
        %swap3A_653 = vector.shape_cast %add3A_644 : vector<16xf32> to vector<1x1x16xf32>
        tpu.vector_store %arg7[%swap3A_648, %swap3A_649, %swap3A_650], %swap3A_653 {strides = array<i32>} : memref<4x104x128xf32, #tpu.memory_space<vmem>>, vector<1x1x16xf32>,
        %add3A_654 = arith.constant 1 : i32
        %add3A_655 = arith.addi %add3A_291, %add3A_654 : i32
        %get3A_656 = arith.constant 3 : i32
        %get3A_657 = arith.index_cast %get3A_656 : i32 to index
        %get3A_658 = arith.index_cast %add3A_655 : i32 to index
        %get3A_659 = arith.constant 96 : index
        %get3A_660 = tpu.vector_load %arg7[%get3A_657, %get3A_658, %get3A_659] {strides = array<i32>} : memref<4x104x128xf32, #tpu.memory_space<vmem>>, vector<1x1x16xf32>,
        %get3A_661 = vector.shape_cast %get3A_660 : vector<1x1x16xf32> to vector<16xf32>
        %add3A_662 = arith.constant 96 : i32
        %add3A_663 = arith.addi %add3A_662, %add3A_291 : i32
        %add3A_664 = arith.constant 1 : i32
        %add3A_665 = arith.addi %add3A_663, %add3A_664 : i32
        %get3A_666 = arith.index_cast %add3A_665 : i32 to index
        %get3A_667 = arith.constant 96 : index
        %get3A_668 = tpu.vector_load %arg8[%get3A_666, %get3A_667] {strides = array<i32>} : memref<200x128xf32, #tpu.memory_space<vmem>>, vector<1x16xf32>,
        %get3A_669 = vector.shape_cast %get3A_668 : vector<1x16xf32> to vector<16xf32>
        %add3A_670 = arith.addf %get3A_661, %get3A_669 : vector<16xf32>
        %add3A_671 = arith.constant 1 : i32
        %add3A_672 = arith.addi %add3A_291, %add3A_671 : i32
        %swap3A_673 = arith.constant 3 : i32
        %swap3A_674 = arith.index_cast %swap3A_673 : i32 to index
        %swap3A_675 = arith.index_cast %add3A_672 : i32 to index
        %swap3A_676 = arith.constant 96 : index
        %swap3A_677 = tpu.vector_load %arg7[%swap3A_674, %swap3A_675, %swap3A_676] {strides = array<i32>} : memref<4x104x128xf32, #tpu.memory_space<vmem>>, vector<1x1x16xf32>,
        %swap3A_678 = vector.shape_cast %swap3A_677 : vector<1x1x16xf32> to vector<16xf32>
        %swap3A_679 = vector.shape_cast %add3A_670 : vector<16xf32> to vector<1x1x16xf32>
        tpu.vector_store %arg7[%swap3A_674, %swap3A_675, %swap3A_676], %swap3A_679 {strides = array<i32>} : memref<4x104x128xf32, #tpu.memory_space<vmem>>, vector<1x1x16xf32>,
        %add3A_680 = arith.constant 1 : i32
        %add3A_681 = arith.addi %add3A_291, %add3A_680 : i32
        %get3A_682 = arith.constant 3 : i32
        %get3A_683 = arith.index_cast %get3A_682 : i32 to index
        %get3A_684 = arith.index_cast %add3A_681 : i32 to index
        %get3A_685 = arith.constant 112 : index
        %get3A_686 = tpu.vector_load %arg7[%get3A_683, %get3A_684, %get3A_685] {strides = array<i32>} : memref<4x104x128xf32, #tpu.memory_space<vmem>>, vector<1x1x16xf32>,
        %get3A_687 = vector.shape_cast %get3A_686 : vector<1x1x16xf32> to vector<16xf32>
        %add3A_688 = arith.constant 96 : i32
        %add3A_689 = arith.addi %add3A_688, %add3A_291 : i32
        %add3A_690 = arith.constant 1 : i32
        %add3A_691 = arith.addi %add3A_689, %add3A_690 : i32
        %get3A_692 = arith.index_cast %add3A_691 : i32 to index
        %get3A_693 = arith.constant 112 : index
        %get3A_694 = tpu.vector_load %arg8[%get3A_692, %get3A_693] {strides = array<i32>} : memref<200x128xf32, #tpu.memory_space<vmem>>, vector<1x16xf32>,
        %get3A_695 = vector.shape_cast %get3A_694 : vector<1x16xf32> to vector<16xf32>
        %add3A_696 = arith.addf %get3A_687, %get3A_695 : vector<16xf32>
        %add3A_697 = arith.constant 1 : i32
        %add3A_698 = arith.addi %add3A_291, %add3A_697 : i32
        %swap3A_699 = arith.constant 3 : i32
        %swap3A_700 = arith.index_cast %swap3A_699 : i32 to index
        %swap3A_701 = arith.index_cast %add3A_698 : i32 to index
        %swap3A_702 = arith.constant 112 : index
        %swap3A_703 = tpu.vector_load %arg7[%swap3A_700, %swap3A_701, %swap3A_702] {strides = array<i32>} : memref<4x104x128xf32, #tpu.memory_space<vmem>>, vector<1x1x16xf32>,
        %swap3A_704 = vector.shape_cast %swap3A_703 : vector<1x1x16xf32> to vector<16xf32>
        %swap3A_705 = vector.shape_cast %add3A_696 : vector<16xf32> to vector<1x1x16xf32>
        tpu.vector_store %arg7[%swap3A_700, %swap3A_701, %swap3A_702], %swap3A_705 {strides = array<i32>} : memref<4x104x128xf32, #tpu.memory_space<vmem>>, vector<1x1x16xf32>,
      }
      %scan3A_268 = arith.constant 52 : i32
      %add3A_269 = arith.addi %mul3A_2, %add3A_242 : i32
      %dma_start3A_270 = arith.constant 3 : i32
      %dma_start3A_271 = arith.constant 0 : i32
      %dma_start3A_272 = arith.constant 0 : i32
      %dma_start3A_273 = tpu.memref_slice %arg7[%dma_start3A_270, %dma_start3A_271, %dma_start3A_272] : memref<4x104x128xf32, #tpu.memory_space<vmem>> -> memref<1x104x128xf32, #tpu.memory_space<vmem>>
      %dma_start3A_274 = tpu.memref_squeeze %dma_start3A_273 : memref<1x104x128xf32, #tpu.memory_space<vmem>> -> memref<104x128xf32, #tpu.memory_space<vmem>>
      %dma_start3A_275 = arith.constant 96 : i32
      %dma_start3A_276 = arith.constant 0 : i32
      %dma_start3A_277 = tpu.memref_slice %arg5[%add3A_269, %dma_start3A_275, %dma_start3A_276] : memref<1024x200x128xf32, #tpu.memory_space<hbm>> -> memref<1x104x128xf32, #tpu.memory_space<hbm>>
      %dma_start3A_278 = tpu.memref_squeeze %dma_start3A_277 : memref<1x104x128xf32, #tpu.memory_space<hbm>> -> memref<104x128xf32, #tpu.memory_space<hbm>>
      %dma_start3A_279 = arith.constant 96 : i32
      %dma_start3A_280 = arith.constant 0 : i32
      %dma_start3A_281 = tpu.memref_slice %arg5[%add3A_269, %dma_start3A_279, %dma_start3A_280] : memref<1024x200x128xf32, #tpu.memory_space<hbm>> -> memref<1x104x128xf32, #tpu.memory_space<hbm>>
      %dma_start3A_282 = tpu.memref_squeeze %dma_start3A_281 : memref<1x104x128xf32, #tpu.memory_space<hbm>> -> memref<104x128xf32, #tpu.memory_space<hbm>>
      %dma_start3A_283 = arith.constant 0 : i32
      %dma_start3A_284 = arith.constant 0 : i32
      %dma_start3A_285 = tpu.memref_slice %arg7[%dma_start3A_270, %dma_start3A_283, %dma_start3A_284] : memref<4x104x128xf32, #tpu.memory_space<vmem>> -> memref<1x104x128xf32, #tpu.memory_space<vmem>>
      %dma_start3A_286 = tpu.memref_squeeze %dma_start3A_285 : memref<1x104x128xf32, #tpu.memory_space<vmem>> -> memref<104x128xf32, #tpu.memory_space<vmem>>
      tpu.enqueue_dma source(%dma_start3A_286 : memref<104x128xf32, #tpu.memory_space<vmem>>) target(%dma_start3A_282 : memref<104x128xf32, #tpu.memory_space<hbm>>) target_semaphore(%arg16 : memref<!tpu.dma_semaphore, #tpu.memory_space<semaphore_mem>>)
    }
    %scan3A_32 = arith.constant 16 : i32
    %dma_wait3A_33 = arith.constant 0 : i32
    %dma_wait3A_34 = arith.constant 0 : i32
    %dma_wait3A_35 = arith.constant 0 : i32
    %dma_wait3A_36 = tpu.memref_slice %arg7[%dma_wait3A_33, %dma_wait3A_34, %dma_wait3A_35] : memref<4x104x128xf32, #tpu.memory_space<vmem>> -> memref<1x96x128xf32, #tpu.memory_space<vmem>>
    %dma_wait3A_37 = tpu.memref_squeeze %dma_wait3A_36 : memref<1x96x128xf32, #tpu.memory_space<vmem>> -> memref<96x128xf32, #tpu.memory_space<vmem>>
    %dma_wait3A_38 = arith.constant 0 : i32
    %dma_wait3A_39 = arith.constant 0 : i32
    %dma_wait3A_40 = tpu.memref_slice %arg5[%mul3A_2, %dma_wait3A_38, %dma_wait3A_39] : memref<1024x200x128xf32, #tpu.memory_space<hbm>> -> memref<1x96x128xf32, #tpu.memory_space<hbm>>
    %dma_wait3A_41 = tpu.memref_squeeze %dma_wait3A_40 : memref<1x96x128xf32, #tpu.memory_space<hbm>> -> memref<96x128xf32, #tpu.memory_space<hbm>>
    %dma_wait3A_42 = arith.constant 0 : i32
    %dma_wait3A_43 = arith.constant 0 : i32
    %dma_wait3A_44 = tpu.memref_slice %arg5[%mul3A_2, %dma_wait3A_42, %dma_wait3A_43] : memref<1024x200x128xf32, #tpu.memory_space<hbm>> -> memref<1x96x128xf32, #tpu.memory_space<hbm>>
    %dma_wait3A_45 = tpu.memref_squeeze %dma_wait3A_44 : memref<1x96x128xf32, #tpu.memory_space<hbm>> -> memref<96x128xf32, #tpu.memory_space<hbm>>
    %dma_wait3A_46 = arith.constant 0 : i32
    %dma_wait3A_47 = arith.constant 0 : i32
    %dma_wait3A_48 = tpu.memref_slice %arg7[%dma_wait3A_33, %dma_wait3A_46, %dma_wait3A_47] : memref<4x104x128xf32, #tpu.memory_space<vmem>> -> memref<1x96x128xf32, #tpu.memory_space<vmem>>
    %dma_wait3A_49 = tpu.memref_squeeze %dma_wait3A_48 : memref<1x96x128xf32, #tpu.memory_space<vmem>> -> memref<96x128xf32, #tpu.memory_space<vmem>>
    tpu.wait_dma2 semaphore(%arg13 : memref<!tpu.dma_semaphore, #tpu.memory_space<semaphore_mem>>) src(%dma_wait3A_49 : memref<96x128xf32, #tpu.memory_space<vmem>>) dst(%dma_wait3A_45 : memref<96x128xf32, #tpu.memory_space<hbm>>)
    %dma_wait3A_50 = arith.constant 1 : i32
    %dma_wait3A_51 = arith.constant 0 : i32
    %dma_wait3A_52 = arith.constant 0 : i32
    %dma_wait3A_53 = tpu.memref_slice %arg7[%dma_wait3A_50, %dma_wait3A_51, %dma_wait3A_52] : memref<4x104x128xf32, #tpu.memory_space<vmem>> -> memref<1x104x128xf32, #tpu.memory_space<vmem>>
    %dma_wait3A_54 = tpu.memref_squeeze %dma_wait3A_53 : memref<1x104x128xf32, #tpu.memory_space<vmem>> -> memref<104x128xf32, #tpu.memory_space<vmem>>
    %dma_wait3A_55 = arith.constant 96 : i32
    %dma_wait3A_56 = arith.constant 0 : i32
    %dma_wait3A_57 = tpu.memref_slice %arg5[%mul3A_2, %dma_wait3A_55, %dma_wait3A_56] : memref<1024x200x128xf32, #tpu.memory_space<hbm>> -> memref<1x104x128xf32, #tpu.memory_space<hbm>>
    %dma_wait3A_58 = tpu.memref_squeeze %dma_wait3A_57 : memref<1x104x128xf32, #tpu.memory_space<hbm>> -> memref<104x128xf32, #tpu.memory_space<hbm>>
    %dma_wait3A_59 = arith.constant 96 : i32
    %dma_wait3A_60 = arith.constant 0 : i32
    %dma_wait3A_61 = tpu.memref_slice %arg5[%mul3A_2, %dma_wait3A_59, %dma_wait3A_60] : memref<1024x200x128xf32, #tpu.memory_space<hbm>> -> memref<1x104x128xf32, #tpu.memory_space<hbm>>
    %dma_wait3A_62 = tpu.memref_squeeze %dma_wait3A_61 : memref<1x104x128xf32, #tpu.memory_space<hbm>> -> memref<104x128xf32, #tpu.memory_space<hbm>>
    %dma_wait3A_63 = arith.constant 0 : i32
    %dma_wait3A_64 = arith.constant 0 : i32
    %dma_wait3A_65 = tpu.memref_slice %arg7[%dma_wait3A_50, %dma_wait3A_63, %dma_wait3A_64] : memref<4x104x128xf32, #tpu.memory_space<vmem>> -> memref<1x104x128xf32, #tpu.memory_space<vmem>>
    %dma_wait3A_66 = tpu.memref_squeeze %dma_wait3A_65 : memref<1x104x128xf32, #tpu.memory_space<vmem>> -> memref<104x128xf32, #tpu.memory_space<vmem>>
    tpu.wait_dma2 semaphore(%arg14 : memref<!tpu.dma_semaphore, #tpu.memory_space<semaphore_mem>>) src(%dma_wait3A_66 : memref<104x128xf32, #tpu.memory_space<vmem>>) dst(%dma_wait3A_62 : memref<104x128xf32, #tpu.memory_space<hbm>>)
    %dma_wait3A_67 = arith.constant 2 : i32
    %dma_wait3A_68 = arith.constant 0 : i32
    %dma_wait3A_69 = arith.constant 0 : i32
    %dma_wait3A_70 = tpu.memref_slice %arg7[%dma_wait3A_67, %dma_wait3A_68, %dma_wait3A_69] : memref<4x104x128xf32, #tpu.memory_space<vmem>> -> memref<1x96x128xf32, #tpu.memory_space<vmem>>
    %dma_wait3A_71 = tpu.memref_squeeze %dma_wait3A_70 : memref<1x96x128xf32, #tpu.memory_space<vmem>> -> memref<96x128xf32, #tpu.memory_space<vmem>>
    %dma_wait3A_72 = arith.constant 0 : i32
    %dma_wait3A_73 = arith.constant 0 : i32
    %dma_wait3A_74 = tpu.memref_slice %arg5[%mul3A_2, %dma_wait3A_72, %dma_wait3A_73] : memref<1024x200x128xf32, #tpu.memory_space<hbm>> -> memref<1x96x128xf32, #tpu.memory_space<hbm>>
    %dma_wait3A_75 = tpu.memref_squeeze %dma_wait3A_74 : memref<1x96x128xf32, #tpu.memory_space<hbm>> -> memref<96x128xf32, #tpu.memory_space<hbm>>
    %dma_wait3A_76 = arith.constant 0 : i32
    %dma_wait3A_77 = arith.constant 0 : i32
    %dma_wait3A_78 = tpu.memref_slice %arg5[%mul3A_2, %dma_wait3A_76, %dma_wait3A_77] : memref<1024x200x128xf32, #tpu.memory_space<hbm>> -> memref<1x96x128xf32, #tpu.memory_space<hbm>>
    %dma_wait3A_79 = tpu.memref_squeeze %dma_wait3A_78 : memref<1x96x128xf32, #tpu.memory_space<hbm>> -> memref<96x128xf32, #tpu.memory_space<hbm>>
    %dma_wait3A_80 = arith.constant 0 : i32
    %dma_wait3A_81 = arith.constant 0 : i32
    %dma_wait3A_82 = tpu.memref_slice %arg7[%dma_wait3A_67, %dma_wait3A_80, %dma_wait3A_81] : memref<4x104x128xf32, #tpu.memory_space<vmem>> -> memref<1x96x128xf32, #tpu.memory_space<vmem>>
    %dma_wait3A_83 = tpu.memref_squeeze %dma_wait3A_82 : memref<1x96x128xf32, #tpu.memory_space<vmem>> -> memref<96x128xf32, #tpu.memory_space<vmem>>
    tpu.wait_dma2 semaphore(%arg15 : memref<!tpu.dma_semaphore, #tpu.memory_space<semaphore_mem>>) src(%dma_wait3A_83 : memref<96x128xf32, #tpu.memory_space<vmem>>) dst(%dma_wait3A_79 : memref<96x128xf32, #tpu.memory_space<hbm>>)
    %dma_wait3A_84 = arith.constant 3 : i32
    %dma_wait3A_85 = arith.constant 0 : i32
    %dma_wait3A_86 = arith.constant 0 : i32
    %dma_wait3A_87 = tpu.memref_slice %arg7[%dma_wait3A_84, %dma_wait3A_85, %dma_wait3A_86] : memref<4x104x128xf32, #tpu.memory_space<vmem>> -> memref<1x104x128xf32, #tpu.memory_space<vmem>>
    %dma_wait3A_88 = tpu.memref_squeeze %dma_wait3A_87 : memref<1x104x128xf32, #tpu.memory_space<vmem>> -> memref<104x128xf32, #tpu.memory_space<vmem>>
    %dma_wait3A_89 = arith.constant 96 : i32
    %dma_wait3A_90 = arith.constant 0 : i32
    %dma_wait3A_91 = tpu.memref_slice %arg5[%mul3A_2, %dma_wait3A_89, %dma_wait3A_90] : memref<1024x200x128xf32, #tpu.memory_space<hbm>> -> memref<1x104x128xf32, #tpu.memory_space<hbm>>
    %dma_wait3A_92 = tpu.memref_squeeze %dma_wait3A_91 : memref<1x104x128xf32, #tpu.memory_space<hbm>> -> memref<104x128xf32, #tpu.memory_space<hbm>>
    %dma_wait3A_93 = arith.constant 96 : i32
    %dma_wait3A_94 = arith.constant 0 : i32
    %dma_wait3A_95 = tpu.memref_slice %arg5[%mul3A_2, %dma_wait3A_93, %dma_wait3A_94] : memref<1024x200x128xf32, #tpu.memory_space<hbm>> -> memref<1x104x128xf32, #tpu.memory_space<hbm>>
    %dma_wait3A_96 = tpu.memref_squeeze %dma_wait3A_95 : memref<1x104x128xf32, #tpu.memory_space<hbm>> -> memref<104x128xf32, #tpu.memory_space<hbm>>
    %dma_wait3A_97 = arith.constant 0 : i32
    %dma_wait3A_98 = arith.constant 0 : i32
    %dma_wait3A_99 = tpu.memref_slice %arg7[%dma_wait3A_84, %dma_wait3A_97, %dma_wait3A_98] : memref<4x104x128xf32, #tpu.memory_space<vmem>> -> memref<1x104x128xf32, #tpu.memory_space<vmem>>
    %dma_wait3A_100 = tpu.memref_squeeze %dma_wait3A_99 : memref<1x104x128xf32, #tpu.memory_space<vmem>> -> memref<104x128xf32, #tpu.memory_space<vmem>>
    tpu.wait_dma2 semaphore(%arg16 : memref<!tpu.dma_semaphore, #tpu.memory_space<semaphore_mem>>) src(%dma_wait3A_100 : memref<104x128xf32, #tpu.memory_space<vmem>>) dst(%dma_wait3A_96 : memref<104x128xf32, #tpu.memory_space<hbm>>)
    return
  }
}

</mosaic_0001>

<sc_bundles>
// kernel: kernel.3.cloned.1.call-start
scs
__scs_entry_jumppad:
0x0: {  	(pc) =	sbr.rel $0x88, $3  }
0x1: {  	(tag) =	ssettag $0x0;
	lr =	simm.s32 $0x1  }
0x2: {  	[smem:$0x3F9E] =	sst lr;
	_ =	strace $0xD0000000  }
0x3: {  	_ = 	snop  }
0x4: {  	_ = 	snop  }
0x5: {  	_ = 	snop  }
0x6: {  	_ = 	snop  }
0x7: {  	_ = 	snop  }
__scs_overlays_trampoline_lowered:
0x8: {  	[smem:$0x3FAD] =	sst s0  }
0x9: {  	[smem:$0x3FAE] =	sst s1  }
0xa: {  	[smem:$0x3FAF] =	sst s2  }
0xb: {  	[smem:$0x3FB0] =	sst s3  }
0xc: {  	[smem:$0x3FB1] =	sst s4  }
0xd: {  	[smem:$0x3FB2] =	sst s5  }
0xe: {  	[smem:$0x3FB3] =	sst s6  }
0xf: {  	[smem:$0x3FB4] =	sst s7  }
0x10: {  	[smem:$0x3FB5] =	sst s8  }
0x11: {  	[smem:$0x3FB6] =	sst s9;
	s0 =	simm.s32 @!p0 $0x0  }
0x12: {  	s1 =	sld [smem:$0x3F9C];
	s0 =	simm.s32 @p0 $0x1  }
0x13: {  	[smem:$0x3FB7] =	sst s0;
	s0 =	simm.s32 @!p1 $0x0  }
0x14: {  	s2 =	sld [smem:$0x3F9B];
	s0 =	simm.s32 @p1 $0x1  }
0x15: {  	[smem:$0x3FB8] =	sst s0;
	s0 =	simm.s32 @!p2 $0x0  }
0x16: {  	s3 =	sld [smem:$0x3FDB];
	s0 =	simm.s32 @p2 $0x1  }
0x17: {  	s4 =	simm.s32 $0x1BF5;
	[smem:$0x3FBA] =	sst s0  }
0x18: {  	s0 =	sld [smem:$0x3F9D];
	_ =	swait.ge [sflag:s4], $0x0  }
0x19: {  	s7 =	sld [smem:$0x3F9E]  }
0x1a: {  	s8 =	sadd.s32 $0xFFFFE003, lr  }
0x1b: {  	s9 =	sadd.s32 $0xFFFFFEF7, lr;
	s5 =	simm.s32 $0xFFFFFFFF;
	p2 =	slt.u32 s8, $0xFFFFF086  }
0x1c: {  	p1 =	slt.u32 s9, $0xF7A;
	s5 =	simm.s32 @!p2 $0x0  }
0x1d: {  	s5 =	simm.s32 @p1 $0x1;
	p0 =	seq.s32 s7, s2  }
0x1e: {  	s7 =	smul.u32 @!p0 $0xF7A, s2;
	p2 =	seq.s32 @!p0 s5, $0x0  }
0x1f: {  	s9 =	smul.u32 $0xF7A, s1;
	s8 =	simm.s32 @!p0 $0x1BF5;
	p2 =	por !p2, p0  }
0x20: {  	[sflag:s8] =	ssyncset.s32 @!p0 $0xFFFFF086;
	s6 =	sadd.s32 @!p0 s3, s7;
	s7 =	simm.s32 @!p0 $0x108  }
0x21: {  	s3 =	sadd.s32 s3, s9;
	s6 =	sadd.s32 @!p0 $0x88, s6;
	s7 =	simm.s32 @p2 $0x1082  }
0x22: {  	[simem:s7], [sflag:s8] =	dma.local @!p0 [hbm:s6], $0xF7A  }
0x23: {  	s9 =	sor.u32 $0xD0000000, s2;
	s6 =	simm.s32 $0x108;
	_ =	swait.ge @!p0 [sflag:s8], $0x0  }
0x24: {  	s3 =	sadd.s32 $0x88, s3;
	s6 =	simm.s32 @!p1 $0x1082;
	[sflag:s4] =	ssyncset.s32 $0xFFFFF086  }
0x25: {  	[simem:s6], [sflag:s4] =	dma.local [hbm:s3], $0xF7A  }
0x26: {  	[smem:$0x3F9E] =	sst s1;
	(tag) =	ssettag s2;
	_ =	strace s9  }
0x27: {  	s1 =	sld [smem:$0x3FAE]  }
0x28: {  	s2 =	sld [smem:$0x3FAF]  }
0x29: {  	s4 =	sld [smem:$0x3FB1]  }
0x2a: {  	p0 =	seq.s32 s5, $0x0;
	s5 =	sld [smem:$0x3FB2]  }
0x2b: {  	s6 =	sld [smem:$0x3FB3]  }
0x2c: {  	s7 =	sld [smem:$0x3FB4]  }
0x2d: {  	s3 =	simm.s32 $0x108;
	s8 =	sld [smem:$0x3FB5]  }
0x2e: {  	s3 =	simm.s32 @!p0 $0x1082;
	s9 =	sld [smem:$0x3FB6]  }
0x2f: {  	lr =	sadd.s32 s0, s3;
	s0 =	sld [smem:$0x3FAD]  }
0x30: {  	s3 =	sld [smem:$0x3FB0]  }
0x31: {  	[smem:$0x3FB9] =	sst s10  }
0x32: {  	s10 =	sld [smem:$0x3FB7];
	_ =	sdelay $0x3  }
0x33: {  	p0 =	seq.s32 s10, $0x1;
	s10 =	sld [smem:$0x3FB9];
	_ =	sdelay $0x3  }
0x34: {  	[smem:$0x3FB9] =	sst s10  }
0x35: {  	s10 =	sld [smem:$0x3FB8];
	_ =	sdelay $0x3  }
0x36: {  	p1 =	seq.s32 s10, $0x1;
	s10 =	sld [smem:$0x3FB9];
	_ =	sdelay $0x3  }
0x37: {  	[smem:$0x3FB9] =	sst s10  }
0x38: {  	s10 =	sld [smem:$0x3FBA]  }
0x39: {  	_ = 	snop;
	(pc) =	sbr.ind lr, $3  }
0x3a: {  	_ = 	snop  }
0x3b: {  	_ = 	snop  }
0x3c: {  	p2 =	seq.s32 s10, $0x1;
	s10 =	sld [smem:$0x3FB9]  }
0x3d: {  	_ =	shalt  }
0x3e: {  	_ =	shalt  }
0x3f: {  	_ =	shalt  }
0x40: {  	_ =	shalt  }
0x41: {  	_ =	shalt  }
0x42: {  	_ =	shalt  }
0x43: {  	_ =	shalt  }
0x44: {  	_ =	shalt  }
0x45: {  	_ =	shalt  }
0x46: {  	_ =	shalt  }
0x47: {  	_ =	shalt  }
0x48: {  	_ =	shalt  }
0x49: {  	_ =	shalt  }
0x4a: {  	_ =	shalt  }
0x4b: {  	_ =	shalt  }
0x4c: {  	_ =	shalt  }
0x4d: {  	_ =	shalt  }
0x4e: {  	_ =	shalt  }
0x4f: {  	_ =	shalt  }
0x50: {  	_ =	shalt  }
0x51: {  	_ =	shalt  }
0x52: {  	_ =	shalt  }
0x53: {  	_ =	shalt  }
0x54: {  	_ =	shalt  }
0x55: {  	_ =	shalt  }
0x56: {  	_ =	shalt  }
0x57: {  	_ =	shalt  }
0x58: {  	_ =	shalt  }
0x59: {  	_ =	shalt  }
0x5a: {  	_ =	shalt  }
0x5b: {  	_ =	shalt  }
0x5c: {  	_ =	shalt  }
0x5d: {  	_ =	shalt  }
0x5e: {  	_ =	shalt  }
0x5f: {  	_ =	shalt  }
0x60: {  	_ =	shalt  }
0x61: {  	_ =	shalt  }
0x62: {  	_ =	shalt  }
0x63: {  	_ =	shalt  }
0x64: {  	_ =	shalt  }
0x65: {  	_ =	shalt  }
0x66: {  	_ =	shalt  }
0x67: {  	_ =	shalt  }
0x68: {  	_ =	shalt  }
0x69: {  	_ =	shalt  }
0x6a: {  	_ =	shalt  }
0x6b: {  	_ =	shalt  }
0x6c: {  	_ =	shalt  }
0x6d: {  	_ =	shalt  }
0x6e: {  	_ =	shalt  }
0x6f: {  	_ =	shalt  }
0x70: {  	_ =	shalt  }
0x71: {  	_ =	shalt  }
0x72: {  	_ =	shalt  }
0x73: {  	_ =	shalt  }
0x74: {  	_ =	shalt  }
0x75: {  	_ =	shalt  }
0x76: {  	_ =	shalt  }
0x77: {  	_ =	shalt  }
0x78: {  	_ =	shalt  }
0x79: {  	_ =	shalt  }
0x7a: {  	_ =	shalt  }
0x7b: {  	_ =	shalt  }
0x7c: {  	_ =	shalt  }
0x7d: {  	_ =	shalt  }
0x7e: {  	_ =	shalt  }
0x7f: {  	_ =	shalt  }
0x80: {  	_ =	shalt  }
0x81: {  	_ =	shalt  }
0x82: {  	_ =	shalt  }
0x83: {  	_ =	shalt  }
0x84: {  	_ =	shalt  }
0x85: {  	_ =	shalt  }
0x86: {  	_ =	shalt  }
0x87: {  	_ =	shalt  }
.Lfunc_end0:
.L_simem_size_0:
called_computation_lowered:
.L_overlay_start_0:
0x88: {  	s2 =	sld [smem:$0x3FD9]  }
0x89: {  	s3 =	sld [smem:$0x3FFE];
	_ =	sdelay $0x1  }
0x8a: {  	s1 =	srdreg.scid  }
0x8b: {  	s0 =	sand.u32 $0x1, s1  }
0x8c: {  	s17 =	sshll.u32 s0, $0xA;
	s2 =	sadd.s32 s3, s2  }
0x8d: {  	s2 =	sadd.s32 s2, s17  }
0x8e: {  	[smem:$0x3FC5] =	sst s2  }
0x8f: {  	_ = 	snop  }
0x90: {  	s2 =	sld [smem:$0x3FC8]  }
0x91: {  	s18 =	sld [smem:$0x3FC7]  }
0x92: {  	s4 =	sld [smem:$0x3FD0];
	(tm) =	ssettm $0x1  }
0x93: {  	s5 =	sld [smem:$0x3FFB];
	_ =	sdelay $0x3  }
0x94: {  	_ =	strace s5  }
0x95: {  	s5 =	sld [smem:$0x3FFC];
	_ =	sdelay $0x3  }
0x96: {  	_ =	strace s5  }
0x97: {  	s5 =	sld [smem:$0x3FFD];
	_ =	sdelay $0x3  }
0x98: {  	_ =	strace s5  }
0x99: {  	_ =	strace $0x8FFFFFFF  }
0x9a: {  	s19 =	sld [smem:$0x3FDB];
	_ =	sdelay $0x1  }
0x9b: {  	s6 =	simm.s32 $_scs_section_size  }
0x9c: {  	s7 =	simm.s32 $_size__tile_overlayer_lowered;
	s8 =	simm.s32 $_tile_overlayer_lowered  }
0x9d: {  	s22 =	simm.s32 $0x1BFF;
	s21 =	sshll.u32 s8, $0x1;
	s5 =	sadd.s32 s6, s19  }
0x9e: {  	s9 =	simm.s32 $0x0;
	s20 =	sshll.u32 s7, $0x1;
	s7 =	sadd.s32 s21, s5  }
0x9f: {  	[timem:s9], [sflag:s22] =	dma.local [hbm:s7], s20  }
0xa0: {  	_ =	swait.ge [sflag:s22], s20  }
0xa1: {  	s6 =	ssub.s32 $0x0, s20;
	[sflag:s22] =	ssyncset.done $0x0  }
0xa2: {  	[sflag:s22] =	ssyncadd.s32 s6;
	_ =	sdelay $0x1  }
0xa3: {  	s23 =	simm.s32 $0x1B8B  }
0xa4: {  	_ =	swait.ge [sflag:s23], $0x1  }
0xa5: {  	[sflag:s23] =	ssyncset.done $0x0  }
0xa6: {  	s25 =	simm.s32 $0x1B8E;
	s24 =	sld [smem:$0x3FFE];
	[sflag:s23] =	ssyncadd.s32 $0xFFFFFFFF  }
0xa7: {  	s26 =	simm.s32 $execute0_lowered;
	[smem:$0x3FD2] =	sst s25  }
0xa8: {  	s7 =	sshll.u32 s26, $0x1;
	_ =	strace $0x80000046;
	[dreg:$0x1] =	wrdreg $0xFFFFFFFF  }
0xa9: {  	s28 =	simm.s32 $_size_execute0_lowered;
	s5 =	sadd.s32 s5, s7;
	[dreg:$0x0] =	wrdreg $0x0  }
0xaa: {  	s7 =	sshll.u32 s28, $0x1;
	[dreg:$0x2] =	wrdreg s5  }
0xab: {  	[dreg:$0x3] =	wrdreg s7  }
0xac: {  	[dreg:$0x4] =	wrdreg $0xC0  }
0xad: {  	_ =	task [dreg:s9], $0x5FFFF  }
0xae: {  	[dreg:$0x1] =	wrdreg $0xFFFFFFFF  }
0xaf: {  	[dreg:$0x0] =	wrdreg $0x60  }
0xb0: {  	[dreg:$0x2] =	wrdreg s24  }
0xb1: {  	[dreg:$0x3] =	wrdreg s2  }
0xb2: {  	[dreg:$0x4] =	wrdreg s18  }
0xb3: {  	[dreg:$0x5] =	wrdreg s4  }
0xb4: {  	[dreg:$0x6] =	wrdreg $0x9  }
0xb5: {  	_ =	task.clear_ibuf [dreg:s9], $0x7FFFF;
	_ =	strace $0x90000046  }
0xb6: {  	s29 =	simm.s32 $0x9;
	_ =	strace $0x80000048  }
0xb7: {  	_ =	swait.ge [sflag:s29], $0x1  }
0xb8: {  	[sflag:s29] =	ssyncadd.s32 $0xFFFFFFFF  }
0xb9: {  	_ =	strace $0x90000048  }
0xba: {  	_ =	sfence  }
0xbb: {  	s30 =	sld [smem:$0x0];
	_ =	sdelay $0x2  }
0xbc: {  	s31 =	sshll.u32 s1, $0xD;
	s1 =	sshrl.u32 s1, $0x2  }
0xbd: {  	s3 =	sand.u32 $0x4000, s31;
	s1 =	sadd.s32 s1, s30  }
0xbe: {  	s0 =	sor.u32 s3, s0;
	s1 =	sshll.u32 s1, $0x11  }
0xbf: {  	s0 =	sor.u32 s1, s0  }
0xc0: {  	s0 =	sadd.s32 $0x8F2B, s0  }
0xc1: {  	[sflag:s0] =	ssyncadd.remote.s32 $0x1  }
0xc2: {  	_ =	sfence.sel $0xFFFF  }
0xc3: {  	[dreg:$0x0] =	wrdreg $0xFFFFFFFF;
	(pc) =	sbr.abs _section_cstart, $3  }
0xc4: {  	[dreg:$0x1] =	wrdreg $0xFFFFFFFF  }
0xc5: {  	_ =	task.clear_ibuf [dreg:s9], $0x2FFFF;
	_ =	strace $0x9FFFFFFF  }
0xc6: {  	(tm) =	ssettm $0x7FFFFFFF  }
0xc7: {  	_ =	shalt  }
tec
execute0_lowered:
.L_overlay_start_1:
0x0: {  	(tag) =	ssettag $0x1  }
0x1: {  	s0 =	rddreg [dreg:$0x0]  }
0x2: {  	s1 =	rddreg [dreg:$0x1]  }
0x3: {  	s2 =	srdreg.scid;
	s3 =	stileid.u32  }
0x4: {  	s4 =	rddreg [dreg:$0x3];
	s9 =	simm.s32 $0xE900;
	s10 =	simm.s32 $0x9  }
0x5: {  	s11 =	simm.s32 $0x60;
	s12 =	simm.s32 $0x1900;
	s13 =	simm.s32 $0x68  }
0x6: {  	s14 =	simm.s32 $0x4D00;
	s15 =	simm.s32 $0xA;
	s16 =	simm.s32 $0x8100  }
0x7: {  	s17 =	simm.s32 $0x1;
	s18 =	simm.s32 $0xB500;
	s19 =	simm.s32 $0x2  }
0x8: {  	s20 =	simm.s32 $0x3;
	s21 =	simm.s32 $0x4;
	s22 =	simm.s32 $0x5  }
0x9: {  	s23 =	simm.s32 $0x6;
	s2 =	sand.u32 $0x1, s2;
	s5 =	sshll.u32 s3, $0x1  }
0xa: {  	s24 =	simm.s32 $0x7;
	s25 =	simm.s32 $0x8;
	s6 =	sor.u32 s2, s5  }
0xb: {  	s5 =	simm.s32 $0x0;
	s2 =	ssub.s32 $0x2, s2;
	s7 =	smul.u32 $0x320, s6  }
0xc: {  	s26 =	simm.s32 $0x0;
	[smem:$0x7FF] =	sst s5;
	s8 =	sshrl.u32 s2, $0x1  }
0xd: {  	s6 =	sshll.u32 s6, $0x5;
	s2 =	ssub.s32 s2, s8;
	s0 =	sadd.s32 s7, s0  }
0xe: {  	_ =	strace $0x80000047;
	s8 =	smax.u32 s2, $0x1;
	s7 =	sadd.s32 $0x400, s0  }
.LBB2_1:
0xf: {  	[tilespmem:s5], [sflag:$0x9] =	stream.linear.gather [hbm4b:s7+s5], $0x1900, $0x38;
	[tilespmem:$0x14D00] =	vst v63  }
0x10: {  	s0 =	rddreg [dreg:$0x2]  }
0x11: {  	[tilespmem:s9], [sflag:$0xA] =	stream.linear.gather [hbm4b:s0+s5], $0x6400, $0x38;
	[tilespmem:$0x14D00] =	vst v63  }
0x12: {  	_ =	swait.ge [sflag:s10], $0x1900  }
0x13: {  	[sflag:s10] =	ssyncset.done $0x0  }
0x14: {  	[sflag:s10] =	ssyncadd.s32 $0xFFFFE700  }
0x15: {  	[tilespmem:s12], [sflag:$0x1] =	stream.indirect.gather [hbm4b:s1+s11], $0x80, s5, s11, $0xb8;
	[tilespmem:$0x14D00] =	vst v63  }
0x16: {  	_ = 	snop  }
0x17: {  	[tilespmem:s14], [sflag:$0x2] =	stream.indirect.gather [hbm4b:s1+s13], $0x80, s11, s13, $0xb8;
	[tilespmem:$0x14D00] =	vst v63  }
0x18: {  	_ =	swait.ge [sflag:s15], $0x6400  }
0x19: {  	[sflag:s15] =	ssyncset.done $0x0  }
0x1a: {  	s28 =	simm.s32 $0x0;
	[sflag:s15] =	ssyncadd.s32 $0xFFFF9C00  }
.LBB2_2:
0x1b: {  	p0 =	seq.s32 s28, $0x0  }
0x1c: {  	s2 =	smul.u32 $0x640, s28;
	s0 =	simm.s32 @!p0 $0x7  }
0x1d: {  	_ =	swait.ge @!p0 [sflag:s0], $0x3000  }
0x1e: {  	s29 =	sshra.s32 s2, $0x2;
	[sflag:s0] =	ssyncset.done @!p0 $0x0  }
0x1f: {  	s3 =	sadd.s32 $0xC8, s29;
	[sflag:s0] =	ssyncadd.s32 @!p0 $0xFFFFD000  }
0x20: {  	[tilespmem:s16], [sflag:$0x3] =	stream.indirect.gather [hbm4b:s1+s11], $0x80, s3, s11, $0xb8;
	[tilespmem:$0x14D00] =	vst v63  }
0x21: {  	_ =	swait.ge [sflag:s17], $0x3000  }
0x22: {  	[sflag:s17] =	ssyncset.done $0x0  }
0x23: {  	s31 =	simm.s32 $0xF0;
	[sflag:s17] =	ssyncadd.s32 $0xFFFFD000  }
0x24: {  	v6 =	vld [tilespmem:s31+$0xE810]  }
0x25: {  	v7 =	vld [tilespmem:s31+$0xE820]  }
0x26: {  	v8 =	vld [tilespmem:s31+$0xE830]  }
0x27: {  	v9 =	vld [tilespmem:s31+$0xE840]  }
0x28: {  	v10 =	vld [tilespmem:s31+$0xE850]  }
0x29: {  	v11 =	vld [tilespmem:s31+$0xE860]  }
0x2a: {  	v12 =	vld [tilespmem:s31+$0xE870]  }
0x2b: {  	v13 =	vld [tilespmem:s31+$0xE880]  }
0x2c: {  	v14 =	vld [tilespmem:s31+$0xE890]  }
0x2d: {  	v15 =	vld [tilespmem:s31+$0xE8A0]  }
0x2e: {  	v5 =	vld [tilespmem:s31+$0xE8B0]  }
0x2f: {  	v4 =	vld [tilespmem:s31+$0xE8C0]  }
0x30: {  	v3 =	vld [tilespmem:s31+$0xE8D0]  }
0x31: {  	v2 =	vld [tilespmem:s31+$0xE8E0]  }
0x32: {  	v1 =	vld [tilespmem:s31+$0xE8F0]  }
0x33: {  	v0 =	vld [tilespmem:s31+$0xE900]  }
0x34: {  	v16 =	vld [tilespmem:s31+$0x1810]  }
0x35: {  	v17 =	vld [tilespmem:s31+$0x1820]  }
0x36: {  	v18 =	vld [tilespmem:s31+$0x1830]  }
0x37: {  	v19 =	vld [tilespmem:s31+$0x1840]  }
0x38: {  	v20 =	vld [tilespmem:s31+$0x1850]  }
0x39: {  	v60 =	vld [tilespmem:s31+$0x1860];
	v6 =	vadd.f32 v6, v16  }
0x3a: {  	v21 =	vld [tilespmem:s31+$0x1870];
	v7 =	vadd.f32 v7, v17  }
0x3b: {  	v61 =	vld [tilespmem:s31+$0x1880];
	[tilespmem:s31+$0x1810] =	vst v6;
	v6 =	vadd.f32 v8, v18  }
0x3c: {  	v62 =	vld [tilespmem:s31+$0x1890];
	[tilespmem:s31+$0x1820] =	vst v7;
	v7 =	vadd.f32 v9, v19  }
0x3d: {  	v63 =	vld [tilespmem:s31+$0x18A0];
	[tilespmem:s31+$0x1830] =	vst v6;
	v6 =	vadd.f32 v10, v20  }
0x3e: {  	v8 =	vadd.f32 v11, v60;
	[tilespmem:s31+$0x1840] =	vst v7;
	v7 =	vld [tilespmem:s31+$0x18B0]  }
0x3f: {  	v9 =	vadd.f32 v12, v21;
	[tilespmem:s31+$0x1850] =	vst v6;
	v6 =	vld [tilespmem:s31+$0x18C0]  }
0x40: {  	[tilespmem:s31+$0x1860] =	vst v8;
	v8 =	vld [tilespmem:s31+$0x18D0];
	v10 =	vadd.f32 v13, v61  }
0x41: {  	v12 =	vadd.f32 v14, v62;
	[tilespmem:s31+$0x1870] =	vst v9;
	v9 =	vld [tilespmem:s31+$0x18E0]  }
0x42: {  	s30 =	sshll.u32 s28, $0x1;
	s2 =	simm.s32 $0x7C0;
	v11 =	vadd.f32 v15, v63;
	[tilespmem:s31+$0x1880] =	vst v10;
	v10 =	vld [tilespmem:s31+$0x18F0]  }
.LBB2_3:
0x43: {  	s0 =	sshra.s32 s2, $0x2;
	p1 =	sne.s32 s2, $0xBFC0;
	[tilespmem:s31+$0x1890] =	vst v12;
	v5 =	vadd.f32 v5, v7;
	v7 =	vld [tilespmem:s31+$0x1900]  }
0x44: {  	v12 =	vld [tilespmem:s0+$0xE810];
	[tilespmem:s31+$0x18A0] =	vst v11;
	v4 =	vadd.f32 v4, v6  }
0x45: {  	v6 =	vld [tilespmem:s0+$0xE820];
	[tilespmem:s31+$0x18B0] =	vst v5;
	v3 =	vadd.f32 v3, v8  }
0x46: {  	v8 =	vld [tilespmem:s0+$0xE830];
	[tilespmem:s31+$0x18C0] =	vst v4;
	v2 =	vadd.f32 v2, v9  }
0x47: {  	v9 =	vld [tilespmem:s0+$0xE840];
	[tilespmem:s31+$0x18D0] =	vst v3;
	v1 =	vadd.f32 v1, v10  }
0x48: {  	v10 =	vld [tilespmem:s0+$0xE850];
	[tilespmem:s31+$0x18E0] =	vst v2;
	v0 =	vadd.f32 v0, v7  }
0x49: {  	v7 =	vld [tilespmem:s0+$0xE860];
	[tilespmem:s31+$0x18F0] =	vst v1  }
0x4a: {  	v11 =	vld [tilespmem:s0+$0xE870];
	[tilespmem:s31+$0x1900] =	vst v0;
	s31 =	smov.u32 s0  }
0x4b: {  	v13 =	vld [tilespmem:s31+$0xE880]  }
0x4c: {  	v14 =	vld [tilespmem:s31+$0xE890]  }
0x4d: {  	v15 =	vld [tilespmem:s31+$0xE8A0]  }
0x4e: {  	v5 =	vld [tilespmem:s31+$0xE8B0]  }
0x4f: {  	v4 =	vld [tilespmem:s31+$0xE8C0]  }
0x50: {  	v3 =	vld [tilespmem:s31+$0xE8D0]  }
0x51: {  	v2 =	vld [tilespmem:s31+$0xE8E0]  }
0x52: {  	v1 =	vld [tilespmem:s31+$0xE8F0]  }
0x53: {  	v0 =	vld [tilespmem:s31+$0xE900]  }
0x54: {  	v16 =	vld [tilespmem:s31+$0x1810]  }
0x55: {  	v17 =	vld [tilespmem:s31+$0x1820]  }
0x56: {  	v18 =	vld [tilespmem:s31+$0x1830]  }
0x57: {  	v19 =	vld [tilespmem:s31+$0x1840]  }
0x58: {  	v20 =	vld [tilespmem:s31+$0x1850]  }
0x59: {  	v12 =	vadd.f32 v12, v16;
	v16 =	vld [tilespmem:s31+$0x1860]  }
0x5a: {  	v6 =	vadd.f32 v6, v17;
	v17 =	vld [tilespmem:s31+$0x1870]  }
0x5b: {  	[tilespmem:s31+$0x1810] =	vst v12;
	v8 =	vadd.f32 v8, v18;
	v12 =	vld [tilespmem:s31+$0x1880]  }
0x5c: {  	[tilespmem:s31+$0x1820] =	vst v6;
	v6 =	vadd.f32 v9, v19;
	v9 =	vld [tilespmem:s31+$0x1890]  }
0x5d: {  	[tilespmem:s31+$0x1830] =	vst v8;
	v8 =	vadd.f32 v10, v20;
	v10 =	vld [tilespmem:s31+$0x18A0]  }
.Ltmp0:
0x5e: {  	[tilespmem:s31+$0x1840] =	vst v6;
	v16 =	vadd.f32 v7, v16;
	v7 =	vld [tilespmem:s31+$0x18B0];
	(pc) =	sbr.rel @p1 .LBB2_3-.Ltmp0, $4  }
0x5f: {  	[tilespmem:s31+$0x1850] =	vst v8;
	v11 =	vadd.f32 v11, v17;
	v6 =	vld [tilespmem:s31+$0x18C0]  }
0x60: {  	[tilespmem:s31+$0x1860] =	vst v16;
	v13 =	vadd.f32 v13, v12;
	v8 =	vld [tilespmem:s31+$0x18D0]  }
0x61: {  	[tilespmem:s31+$0x1870] =	vst v11;
	v12 =	vadd.f32 v14, v9;
	v9 =	vld [tilespmem:s31+$0x18E0]  }
0x62: {  	s2 =	sadd.s32 $0x400, s2;
	[tilespmem:s31+$0x1880] =	vst v13;
	v11 =	vadd.f32 v15, v10;
	v10 =	vld [tilespmem:s31+$0x18F0]  }
0x63: {  	[tilespmem:s31+$0x1890] =	vst v12;
	v5 =	vadd.f32 v5, v7;
	v7 =	vld [tilespmem:s31+$0x1900]  }
0x64: {  	[tilespmem:s31+$0x18A0] =	vst v11;
	v4 =	vadd.f32 v4, v6  }
0x65: {  	[tilespmem:s31+$0x18B0] =	vst v5;
	v3 =	vadd.f32 v3, v8  }
0x66: {  	s0 =	sor.u32 s6, s30;
	[tilespmem:s31+$0x18C0] =	vst v4;
	v2 =	vadd.f32 v2, v9  }
0x67: {  	s0 =	smul.u32 $0x6400, s0;
	[tilespmem:s31+$0x18D0] =	vst v3;
	v1 =	vadd.f32 v1, v10  }
0x68: {  	[tilespmem:s31+$0x18E0] =	vst v2;
	v0 =	vadd.f32 v0, v7  }
0x69: {  	s0 =	sshrl.u32 s0, $0x3;
	[tilespmem:s31+$0x18F0] =	vst v1  }
0x6a: {  	[tilespmem:s31+$0x1900] =	vst v0;
	s31 =	sadd.s32 s4, s0;
	s0 =	simm.s32 @!p0 $0x8  }
0x6b: {  	[hbm4b:s31+s5] =	stream.linear.scatter [tilespmem:s12], [sflag:$0x5], $0x3000, $0x38;
	[tilespmem:$0x14D00] =	vst v63  }
0x6c: {  	_ =	swait.ge @!p0 [sflag:s0], $0x3400  }
0x6d: {  	[sflag:s0] =	ssyncset.done @!p0 $0x0  }
0x6e: {  	s3 =	sadd.s32 $0x128, s29;
	[sflag:s0] =	ssyncadd.s32 @!p0 $0xFFFFCC00  }
0x6f: {  	[tilespmem:s18], [sflag:$0x4] =	stream.indirect.gather [hbm4b:s1+s13], $0x80, s3, s13, $0xb8;
	[tilespmem:$0x14D00] =	vst v63  }
0x70: {  	_ =	swait.ge [sflag:s19], $0x3400  }
0x71: {  	[sflag:s19] =	ssyncset.done $0x0  }
0x72: {  	s2 =	simm.s32 $0x0;
	[sflag:s19] =	ssyncadd.s32 $0xFFFFCC00  }
0x73: {  	v6 =	vld [tilespmem:s2+$0x11900]  }
0x74: {  	v7 =	vld [tilespmem:s2+$0x11910]  }
0x75: {  	v8 =	vld [tilespmem:s2+$0x11920]  }
0x76: {  	v9 =	vld [tilespmem:s2+$0x11930]  }
0x77: {  	v10 =	vld [tilespmem:s2+$0x11940]  }
0x78: {  	v11 =	vld [tilespmem:s2+$0x11950]  }
0x79: {  	v12 =	vld [tilespmem:s2+$0x11960]  }
0x7a: {  	v13 =	vld [tilespmem:s2+$0x11970]  }
0x7b: {  	v14 =	vld [tilespmem:s2+$0x11980]  }
0x7c: {  	v15 =	vld [tilespmem:s2+$0x11990]  }
0x7d: {  	v5 =	vld [tilespmem:s2+$0x119A0]  }
0x7e: {  	v4 =	vld [tilespmem:s2+$0x119B0]  }
0x7f: {  	v3 =	vld [tilespmem:s2+$0x119C0]  }
0x80: {  	v2 =	vld [tilespmem:s2+$0x119D0]  }
0x81: {  	v1 =	vld [tilespmem:s2+$0x119E0]  }
0x82: {  	v0 =	vld [tilespmem:s2+$0x119F0]  }
0x83: {  	v16 =	vld [tilespmem:s2+$0x4D00]  }
0x84: {  	v17 =	vld [tilespmem:s2+$0x4D10]  }
0x85: {  	v18 =	vld [tilespmem:s2+$0x4D20]  }
0x86: {  	v19 =	vld [tilespmem:s2+$0x4D30]  }
0x87: {  	v20 =	vld [tilespmem:s2+$0x4D40]  }
0x88: {  	v60 =	vld [tilespmem:s2+$0x4D50];
	v6 =	vadd.f32 v6, v16  }
0x89: {  	v21 =	vld [tilespmem:s2+$0x4D60];
	v7 =	vadd.f32 v7, v17  }
0x8a: {  	v61 =	vld [tilespmem:s2+$0x4D70];
	[tilespmem:s2+$0x4D00] =	vst v6;
	v6 =	vadd.f32 v8, v18  }
0x8b: {  	v62 =	vld [tilespmem:s2+$0x4D80];
	[tilespmem:s2+$0x4D10] =	vst v7;
	v7 =	vadd.f32 v9, v19  }
0x8c: {  	v63 =	vld [tilespmem:s2+$0x4D90];
	[tilespmem:s2+$0x4D20] =	vst v6;
	v6 =	vadd.f32 v10, v20  }
0x8d: {  	v8 =	vadd.f32 v11, v60;
	[tilespmem:s2+$0x4D30] =	vst v7;
	v7 =	vld [tilespmem:s2+$0x4DA0]  }
0x8e: {  	v9 =	vadd.f32 v12, v21;
	[tilespmem:s2+$0x4D40] =	vst v6;
	v6 =	vld [tilespmem:s2+$0x4DB0]  }
0x8f: {  	[tilespmem:s2+$0x4D50] =	vst v8;
	v8 =	vld [tilespmem:s2+$0x4DC0];
	v10 =	vadd.f32 v13, v61  }
0x90: {  	v12 =	vadd.f32 v14, v62;
	[tilespmem:s2+$0x4D60] =	vst v9;
	v9 =	vld [tilespmem:s2+$0x4DD0]  }
0x91: {  	s0 =	simm.s32 $0x400;
	v11 =	vadd.f32 v15, v63;
	[tilespmem:s2+$0x4D70] =	vst v10;
	v10 =	vld [tilespmem:s2+$0x4DE0]  }
.LBB2_5:
0x92: {  	s3 =	sshra.s32 s0, $0x2;
	p0 =	sne.s32 s0, $0xCC00;
	[tilespmem:s2+$0x4D80] =	vst v12;
	v5 =	vadd.f32 v5, v7;
	v7 =	vld [tilespmem:s2+$0x4DF0]  }
0x93: {  	v12 =	vld [tilespmem:s3+$0x11900];
	[tilespmem:s2+$0x4D90] =	vst v11;
	v4 =	vadd.f32 v4, v6  }
0x94: {  	v6 =	vld [tilespmem:s3+$0x11910];
	[tilespmem:s2+$0x4DA0] =	vst v5;
	v3 =	vadd.f32 v3, v8  }
0x95: {  	v8 =	vld [tilespmem:s3+$0x11920];
	[tilespmem:s2+$0x4DB0] =	vst v4;
	v2 =	vadd.f32 v2, v9  }
0x96: {  	v9 =	vld [tilespmem:s3+$0x11930];
	[tilespmem:s2+$0x4DC0] =	vst v3;
	v1 =	vadd.f32 v1, v10  }
0x97: {  	v10 =	vld [tilespmem:s3+$0x11940];
	[tilespmem:s2+$0x4DD0] =	vst v2;
	v0 =	vadd.f32 v0, v7  }
0x98: {  	v7 =	vld [tilespmem:s3+$0x11950];
	[tilespmem:s2+$0x4DE0] =	vst v1  }
0x99: {  	v11 =	vld [tilespmem:s3+$0x11960];
	[tilespmem:s2+$0x4DF0] =	vst v0;
	s2 =	smov.u32 s3  }
0x9a: {  	v13 =	vld [tilespmem:s2+$0x11970]  }
0x9b: {  	v14 =	vld [tilespmem:s2+$0x11980]  }
0x9c: {  	v15 =	vld [tilespmem:s2+$0x11990]  }
0x9d: {  	v5 =	vld [tilespmem:s2+$0x119A0]  }
0x9e: {  	v4 =	vld [tilespmem:s2+$0x119B0]  }
0x9f: {  	v3 =	vld [tilespmem:s2+$0x119C0]  }
0xa0: {  	v2 =	vld [tilespmem:s2+$0x119D0]  }
0xa1: {  	v1 =	vld [tilespmem:s2+$0x119E0]  }
0xa2: {  	v0 =	vld [tilespmem:s2+$0x119F0]  }
0xa3: {  	v16 =	vld [tilespmem:s2+$0x4D00]  }
0xa4: {  	v17 =	vld [tilespmem:s2+$0x4D10]  }
0xa5: {  	v18 =	vld [tilespmem:s2+$0x4D20]  }
0xa6: {  	v19 =	vld [tilespmem:s2+$0x4D30]  }
0xa7: {  	v20 =	vld [tilespmem:s2+$0x4D40]  }
0xa8: {  	v12 =	vadd.f32 v12, v16;
	v16 =	vld [tilespmem:s2+$0x4D50]  }
0xa9: {  	v6 =	vadd.f32 v6, v17;
	v17 =	vld [tilespmem:s2+$0x4D60]  }
0xaa: {  	[tilespmem:s2+$0x4D00] =	vst v12;
	v8 =	vadd.f32 v8, v18;
	v12 =	vld [tilespmem:s2+$0x4D70]  }
0xab: {  	[tilespmem:s2+$0x4D10] =	vst v6;
	v6 =	vadd.f32 v9, v19;
	v9 =	vld [tilespmem:s2+$0x4D80]  }
0xac: {  	[tilespmem:s2+$0x4D20] =	vst v8;
	v8 =	vadd.f32 v10, v20;
	v10 =	vld [tilespmem:s2+$0x4D90]  }
.Ltmp1:
0xad: {  	[tilespmem:s2+$0x4D30] =	vst v6;
	v16 =	vadd.f32 v7, v16;
	v7 =	vld [tilespmem:s2+$0x4DA0];
	(pc) =	sbr.rel @p0 .LBB2_5-.Ltmp1, $4  }
0xae: {  	[tilespmem:s2+$0x4D40] =	vst v8;
	v11 =	vadd.f32 v11, v17;
	v6 =	vld [tilespmem:s2+$0x4DB0]  }
0xaf: {  	[tilespmem:s2+$0x4D50] =	vst v16;
	v13 =	vadd.f32 v13, v12;
	v8 =	vld [tilespmem:s2+$0x4DC0]  }
0xb0: {  	[tilespmem:s2+$0x4D60] =	vst v11;
	v12 =	vadd.f32 v14, v9;
	v9 =	vld [tilespmem:s2+$0x4DD0]  }
0xb1: {  	s0 =	sadd.s32 $0x400, s0;
	[tilespmem:s2+$0x4D70] =	vst v13;
	v11 =	vadd.f32 v15, v10;
	v10 =	vld [tilespmem:s2+$0x4DE0]  }
0xb2: {  	[tilespmem:s2+$0x4D80] =	vst v12;
	v5 =	vadd.f32 v5, v7;
	v7 =	vld [tilespmem:s2+$0x4DF0]  }
0xb3: {  	[tilespmem:s2+$0x4D90] =	vst v11;
	v4 =	vadd.f32 v4, v6  }
0xb4: {  	[tilespmem:s2+$0x4DA0] =	vst v5;
	v3 =	vadd.f32 v3, v8  }
0xb5: {  	[tilespmem:s2+$0x4DB0] =	vst v4;
	v2 =	vadd.f32 v2, v9  }
0xb6: {  	[tilespmem:s2+$0x4DC0] =	vst v3;
	v1 =	vadd.f32 v1, v10  }
0xb7: {  	[tilespmem:s2+$0x4DD0] =	vst v2;
	v0 =	vadd.f32 v0, v7  }
0xb8: {  	s30 =	sor.u32 $0x1, s30;
	[tilespmem:s2+$0x4DE0] =	vst v1  }
0xb9: {  	s0 =	sadd.s32 $0x600, s31;
	p0 =	sgt.u32 s30, $0x1E;
	[tilespmem:s2+$0x4DF0] =	vst v0  }
0xba: {  	[hbm4b:s0+s5] =	stream.linear.scatter [tilespmem:s14], [sflag:$0x6], $0x3400, $0x38;
	[tilespmem:$0x14D00] =	vst v63  }
0xbb: {  	s0 =	simm.s32 @!p0 $0x5  }
0xbc: {  	_ =	swait.ge @!p0 [sflag:s0], $0x3000  }
0xbd: {  	s3 =	simm.s32 @!p0 $0x1900;
	[sflag:s0] =	ssyncset.done @!p0 $0x0  }
0xbe: {  	s2 =	simm.s32 @!p0 $0x60;
	[sflag:s0] =	ssyncadd.s32 @!p0 $0xFFFFD000;
	s0 =	sadd.s32 @!p0 $0x190, s29  }
0xbf: {  	[tilespmem:s3], [sflag:$0x1] =	stream.indirect.gather @!p0 [hbm4b:s1+s2], $0x80, s0, s2, $0xb8;
	[tilespmem:$0x14D00] =	vst v63  }
0xc0: {  	_ =	swait.ge [sflag:s20], $0x3000  }
0xc1: {  	[sflag:s20] =	ssyncset.done $0x0  }
0xc2: {  	s31 =	simm.s32 $0x0;
	[sflag:s20] =	ssyncadd.s32 $0xFFFFD000  }
0xc3: {  	v6 =	vld [tilespmem:s31+$0xE900]  }
0xc4: {  	v7 =	vld [tilespmem:s31+$0xE910]  }
0xc5: {  	v8 =	vld [tilespmem:s31+$0xE920]  }
0xc6: {  	v9 =	vld [tilespmem:s31+$0xE930]  }
0xc7: {  	v10 =	vld [tilespmem:s31+$0xE940]  }
0xc8: {  	v11 =	vld [tilespmem:s31+$0xE950]  }
0xc9: {  	v12 =	vld [tilespmem:s31+$0xE960]  }
0xca: {  	v13 =	vld [tilespmem:s31+$0xE970]  }
0xcb: {  	v14 =	vld [tilespmem:s31+$0xE980]  }
0xcc: {  	v15 =	vld [tilespmem:s31+$0xE990]  }
0xcd: {  	v5 =	vld [tilespmem:s31+$0xE9A0]  }
0xce: {  	v4 =	vld [tilespmem:s31+$0xE9B0]  }
0xcf: {  	v3 =	vld [tilespmem:s31+$0xE9C0]  }
0xd0: {  	v2 =	vld [tilespmem:s31+$0xE9D0]  }
0xd1: {  	v1 =	vld [tilespmem:s31+$0xE9E0]  }
0xd2: {  	v0 =	vld [tilespmem:s31+$0xE9F0]  }
0xd3: {  	v16 =	vld [tilespmem:s31+$0x8100]  }
0xd4: {  	v17 =	vld [tilespmem:s31+$0x8110]  }
0xd5: {  	v18 =	vld [tilespmem:s31+$0x8120]  }
0xd6: {  	v19 =	vld [tilespmem:s31+$0x8130]  }
0xd7: {  	v20 =	vld [tilespmem:s31+$0x8140]  }
0xd8: {  	v60 =	vld [tilespmem:s31+$0x8150];
	v6 =	vadd.f32 v6, v16  }
0xd9: {  	v21 =	vld [tilespmem:s31+$0x8160];
	v7 =	vadd.f32 v7, v17  }
0xda: {  	v61 =	vld [tilespmem:s31+$0x8170];
	[tilespmem:s31+$0x8100] =	vst v6;
	v6 =	vadd.f32 v8, v18  }
0xdb: {  	v62 =	vld [tilespmem:s31+$0x8180];
	[tilespmem:s31+$0x8110] =	vst v7;
	v7 =	vadd.f32 v9, v19  }
0xdc: {  	v63 =	vld [tilespmem:s31+$0x8190];
	[tilespmem:s31+$0x8120] =	vst v6;
	v6 =	vadd.f32 v10, v20  }
0xdd: {  	v8 =	vadd.f32 v11, v60;
	[tilespmem:s31+$0x8130] =	vst v7;
	v7 =	vld [tilespmem:s31+$0x81A0]  }
0xde: {  	v9 =	vadd.f32 v12, v21;
	[tilespmem:s31+$0x8140] =	vst v6;
	v6 =	vld [tilespmem:s31+$0x81B0]  }
0xdf: {  	[tilespmem:s31+$0x8150] =	vst v8;
	v8 =	vld [tilespmem:s31+$0x81C0];
	v10 =	vadd.f32 v13, v61  }
0xe0: {  	v12 =	vadd.f32 v14, v62;
	[tilespmem:s31+$0x8160] =	vst v9;
	v9 =	vld [tilespmem:s31+$0x81D0]  }
0xe1: {  	s0 =	simm.s32 $0x400;
	v11 =	vadd.f32 v15, v63;
	[tilespmem:s31+$0x8170] =	vst v10;
	v10 =	vld [tilespmem:s31+$0x81E0]  }
.LBB2_7:
0xe2: {  	s2 =	sshra.s32 s0, $0x2;
	p1 =	sne.s32 s0, $0xBC00;
	[tilespmem:s31+$0x8180] =	vst v12;
	v5 =	vadd.f32 v5, v7;
	v7 =	vld [tilespmem:s31+$0x81F0]  }
0xe3: {  	v12 =	vld [tilespmem:s2+$0xE900];
	[tilespmem:s31+$0x8190] =	vst v11;
	v4 =	vadd.f32 v4, v6  }
0xe4: {  	v6 =	vld [tilespmem:s2+$0xE910];
	[tilespmem:s31+$0x81A0] =	vst v5;
	v3 =	vadd.f32 v3, v8  }
0xe5: {  	v8 =	vld [tilespmem:s2+$0xE920];
	[tilespmem:s31+$0x81B0] =	vst v4;
	v2 =	vadd.f32 v2, v9  }
0xe6: {  	v9 =	vld [tilespmem:s2+$0xE930];
	[tilespmem:s31+$0x81C0] =	vst v3;
	v1 =	vadd.f32 v1, v10  }
0xe7: {  	v10 =	vld [tilespmem:s2+$0xE940];
	[tilespmem:s31+$0x81D0] =	vst v2;
	v0 =	vadd.f32 v0, v7  }
0xe8: {  	v7 =	vld [tilespmem:s2+$0xE950];
	[tilespmem:s31+$0x81E0] =	vst v1  }
0xe9: {  	v11 =	vld [tilespmem:s2+$0xE960];
	[tilespmem:s31+$0x81F0] =	vst v0;
	s31 =	smov.u32 s2  }
0xea: {  	v13 =	vld [tilespmem:s31+$0xE970]  }
0xeb: {  	v14 =	vld [tilespmem:s31+$0xE980]  }
0xec: {  	v15 =	vld [tilespmem:s31+$0xE990]  }
0xed: {  	v5 =	vld [tilespmem:s31+$0xE9A0]  }
0xee: {  	v4 =	vld [tilespmem:s31+$0xE9B0]  }
0xef: {  	v3 =	vld [tilespmem:s31+$0xE9C0]  }
0xf0: {  	v2 =	vld [tilespmem:s31+$0xE9D0]  }
0xf1: {  	v1 =	vld [tilespmem:s31+$0xE9E0]  }
0xf2: {  	v0 =	vld [tilespmem:s31+$0xE9F0]  }
0xf3: {  	v16 =	vld [tilespmem:s31+$0x8100]  }
0xf4: {  	v17 =	vld [tilespmem:s31+$0x8110]  }
0xf5: {  	v18 =	vld [tilespmem:s31+$0x8120]  }
0xf6: {  	v19 =	vld [tilespmem:s31+$0x8130]  }
0xf7: {  	v20 =	vld [tilespmem:s31+$0x8140]  }
0xf8: {  	v12 =	vadd.f32 v12, v16;
	v16 =	vld [tilespmem:s31+$0x8150]  }
0xf9: {  	v6 =	vadd.f32 v6, v17;
	v17 =	vld [tilespmem:s31+$0x8160]  }
0xfa: {  	[tilespmem:s31+$0x8100] =	vst v12;
	v8 =	vadd.f32 v8, v18;
	v12 =	vld [tilespmem:s31+$0x8170]  }
0xfb: {  	[tilespmem:s31+$0x8110] =	vst v6;
	v6 =	vadd.f32 v9, v19;
	v9 =	vld [tilespmem:s31+$0x8180]  }
0xfc: {  	[tilespmem:s31+$0x8120] =	vst v8;
	v8 =	vadd.f32 v10, v20;
	v10 =	vld [tilespmem:s31+$0x8190]  }
.Ltmp2:
0xfd: {  	[tilespmem:s31+$0x8130] =	vst v6;
	v16 =	vadd.f32 v7, v16;
	v7 =	vld [tilespmem:s31+$0x81A0];
	(pc) =	sbr.rel @p1 .LBB2_7-.Ltmp2, $4  }
0xfe: {  	[tilespmem:s31+$0x8140] =	vst v8;
	v11 =	vadd.f32 v11, v17;
	v6 =	vld [tilespmem:s31+$0x81B0]  }
0xff: {  	[tilespmem:s31+$0x8150] =	vst v16;
	v13 =	vadd.f32 v13, v12;
	v8 =	vld [tilespmem:s31+$0x81C0]  }
0x100: {  	[tilespmem:s31+$0x8160] =	vst v11;
	v12 =	vadd.f32 v14, v9;
	v9 =	vld [tilespmem:s31+$0x81D0]  }
0x101: {  	s0 =	sadd.s32 $0x400, s0;
	[tilespmem:s31+$0x8170] =	vst v13;
	v11 =	vadd.f32 v15, v10;
	v10 =	vld [tilespmem:s31+$0x81E0]  }
0x102: {  	[tilespmem:s31+$0x8180] =	vst v12;
	v5 =	vadd.f32 v5, v7;
	v7 =	vld [tilespmem:s31+$0x81F0]  }
0x103: {  	[tilespmem:s31+$0x8190] =	vst v11;
	v4 =	vadd.f32 v4, v6  }
0x104: {  	[tilespmem:s31+$0x81A0] =	vst v5;
	v3 =	vadd.f32 v3, v8  }
0x105: {  	s0 =	sor.u32 s6, s30;
	[tilespmem:s31+$0x81B0] =	vst v4;
	v2 =	vadd.f32 v2, v9  }
0x106: {  	s0 =	smul.u32 $0x6400, s0;
	[tilespmem:s31+$0x81C0] =	vst v3;
	v1 =	vadd.f32 v1, v10  }
0x107: {  	[tilespmem:s31+$0x81D0] =	vst v2;
	v0 =	vadd.f32 v0, v7  }
0x108: {  	s0 =	sshrl.u32 s0, $0x3;
	[tilespmem:s31+$0x81E0] =	vst v1  }
0x109: {  	s30 =	sadd.s32 s4, s0;
	s0 =	simm.s32 @!p0 $0x6;
	[tilespmem:s31+$0x81F0] =	vst v0  }
0x10a: {  	[hbm4b:s30+s5] =	stream.linear.scatter [tilespmem:s16], [sflag:$0x7], $0x3000, $0x38;
	[tilespmem:$0x14D00] =	vst v63  }
0x10b: {  	_ =	swait.ge @!p0 [sflag:s0], $0x3400  }
0x10c: {  	s2 =	simm.s32 @!p0 $0x68;
	[sflag:s0] =	ssyncset.done @!p0 $0x0  }
0x10d: {  	s3 =	simm.s32 @!p0 $0x4D00;
	[sflag:s0] =	ssyncadd.s32 @!p0 $0xFFFFCC00;
	s0 =	sadd.s32 @!p0 $0x1F0, s29  }
0x10e: {  	[tilespmem:s3], [sflag:$0x2] =	stream.indirect.gather @!p0 [hbm4b:s1+s2], $0x80, s0, s2, $0xb8;
	[tilespmem:$0x14D00] =	vst v63  }
0x10f: {  	_ =	swait.ge [sflag:s21], $0x3400  }
0x110: {  	[sflag:s21] =	ssyncset.done $0x0  }
0x111: {  	s2 =	simm.s32 $0x0;
	[sflag:s21] =	ssyncadd.s32 $0xFFFFCC00  }
0x112: {  	v6 =	vld [tilespmem:s2+$0x11900]  }
0x113: {  	v7 =	vld [tilespmem:s2+$0x11910]  }
0x114: {  	v8 =	vld [tilespmem:s2+$0x11920]  }
0x115: {  	v9 =	vld [tilespmem:s2+$0x11930]  }
0x116: {  	v10 =	vld [tilespmem:s2+$0x11940]  }
0x117: {  	v11 =	vld [tilespmem:s2+$0x11950]  }
0x118: {  	v12 =	vld [tilespmem:s2+$0x11960]  }
0x119: {  	v13 =	vld [tilespmem:s2+$0x11970]  }
0x11a: {  	v14 =	vld [tilespmem:s2+$0x11980]  }
0x11b: {  	v15 =	vld [tilespmem:s2+$0x11990]  }
0x11c: {  	v5 =	vld [tilespmem:s2+$0x119A0]  }
0x11d: {  	v4 =	vld [tilespmem:s2+$0x119B0]  }
0x11e: {  	v3 =	vld [tilespmem:s2+$0x119C0]  }
0x11f: {  	v2 =	vld [tilespmem:s2+$0x119D0]  }
0x120: {  	v1 =	vld [tilespmem:s2+$0x119E0]  }
0x121: {  	v0 =	vld [tilespmem:s2+$0x119F0]  }
0x122: {  	v16 =	vld [tilespmem:s2+$0xB500]  }
0x123: {  	v17 =	vld [tilespmem:s2+$0xB510]  }
0x124: {  	v18 =	vld [tilespmem:s2+$0xB520]  }
0x125: {  	v19 =	vld [tilespmem:s2+$0xB530]  }
0x126: {  	v20 =	vld [tilespmem:s2+$0xB540]  }
0x127: {  	v60 =	vld [tilespmem:s2+$0xB550];
	v6 =	vadd.f32 v6, v16  }
0x128: {  	v21 =	vld [tilespmem:s2+$0xB560];
	v7 =	vadd.f32 v7, v17  }
0x129: {  	v61 =	vld [tilespmem:s2+$0xB570];
	[tilespmem:s2+$0xB500] =	vst v6;
	v6 =	vadd.f32 v8, v18  }
0x12a: {  	v62 =	vld [tilespmem:s2+$0xB580];
	[tilespmem:s2+$0xB510] =	vst v7;
	v7 =	vadd.f32 v9, v19  }
0x12b: {  	v63 =	vld [tilespmem:s2+$0xB590];
	[tilespmem:s2+$0xB520] =	vst v6;
	v6 =	vadd.f32 v10, v20  }
0x12c: {  	v8 =	vadd.f32 v11, v60;
	[tilespmem:s2+$0xB530] =	vst v7;
	v7 =	vld [tilespmem:s2+$0xB5A0]  }
0x12d: {  	v9 =	vadd.f32 v12, v21;
	[tilespmem:s2+$0xB540] =	vst v6;
	v6 =	vld [tilespmem:s2+$0xB5B0]  }
0x12e: {  	[tilespmem:s2+$0xB550] =	vst v8;
	v8 =	vld [tilespmem:s2+$0xB5C0];
	v10 =	vadd.f32 v13, v61  }
0x12f: {  	v12 =	vadd.f32 v14, v62;
	[tilespmem:s2+$0xB560] =	vst v9;
	v9 =	vld [tilespmem:s2+$0xB5D0]  }
0x130: {  	s0 =	simm.s32 $0x400;
	v11 =	vadd.f32 v15, v63;
	[tilespmem:s2+$0xB570] =	vst v10;
	v10 =	vld [tilespmem:s2+$0xB5E0]  }
.LBB2_9:
0x131: {  	s3 =	sshra.s32 s0, $0x2;
	p0 =	sne.s32 s0, $0xCC00;
	[tilespmem:s2+$0xB580] =	vst v12;
	v5 =	vadd.f32 v5, v7;
	v7 =	vld [tilespmem:s2+$0xB5F0]  }
0x132: {  	v12 =	vld [tilespmem:s3+$0x11900];
	[tilespmem:s2+$0xB590] =	vst v11;
	v4 =	vadd.f32 v4, v6  }
0x133: {  	v6 =	vld [tilespmem:s3+$0x11910];
	[tilespmem:s2+$0xB5A0] =	vst v5;
	v3 =	vadd.f32 v3, v8  }
0x134: {  	v8 =	vld [tilespmem:s3+$0x11920];
	[tilespmem:s2+$0xB5B0] =	vst v4;
	v2 =	vadd.f32 v2, v9  }
0x135: {  	v9 =	vld [tilespmem:s3+$0x11930];
	[tilespmem:s2+$0xB5C0] =	vst v3;
	v1 =	vadd.f32 v1, v10  }
0x136: {  	v10 =	vld [tilespmem:s3+$0x11940];
	[tilespmem:s2+$0xB5D0] =	vst v2;
	v0 =	vadd.f32 v0, v7  }
0x137: {  	v7 =	vld [tilespmem:s3+$0x11950];
	[tilespmem:s2+$0xB5E0] =	vst v1  }
0x138: {  	v11 =	vld [tilespmem:s3+$0x11960];
	[tilespmem:s2+$0xB5F0] =	vst v0;
	s2 =	smov.u32 s3  }
0x139: {  	v13 =	vld [tilespmem:s2+$0x11970]  }
0x13a: {  	v14 =	vld [tilespmem:s2+$0x11980]  }
0x13b: {  	v15 =	vld [tilespmem:s2+$0x11990]  }
0x13c: {  	v5 =	vld [tilespmem:s2+$0x119A0]  }
0x13d: {  	v4 =	vld [tilespmem:s2+$0x119B0]  }
0x13e: {  	v3 =	vld [tilespmem:s2+$0x119C0]  }
0x13f: {  	v2 =	vld [tilespmem:s2+$0x119D0]  }
0x140: {  	v1 =	vld [tilespmem:s2+$0x119E0]  }
0x141: {  	v0 =	vld [tilespmem:s2+$0x119F0]  }
0x142: {  	v16 =	vld [tilespmem:s2+$0xB500]  }
0x143: {  	v17 =	vld [tilespmem:s2+$0xB510]  }
0x144: {  	v18 =	vld [tilespmem:s2+$0xB520]  }
0x145: {  	v19 =	vld [tilespmem:s2+$0xB530]  }
0x146: {  	v20 =	vld [tilespmem:s2+$0xB540]  }
0x147: {  	v12 =	vadd.f32 v12, v16;
	v16 =	vld [tilespmem:s2+$0xB550]  }
0x148: {  	v6 =	vadd.f32 v6, v17;
	v17 =	vld [tilespmem:s2+$0xB560]  }
0x149: {  	[tilespmem:s2+$0xB500] =	vst v12;
	v8 =	vadd.f32 v8, v18;
	v12 =	vld [tilespmem:s2+$0xB570]  }
0x14a: {  	[tilespmem:s2+$0xB510] =	vst v6;
	v6 =	vadd.f32 v9, v19;
	v9 =	vld [tilespmem:s2+$0xB580]  }
0x14b: {  	[tilespmem:s2+$0xB520] =	vst v8;
	v8 =	vadd.f32 v10, v20;
	v10 =	vld [tilespmem:s2+$0xB590]  }
.Ltmp3:
0x14c: {  	[tilespmem:s2+$0xB530] =	vst v6;
	v16 =	vadd.f32 v7, v16;
	v7 =	vld [tilespmem:s2+$0xB5A0];
	(pc) =	sbr.rel @p0 .LBB2_9-.Ltmp3, $4  }
0x14d: {  	[tilespmem:s2+$0xB540] =	vst v8;
	v11 =	vadd.f32 v11, v17;
	v6 =	vld [tilespmem:s2+$0xB5B0]  }
0x14e: {  	[tilespmem:s2+$0xB550] =	vst v16;
	v13 =	vadd.f32 v13, v12;
	v8 =	vld [tilespmem:s2+$0xB5C0]  }
0x14f: {  	[tilespmem:s2+$0xB560] =	vst v11;
	v12 =	vadd.f32 v14, v9;
	v9 =	vld [tilespmem:s2+$0xB5D0]  }
0x150: {  	s0 =	sadd.s32 $0x400, s0;
	[tilespmem:s2+$0xB570] =	vst v13;
	v11 =	vadd.f32 v15, v10;
	v10 =	vld [tilespmem:s2+$0xB5E0]  }
0x151: {  	[tilespmem:s2+$0xB580] =	vst v12;
	v5 =	vadd.f32 v5, v7;
	v63 =	vld [tilespmem:s2+$0xB5F0]  }
0x152: {  	[tilespmem:s2+$0xB590] =	vst v11;
	v4 =	vadd.f32 v4, v6  }
0x153: {  	s28 =	sadd.s32 $0x1, s28;
	[tilespmem:s2+$0xB5A0] =	vst v5;
	v3 =	vadd.f32 v3, v8  }
0x154: {  	p0 =	sne.s32 s28, $0x10;
	[tilespmem:s2+$0xB5B0] =	vst v4;
	v2 =	vadd.f32 v2, v9  }
.Ltmp4:
0x155: {  	[tilespmem:s2+$0xB5C0] =	vst v3;
	v1 =	vadd.f32 v1, v10;
	(pc) =	sbr.rel @p0 .LBB2_2-.Ltmp4, $4  }
0x156: {  	[tilespmem:s2+$0xB5D0] =	vst v2;
	v0 =	vadd.f32 v0, v63  }
0x157: {  	[tilespmem:s2+$0xB5E0] =	vst v1  }
0x158: {  	s0 =	sadd.s32 $0x600, s30;
	[tilespmem:s2+$0xB5F0] =	vst v0  }
0x159: {  	[hbm4b:s0+s5] =	stream.linear.scatter [tilespmem:s18], [sflag:$0x8], $0x3400, $0x38;
	[tilespmem:$0x14D00] =	vst v63  }
0x15a: {  	_ =	swait.ge [sflag:s22], $0x3000  }
0x15b: {  	[sflag:s22] =	ssyncset.done $0x0  }
0x15c: {  	[sflag:s22] =	ssyncadd.s32 $0xFFFFD000  }
0x15d: {  	_ =	swait.ge [sflag:s23], $0x3400  }
0x15e: {  	[sflag:s23] =	ssyncset.done $0x0  }
0x15f: {  	s26 =	sadd.s32 $0x1, s26;
	[sflag:s23] =	ssyncadd.s32 $0xFFFFCC00  }
0x160: {  	p0 =	sne.s32 s26, s8;
	_ =	swait.ge [sflag:s24], $0x3000  }
.Ltmp5:
0x161: {  	[sflag:s24] =	ssyncset.done $0x0;
	(pc) =	sbr.rel @p0 .LBB2_1-.Ltmp5, $4  }
0x162: {  	[sflag:s24] =	ssyncadd.s32 $0xFFFFD000  }
0x163: {  	_ =	swait.ge [sflag:s25], $0x3400  }
0x164: {  	[sflag:s25] =	ssyncset.done $0x0  }
0x165: {  	[sflag:s25] =	ssyncadd.s32 $0xFFFFCC00  }
0x166: {  	_ =	sfence.sel $0x180000  }
0x167: {  	[bflag:$0x0] =	sbarrier.arrive $0xFFFF  }
0x168: {  	_ =	strace $0x90000047  }
0x169: {  	s0 =	stileid.u32;
	[bflag:$0x2] =	sbarrier.arrive $0xFFFF  }
0x16a: {  	p0 =	sne.s32 s0, $0x0;
	s0 =	rddreg [dreg:$0x4]  }
0x16b: {  	s0 =	sadd.s32 @!p0 $0x100000, s0  }
0x16c: {  	[sflag:s0] =	ssyncadd.tile.s32 @!p0 $0x1;
	_ =	shalt  }
.Lfunc_end2:
_tile_overlayer_lowered:
.L_overlay_start_2:
0x16d: {  	(tag) =	ssettag $0x2  }
0x16e: {  	s0 =	rddreg [dreg:$0x0];
	s2 =	stileid.u32  }
0x16f: {  	s1 =	rddreg [dreg:$0x1];
	p0 =	sne.s32 s2, $0x0  }
0x170: {  	s3 =	rddreg [dreg:$0x2];
	[bflag:$0x3] =	sbarrier.arrive $0xFFFF;
	s2 =	simm.s32 @!p0 $0x1C0B  }
0x171: {  	[timem:s3], [sflag:s2] =	dma.local @!p0 [hbm:s0], s1  }
0x172: {  	s0 =	simm.s32 @!p0 $0xB  }
0x173: {  	_ =	swait.ge @!p0 [sflag:s0], s1  }
0x174: {  	s1 =	ssub.s32 @!p0 $0x0, s1;
	[sflag:s0] =	ssyncset.done @!p0 $0x0  }
0x175: {  	[sflag:s0] =	ssyncadd.s32 @!p0 s1  }
0x176: {  	[bflag:$0x3] =	sbarrier.arrive $0xFFFF  }
0x177: {  	_ =	shalt  }

</sc_bundles>
